<compile_context>
chip_gen: v7x
topology: tpu7x:2x2x1
jax: 0.10.2.dev20260603
libtpu: 0.0.44.dev20260713+nightly
codegen_flags: <defaults>
</compile_context>

<pallas_src>
import functools
import math

import jax
import jax.numpy as jnp
from jax import lax
from jax.experimental import pallas as pl
from jax.experimental.pallas import tpu as pltpu
from jax.experimental.pallas import tpu_sc as plsc

B, N, DIM, DH, H, M_D, FF, KN = 4, 512, 128, 64, 4, 16, 4, 32
BN = B * N
INNER = H * DH


def _stage_a_body(feats_ref, w_ref, cq_ref, ck_ref, q_ref, kv_ref, d2_ref):
    f = feats_ref[0]
    qkv = jnp.dot(f, w_ref[...], preferred_element_type=jnp.float32,
                  precision=lax.Precision.HIGHEST)
    q_ref[0] = qkv[:, :INNER]
    kv_ref[0] = qkv[:, INNER:]
    cq = cq_ref[0]
    ck = ck_ref[0]
    d0 = cq[:, 0:1] - ck[0:1, :]
    d1 = cq[:, 1:2] - ck[1:2, :]
    d2c = cq[:, 2:3] - ck[2:3, :]
    d2_ref[0] = d0 * d0 + d1 * d1 + d2c * d2c


def _stage_a(feats, W_qkv, coors_q, coors_kT):
    return pl.pallas_call(
        _stage_a_body,
        grid=(B,),
        in_specs=[
            pl.BlockSpec((1, N, DIM), lambda i: (i, 0, 0)),
            pl.BlockSpec((DIM, 3 * INNER), lambda i: (0, 0)),
            pl.BlockSpec((1, N, 16), lambda i: (i, 0, 0)),
            pl.BlockSpec((1, 16, N), lambda i: (i, 0, 0)),
        ],
        out_specs=[
            pl.BlockSpec((1, N, INNER), lambda i: (i, 0, 0)),
            pl.BlockSpec((1, N, 2 * INNER), lambda i: (i, 0, 0)),
            pl.BlockSpec((1, N, N), lambda i: (i, 0, 0)),
        ],
        out_shape=[
            jax.ShapeDtypeStruct((B, N, INNER), jnp.float32),
            jax.ShapeDtypeStruct((B, N, 2 * INNER), jnp.float32),
            jax.ShapeDtypeStruct((B, N, N), jnp.float32),
        ],
    )(feats, W_qkv, coors_q, coors_kT)


def _merge16(ak, av, bk, bv):
    rbk = lax.rev(bk, (0,))
    rbv = lax.rev(bv, (0,))
    m = ak <= rbk
    lok = jnp.where(m, ak, rbk)
    lov = jnp.where(m, av, rbv)
    hik = jnp.where(m, rbk, ak)
    hiv = jnp.where(m, rbv, av)
    lok, lov = plsc.sort_key_val(lok, lov)
    hik, hiv = plsc.sort_key_val(hik, hiv)
    return lok, lov, hik, hiv


def _sc_select_gather(d2, kv, coorsP):
    info = plsc.get_sparse_core_info()
    nw = info.num_cores * info.num_subcores
    q_per_w = BN // nw
    mesh = plsc.VectorSubcoreMesh(core_axis_name="c", subcore_axis_name="s")

    @functools.partial(
        pl.kernel, mesh=mesh,
        compiler_params=pltpu.CompilerParams(needs_layout_passes=False),
        out_type=[
            jax.ShapeDtypeStruct((BN * KN, 2 * INNER), jnp.float32),
            jax.ShapeDtypeStruct((BN * KN, 16), jnp.float32),
        ],
        scratch_types=[
            pltpu.VMEM((N,), jnp.float32),
            pltpu.VMEM((KN,), jnp.int32),
            pltpu.VMEM((KN, 2 * INNER), jnp.float32),
            pltpu.VMEM((KN, 16), jnp.float32),
            pltpu.VMEM((16, N), jnp.float32),
            pltpu.SemaphoreType.DMA,
        ],
    )
    def sc_kernel(d2_hbm, kv_hbm, ct_hbm, kvnb_hbm, cnb_hbm,
                  row_v, idx_v, kvrows_v, crows_v, ctab_v, sem):
        wid = lax.axis_index("s") * info.num_cores + lax.axis_index("c")
        base_q = wid * q_per_w
        pltpu.sync_copy(ct_hbm, ctab_v)
        lane16 = lax.iota(jnp.int32, 16)
        zero16 = jnp.zeros((16,), jnp.float32)
        for r in range(KN):
            crows_v[r] = zero16

        def one_query(qi, carry):
            qg = base_q + qi
            pltpu.sync_copy(d2_hbm.at[qg], row_v)
            lane = lane16

            def chunk(c):
                ck = row_v[pl.ds(c * 16, 16)]
                cv = lane + c * 16
                return plsc.sort_key_val(ck, cv)

            b0k, b0v = chunk(0)
            b1k, b1v = chunk(1)
            b0k, b0v, b1k, b1v = _merge16(b0k, b0v, b1k, b1v)

            for c in range(2, N // 16):
                ck, cv = chunk(c)
                rck = lax.rev(ck, (0,))
                rcv = lax.rev(cv, (0,))
                m = b1k <= rck
                lok = jnp.where(m, b1k, rck)
                lov = jnp.where(m, b1v, rcv)
                lok, lov = plsc.sort_key_val(lok, lov)
                b0k, b0v, b1k, b1v = _merge16(b0k, b0v, lok, lov)

            b = qg // N
            batch_base = b * N
            idx_v[pl.ds(0, 16)] = b0v + batch_base
            idx_v[pl.ds(16, 16)] = b1v + batch_base
            cp1 = pltpu.async_copy(kv_hbm.at[idx_v], kvrows_v, sem)
            for half, loc in ((0, b0v), (1, b1v)):
                rows = lane + half * 16
                for c in range(3):
                    g = plsc.load_gather(ctab_v, [lane * 0 + (b * 3 + c), loc])
                    plsc.store_scatter(crows_v, [rows, lane * 0 + c], g)
            cp1.wait()
            pltpu.sync_copy(kvrows_v, kvnb_hbm.at[pl.ds(qg * KN, KN)])
            pltpu.sync_copy(crows_v, cnb_hbm.at[pl.ds(qg * KN, KN)])
            return carry

        lax.fori_loop(0, q_per_w, one_query, 0)

    return sc_kernel(d2, kv, coorsP)


TQ = 64
TE = TQ * KN


def _rep_q(x, cols):
    return jnp.broadcast_to(x[:, None, :], (TQ, KN, cols)).reshape(TE, cols)


def _stage_c_body(q_ref, kvnb_ref, cnb_ref, cq_ref, sv_ref, pv_ref,
                  wp1_ref, bp1_ref, wp2_ref, bp2_ref,
                  w1a_ref, w1b_ref, be1_ref, we2_ref, be2_ref,
                  wac_ref, bac_ref, wac2_ref, bac2_ref,
                  wout_ref, bout_ref, wco_ref,
                  out_ref, cout_ref):
    hp = lax.Precision.HIGHEST
    dot = functools.partial(jnp.dot, preferred_element_type=jnp.float32,
                            precision=hp)
    cq = _rep_q(cq_ref[...], 16)
    relc = cq - cnb_ref[...]
    d2nb = (relc[:, 0:1] * relc[:, 0:1] + relc[:, 1:2] * relc[:, 1:2]
            + relc[:, 2:3] * relc[:, 2:3])
    dist = jnp.sqrt(jnp.maximum(d2nb, 1e-12))
    ang = dist * sv_ref[...] + pv_ref[...]
    rd = jnp.sin(ang)
    lanes = lax.broadcasted_iota(jnp.int32, (1, 16), 1)
    rd = jnp.where(lanes == 8, dist, rd)
    pos = dot(jax.nn.relu(dot(rd, wp1_ref[...]) + bp1_ref[...]),
              wp2_ref[...]) + bp2_ref[...]
    hpos = dot(pos, w1b_ref[...]) + be1_ref[...]

    outs = []
    cwc = jnp.zeros((TE, 1), jnp.float32)
    for h in range(H):
        qh = _rep_q(q_ref[:, h * DH:(h + 1) * DH], DH)
        kh = kvnb_ref[:, h * DH:(h + 1) * DH]
        vh = kvnb_ref[:, INNER + h * DH:INNER + (h + 1) * DH] + pos
        qk = qh * kh
        h1 = jax.nn.relu(dot(qk, w1a_ref[...]) + hpos)
        m_ij = jax.nn.relu(dot(h1, we2_ref[...]) + be2_ref[...])
        hh = jax.nn.relu(dot(m_ij, wac_ref[...]) + bac_ref[...])
        sc = dot(hh, wac2_ref[...]) + bac2_ref[...]
        sim = sc[:, 0:1]
        cw = sc[:, 1:2]
        e = jnp.exp(sim)
        denom = jnp.sum(e.reshape(TQ, KN, 1), axis=1, keepdims=True)
        attn = (e.reshape(TQ, KN, 1) / denom).reshape(TE, 1)
        outs.append(jnp.sum((attn * vh).reshape(TQ, KN, DH), axis=1))
        cwc = cwc + cw * wco_ref[0:1, h:h + 1]
    cr = jnp.sum((cwc * relc).reshape(TQ, KN, 16), axis=1)
    cout_ref[...] = cr
    o = jnp.concatenate(outs, axis=1)
    out_ref[...] = dot(o, wout_ref[...]) + bout_ref[...]


def _stage_c(q, kv_nb, c_nb, coorsP, consts):
    (sv, pv, Wp1p, bp1, Wp2, bp2, W1a, W1b, be1, We2, be2,
     Wac, bac, Wac2, bac2, W_out, b_out, WcoP) = consts
    n_tiles = BN // TQ
    wspec = lambda shape: pl.BlockSpec(shape, lambda i: tuple(0 for _ in shape))
    return pl.pallas_call(
        _stage_c_body,
        grid=(n_tiles,),
        in_specs=[
            pl.BlockSpec((TQ, INNER), lambda i: (i, 0)),
            pl.BlockSpec((TE, 2 * INNER), lambda i: (i, 0)),
            pl.BlockSpec((TE, 16), lambda i: (i, 0)),
            pl.BlockSpec((TQ, 16), lambda i: (i, 0)),
            wspec((1, 16)), wspec((1, 16)),
            wspec((16, 2 * DH)), wspec((1, 2 * DH)),
            wspec((2 * DH, DH)), wspec((1, DH)),
            wspec((DH, 4 * DH)), wspec((DH, 4 * DH)), wspec((1, 4 * DH)),
            wspec((4 * DH, M_D)), wspec((1, M_D)),
            wspec((M_D, 8 * M_D)), wspec((1, 8 * M_D)),
            wspec((8 * M_D, 8)), wspec((1, 8)),
            wspec((INNER, DIM)), wspec((1, DIM)),
            wspec((1, 8)),
        ],
        out_specs=[
            pl.BlockSpec((TQ, DIM), lambda i: (i, 0)),
            pl.BlockSpec((TQ, 16), lambda i: (i, 0)),
        ],
        out_shape=[
            jax.ShapeDtypeStruct((BN, DIM), jnp.float32),
            jax.ShapeDtypeStruct((BN, 16), jnp.float32),
        ],
    )(q, kv_nb, c_nb, coorsP, sv, pv, Wp1p, bp1, Wp2, bp2, W1a, W1b, be1,
      We2, be2, Wac, bac, Wac2, bac2, W_out, b_out, WcoP)



def _prep_consts(Wp1, bp1, Wp2, bp2, We1, be1, We2, be2,
                 Wa1, ba1, Wa2, ba2, Wc1, bc1, Wc2, bc2, Wco, W_out, b_out):
    f32 = jnp.float32
    scales = 2.0 ** jnp.arange(FF, dtype=f32)
    sv = jnp.zeros((1, 16), f32)
    sv = sv.at[0, :FF].set(1.0 / scales).at[0, FF:2 * FF].set(1.0 / scales)
    pv = jnp.zeros((1, 16), f32).at[0, FF:2 * FF].set(0.5 * math.pi)
    Wp1p = jnp.zeros((16, 2 * DH), f32).at[: FF * 2 + 1].set(Wp1)
    W1a, W1b = We1[:DH], We1[DH:]
    Wac = jnp.concatenate([Wa1, Wc1], axis=1)
    bac = jnp.concatenate([ba1, bc1], axis=0)[None]
    Wac2 = jnp.zeros((8 * M_D, 8), f32)
    Wac2 = Wac2.at[:4 * M_D, 0:1].set(Wa2).at[4 * M_D:, 1:2].set(Wc2)
    bac2 = jnp.zeros((1, 8), f32).at[0, 0].set(ba2[0]).at[0, 1].set(bc2[0])
    WcoP = jnp.zeros((1, 8), f32).at[0, :H].set(Wco[:, 0])
    return (sv, pv, Wp1p, bp1[None], Wp2, bp2[None], W1a, W1b, be1[None],
            We2, be2[None], Wac, bac, Wac2, bac2, W_out, b_out[None], WcoP)


def kernel(feats, coors, W_qkv, W_out, b_out, Wp1, bp1, Wp2, bp2,
           We1, be1, We2, be2, Wa1, ba1, Wa2, ba2, Wc1, bc1, Wc2, bc2, Wco):
    coorsP = jnp.pad(coors, ((0, 0), (0, 0), (0, 13)))
    coors_kT = jnp.swapaxes(coorsP, 1, 2)
    q, kv, d2 = _stage_a(feats, W_qkv, coorsP, coors_kT)
    ctab = jnp.pad(jnp.swapaxes(coors, 1, 2).reshape(3 * B, N),
                   ((0, 16 - 3 * B), (0, 0)))
    kv_nb, c_nb = _sc_select_gather(
        d2.reshape(BN, N), kv.reshape(BN, 2 * INNER), ctab)
    consts = _prep_consts(Wp1, bp1, Wp2, bp2, We1, be1, We2, be2,
                          Wa1, ba1, Wa2, ba2, Wc1, bc1, Wc2, bc2, Wco,
                          W_out, b_out)
    out, cout = _stage_c(q.reshape(BN, INNER), kv_nb, c_nb,
                         coorsP.reshape(BN, 16), consts)
    return out.reshape(B, N, DIM), cout[:, :3].reshape(B, N, 3)

# --- scband reference (transcript-rebuilt; emitter-appended) ---
"""Pipeline reference for scband-equivariant-attention-13958643712328 (READ-ONLY COPY).

The authoritative reference and input builder live on the scoring server;
editing this copy changes nothing except your own understanding.
"""

import jax, jax.numpy as jnp
import numpy as np

B = 4; N = 512; DIM = 128; DIM_HEAD = 64; HEADS = 4; M_DIM = 16; FF = 4; NUM_NN = 32


def _lin(key, fi, fo, std=1e-3, bias=True):
    W = jax.random.normal(key, (fi, fo), jnp.float32) * std
    b = jnp.zeros((fo,), jnp.float32) if bias else None
    return W, b


def setup_inputs(seed: int = 0):
    key = jax.random.key(seed)
    ks = jax.random.split(key, 14)
    inner = HEADS * DIM_HEAD
    pos_dim = FF * 2 + 1
    ei = DIM_HEAD * 2
    feats = jax.random.normal(ks[0], (B, N, DIM), jnp.float32)
    coors = jax.random.normal(ks[1], (B, N, 3), jnp.float32) * 10.0
    W_qkv, _ = _lin(ks[2], DIM, inner * 3, bias=False)
    W_out, b_out = _lin(ks[3], inner, DIM)
    Wp1, bp1 = _lin(ks[4], pos_dim, DIM_HEAD * 2)
    Wp2, bp2 = _lin(ks[5], DIM_HEAD * 2, DIM_HEAD)
    We1, be1 = _lin(ks[6], ei, ei * 2)
    We2, be2 = _lin(ks[7], ei * 2, M_DIM)
    Wa1, ba1 = _lin(ks[8], M_DIM, M_DIM * 4)
    Wa2, ba2 = _lin(ks[9], M_DIM * 4, 1)
    Wc1, bc1 = _lin(ks[10], M_DIM, M_DIM * 4)
    Wc2, bc2 = _lin(ks[11], M_DIM * 4, 1)
    Wco, _ = _lin(ks[12], HEADS, 1, bias=False)
    return {"feats": feats, "coors": coors, "W_qkv": W_qkv, "W_out": W_out, "b_out": b_out,
            "Wp1": Wp1, "bp1": bp1, "Wp2": Wp2, "bp2": bp2,
            "We1": We1, "be1": be1, "We2": We2, "be2": be2,
            "Wa1": Wa1, "ba1": ba1, "Wa2": Wa2, "ba2": ba2,
            "Wc1": Wc1, "bc1": bc1, "Wc2": Wc2, "bc2": bc2, "Wco": Wco}


def _fourier(x, num_enc):
    x = x[..., None]
    scales = 2.0 ** jnp.arange(num_enc, dtype=x.dtype)
    xs = x / scales
    return jnp.concatenate([jnp.sin(xs), jnp.cos(xs), x], axis=-1)


def _forward(feats, coors, W_qkv, W_out, b_out, Wp1, bp1, Wp2, bp2, We1, be1, We2, be2, Wa1, ba1, Wa2, ba2, Wc1, bc1, Wc2, bc2, Wco):
    b, n, _ = feats.shape
    h, dh, kn = HEADS, DIM_HEAD, NUM_NN
    rel_coors = coors[:, :, None, :] - coors[:, None, :, :]          # b n n 3
    rel_dist = jnp.sqrt(jnp.clip(jnp.sum(rel_coors ** 2, axis=-1), 1e-12))  # b n n (safe sqrt for diag zeros)
    # num_nn > 0: take k smallest distances (includes self)
    _, nbhd_indices = jax.lax.top_k(-rel_dist, kn)                   # b n kn
    rel_coors_nb = jnp.take_along_axis(rel_coors, nbhd_indices[..., None], axis=2)  # b n kn 3
    rd = _fourier(rel_dist, FF)                                      # b n n (2*FF+1)
    rd_nb = jnp.take_along_axis(rd, nbhd_indices[..., None], axis=2) # b n kn 9
    qkv = feats @ W_qkv
    q, k, v = jnp.split(qkv, 3, axis=-1)
    q = q.reshape(b, n, h, dh).transpose(0, 2, 1, 3)
    k = k.reshape(b, n, h, dh).transpose(0, 2, 1, 3)
    v = v.reshape(b, n, h, dh).transpose(0, 2, 1, 3)
    idx_h = jnp.broadcast_to(nbhd_indices[:, None, :, :], (b, h, n, kn))
    k_nb = jnp.take_along_axis(k[:, :, None, :, :], idx_h[..., None], axis=3)  # b h n kn dh
    v_nb = jnp.take_along_axis(v[:, :, None, :, :], idx_h[..., None], axis=3)  # b h n kn dh
    pos = jax.nn.relu(rd_nb @ Wp1 + bp1) @ Wp2 + bp2                 # b n kn dh
    pos = pos[:, None, :, :, :]                                      # broadcast over heads (same per head, as in torch repeat)
    v_nb = v_nb + pos
    qk = q[:, :, :, None, :] * k_nb                                  # b h n kn dh
    edge_input = jnp.concatenate([qk, jnp.broadcast_to(pos, qk.shape)], axis=-1)  # b h n kn 2*dh
    m_ij = jax.nn.relu(jax.nn.relu(edge_input @ We1 + be1) @ We2 + be2)           # b h n kn m
    coor_weights = (jax.nn.relu(m_ij @ Wc1 + bc1) @ Wc2 + bc2)[..., 0]            # b h n kn
    coors_out = jnp.einsum('bhij,bijc->bich', coor_weights, rel_coors_nb)         # b n 3 h
    coors_out = (coors_out @ Wco)[..., 0]                                         # b n 3
    sim = (jax.nn.relu(m_ij @ Wa1 + ba1) @ Wa2 + ba2)[..., 0]                     # b h n kn
    attn = jax.nn.softmax(sim, axis=-1)
    out = jnp.einsum('bhij,bhijd->bhid', attn, v_nb)                              # b h n dh
    out = out.transpose(0, 2, 1, 3).reshape(b, n, h * dh)
    out = out @ W_out + b_out
    return out, coors_out


def reference(feats, coors, W_qkv, W_out, b_out, Wp1, bp1, Wp2, bp2, We1, be1, We2, be2, Wa1, ba1, Wa2, ba2, Wc1, bc1, Wc2, bc2, Wco):
    return _forward(feats, coors, W_qkv, W_out, b_out, Wp1, bp1, Wp2, bp2, We1, be1, We2, be2, Wa1, ba1, Wa2, ba2, Wc1, bc1, Wc2, bc2, Wco)

if __name__ == "__main__":
    import jax
    _d = setup_inputs()
    print(jax.jit(kernel)(*tuple(_d.values())))

</pallas_src>

<mosaic_0001>
#map = affine_map<(d0, d1) -> (0, 0)>
module attributes {stable_mosaic.version = 14 : i64} {
  func.func @sc_kernel(%arg0: i32, %arg1: i32, %arg2: memref<2048x512xf32, #tpu.memory_space<hbm>>, %arg3: memref<2048x512xf32, #tpu.memory_space<hbm>>, %arg4: memref<16x512xf32, #tpu.memory_space<hbm>>, %arg5: memref<65536x512xf32, #tpu.memory_space<hbm>>, %arg6: memref<65536x16xf32, #tpu.memory_space<hbm>>, %arg7: memref<512xf32, #tpu.memory_space<vmem>>, %arg8: memref<32xi32, #tpu.memory_space<vmem>>, %arg9: memref<32x512xf32, #tpu.memory_space<vmem>>, %arg10: memref<32x16xf32, #tpu.memory_space<vmem>>, %arg11: memref<16x512xf32, #tpu.memory_space<vmem>>, %arg12: memref<!tpu.dma_semaphore, #tpu.memory_space<semaphore_mem>>) attributes {dimension_semantics = [#tpu.dimension_semantics<core_parallel>, #tpu.dimension_semantics<subcore_parallel>], iteration_bounds = array<i64: 2, 16>, scalar_prefetch = 0 : i64, scratch_operands = 6 : i64, tpu.core_type = #tpu.core_type<sc_vector_subcore>, window_params = [{transform_indices = #map}, {transform_indices = #map}, {transform_indices = #map}, {transform_indices = #map}, {transform_indices = #map}]} {
    %mul3A = arith.constant 2 : i32
    %mul3A_0 = arith.muli %arg1, %mul3A : i32
    %add3A = arith.addi %mul3A_0, %arg0 : i32
    %mul3A_1 = arith.constant 64 : i32
    %mul3A_2 = arith.muli %add3A, %mul3A_1 : i32
    "tpu.region"() ({
      %run_scoped3A = tpu.sem_alloc : memref<!tpu.dma_semaphore, #tpu.memory_space<semaphore_mem>>
      tpu.enqueue_dma source(%arg4 : memref<16x512xf32, #tpu.memory_space<hbm>>) target(%arg11 : memref<16x512xf32, #tpu.memory_space<vmem>>) target_semaphore(%run_scoped3A : memref<!tpu.dma_semaphore, #tpu.memory_space<semaphore_mem>>)
      tpu.wait_dma2 semaphore(%run_scoped3A : memref<!tpu.dma_semaphore, #tpu.memory_space<semaphore_mem>>) src(%arg4 : memref<16x512xf32, #tpu.memory_space<hbm>>) dst(%arg11 : memref<16x512xf32, #tpu.memory_space<vmem>>)
      tpu.yield
    }) : () -> ()
    %iota3A = tpu.iota {dimensions = array<i32: 0>} : vector<16xi32>
    %broadcast_in_dim3A = arith.constant 0.000000e+00 : f32
    %broadcast_in_dim3A_3 = vector.broadcast %broadcast_in_dim3A : f32 to vector<16xf32>
    %swap3A = arith.constant 0 : i32
    %swap3A_4 = arith.index_cast %swap3A : i32 to index
    %swap3A_5 = arith.constant 0 : index
    %swap3A_6 = tpu.vector_load %arg10[%swap3A_4, %swap3A_5] {strides = array<i32>} : memref<32x16xf32, #tpu.memory_space<vmem>>, vector<16xf32>,
    tpu.vector_store %arg10[%swap3A_4, %swap3A_5], %broadcast_in_dim3A_3 {strides = array<i32>} : memref<32x16xf32, #tpu.memory_space<vmem>>, vector<16xf32>,
    %swap3A_7 = arith.constant 1 : i32
    %swap3A_8 = arith.index_cast %swap3A_7 : i32 to index
    %swap3A_9 = arith.constant 0 : index
    %swap3A_10 = tpu.vector_load %arg10[%swap3A_8, %swap3A_9] {strides = array<i32>} : memref<32x16xf32, #tpu.memory_space<vmem>>, vector<16xf32>,
    tpu.vector_store %arg10[%swap3A_8, %swap3A_9], %broadcast_in_dim3A_3 {strides = array<i32>} : memref<32x16xf32, #tpu.memory_space<vmem>>, vector<16xf32>,
    %swap3A_11 = arith.constant 2 : i32
    %swap3A_12 = arith.index_cast %swap3A_11 : i32 to index
    %swap3A_13 = arith.constant 0 : index
    %swap3A_14 = tpu.vector_load %arg10[%swap3A_12, %swap3A_13] {strides = array<i32>} : memref<32x16xf32, #tpu.memory_space<vmem>>, vector<16xf32>,
    tpu.vector_store %arg10[%swap3A_12, %swap3A_13], %broadcast_in_dim3A_3 {strides = array<i32>} : memref<32x16xf32, #tpu.memory_space<vmem>>, vector<16xf32>,
    %swap3A_15 = arith.constant 3 : i32
    %swap3A_16 = arith.index_cast %swap3A_15 : i32 to index
    %swap3A_17 = arith.constant 0 : index
    %swap3A_18 = tpu.vector_load %arg10[%swap3A_16, %swap3A_17] {strides = array<i32>} : memref<32x16xf32, #tpu.memory_space<vmem>>, vector<16xf32>,
    tpu.vector_store %arg10[%swap3A_16, %swap3A_17], %broadcast_in_dim3A_3 {strides = array<i32>} : memref<32x16xf32, #tpu.memory_space<vmem>>, vector<16xf32>,
    %swap3A_19 = arith.constant 4 : i32
    %swap3A_20 = arith.index_cast %swap3A_19 : i32 to index
    %swap3A_21 = arith.constant 0 : index
    %swap3A_22 = tpu.vector_load %arg10[%swap3A_20, %swap3A_21] {strides = array<i32>} : memref<32x16xf32, #tpu.memory_space<vmem>>, vector<16xf32>,
    tpu.vector_store %arg10[%swap3A_20, %swap3A_21], %broadcast_in_dim3A_3 {strides = array<i32>} : memref<32x16xf32, #tpu.memory_space<vmem>>, vector<16xf32>,
    %swap3A_23 = arith.constant 5 : i32
    %swap3A_24 = arith.index_cast %swap3A_23 : i32 to index
    %swap3A_25 = arith.constant 0 : index
    %swap3A_26 = tpu.vector_load %arg10[%swap3A_24, %swap3A_25] {strides = array<i32>} : memref<32x16xf32, #tpu.memory_space<vmem>>, vector<16xf32>,
    tpu.vector_store %arg10[%swap3A_24, %swap3A_25], %broadcast_in_dim3A_3 {strides = array<i32>} : memref<32x16xf32, #tpu.memory_space<vmem>>, vector<16xf32>,
    %swap3A_27 = arith.constant 6 : i32
    %swap3A_28 = arith.index_cast %swap3A_27 : i32 to index
    %swap3A_29 = arith.constant 0 : index
    %swap3A_30 = tpu.vector_load %arg10[%swap3A_28, %swap3A_29] {strides = array<i32>} : memref<32x16xf32, #tpu.memory_space<vmem>>, vector<16xf32>,
    tpu.vector_store %arg10[%swap3A_28, %swap3A_29], %broadcast_in_dim3A_3 {strides = array<i32>} : memref<32x16xf32, #tpu.memory_space<vmem>>, vector<16xf32>,
    %swap3A_31 = arith.constant 7 : i32
    %swap3A_32 = arith.index_cast %swap3A_31 : i32 to index
    %swap3A_33 = arith.constant 0 : index
    %swap3A_34 = tpu.vector_load %arg10[%swap3A_32, %swap3A_33] {strides = array<i32>} : memref<32x16xf32, #tpu.memory_space<vmem>>, vector<16xf32>,
    tpu.vector_store %arg10[%swap3A_32, %swap3A_33], %broadcast_in_dim3A_3 {strides = array<i32>} : memref<32x16xf32, #tpu.memory_space<vmem>>, vector<16xf32>,
    %swap3A_35 = arith.constant 8 : i32
    %swap3A_36 = arith.index_cast %swap3A_35 : i32 to index
    %swap3A_37 = arith.constant 0 : index
    %swap3A_38 = tpu.vector_load %arg10[%swap3A_36, %swap3A_37] {strides = array<i32>} : memref<32x16xf32, #tpu.memory_space<vmem>>, vector<16xf32>,
    tpu.vector_store %arg10[%swap3A_36, %swap3A_37], %broadcast_in_dim3A_3 {strides = array<i32>} : memref<32x16xf32, #tpu.memory_space<vmem>>, vector<16xf32>,
    %swap3A_39 = arith.constant 9 : i32
    %swap3A_40 = arith.index_cast %swap3A_39 : i32 to index
    %swap3A_41 = arith.constant 0 : index
    %swap3A_42 = tpu.vector_load %arg10[%swap3A_40, %swap3A_41] {strides = array<i32>} : memref<32x16xf32, #tpu.memory_space<vmem>>, vector<16xf32>,
    tpu.vector_store %arg10[%swap3A_40, %swap3A_41], %broadcast_in_dim3A_3 {strides = array<i32>} : memref<32x16xf32, #tpu.memory_space<vmem>>, vector<16xf32>,
    %swap3A_43 = arith.constant 10 : i32
    %swap3A_44 = arith.index_cast %swap3A_43 : i32 to index
    %swap3A_45 = arith.constant 0 : index
    %swap3A_46 = tpu.vector_load %arg10[%swap3A_44, %swap3A_45] {strides = array<i32>} : memref<32x16xf32, #tpu.memory_space<vmem>>, vector<16xf32>,
    tpu.vector_store %arg10[%swap3A_44, %swap3A_45], %broadcast_in_dim3A_3 {strides = array<i32>} : memref<32x16xf32, #tpu.memory_space<vmem>>, vector<16xf32>,
    %swap3A_47 = arith.constant 11 : i32
    %swap3A_48 = arith.index_cast %swap3A_47 : i32 to index
    %swap3A_49 = arith.constant 0 : index
    %swap3A_50 = tpu.vector_load %arg10[%swap3A_48, %swap3A_49] {strides = array<i32>} : memref<32x16xf32, #tpu.memory_space<vmem>>, vector<16xf32>,
    tpu.vector_store %arg10[%swap3A_48, %swap3A_49], %broadcast_in_dim3A_3 {strides = array<i32>} : memref<32x16xf32, #tpu.memory_space<vmem>>, vector<16xf32>,
    %swap3A_51 = arith.constant 12 : i32
    %swap3A_52 = arith.index_cast %swap3A_51 : i32 to index
    %swap3A_53 = arith.constant 0 : index
    %swap3A_54 = tpu.vector_load %arg10[%swap3A_52, %swap3A_53] {strides = array<i32>} : memref<32x16xf32, #tpu.memory_space<vmem>>, vector<16xf32>,
    tpu.vector_store %arg10[%swap3A_52, %swap3A_53], %broadcast_in_dim3A_3 {strides = array<i32>} : memref<32x16xf32, #tpu.memory_space<vmem>>, vector<16xf32>,
    %swap3A_55 = arith.constant 13 : i32
    %swap3A_56 = arith.index_cast %swap3A_55 : i32 to index
    %swap3A_57 = arith.constant 0 : index
    %swap3A_58 = tpu.vector_load %arg10[%swap3A_56, %swap3A_57] {strides = array<i32>} : memref<32x16xf32, #tpu.memory_space<vmem>>, vector<16xf32>,
    tpu.vector_store %arg10[%swap3A_56, %swap3A_57], %broadcast_in_dim3A_3 {strides = array<i32>} : memref<32x16xf32, #tpu.memory_space<vmem>>, vector<16xf32>,
    %swap3A_59 = arith.constant 14 : i32
    %swap3A_60 = arith.index_cast %swap3A_59 : i32 to index
    %swap3A_61 = arith.constant 0 : index
    %swap3A_62 = tpu.vector_load %arg10[%swap3A_60, %swap3A_61] {strides = array<i32>} : memref<32x16xf32, #tpu.memory_space<vmem>>, vector<16xf32>,
    tpu.vector_store %arg10[%swap3A_60, %swap3A_61], %broadcast_in_dim3A_3 {strides = array<i32>} : memref<32x16xf32, #tpu.memory_space<vmem>>, vector<16xf32>,
    %swap3A_63 = arith.constant 15 : i32
    %swap3A_64 = arith.index_cast %swap3A_63 : i32 to index
    %swap3A_65 = arith.constant 0 : index
    %swap3A_66 = tpu.vector_load %arg10[%swap3A_64, %swap3A_65] {strides = array<i32>} : memref<32x16xf32, #tpu.memory_space<vmem>>, vector<16xf32>,
    tpu.vector_store %arg10[%swap3A_64, %swap3A_65], %broadcast_in_dim3A_3 {strides = array<i32>} : memref<32x16xf32, #tpu.memory_space<vmem>>, vector<16xf32>,
    %swap3A_67 = arith.constant 16 : i32
    %swap3A_68 = arith.index_cast %swap3A_67 : i32 to index
    %swap3A_69 = arith.constant 0 : index
    %swap3A_70 = tpu.vector_load %arg10[%swap3A_68, %swap3A_69] {strides = array<i32>} : memref<32x16xf32, #tpu.memory_space<vmem>>, vector<16xf32>,
    tpu.vector_store %arg10[%swap3A_68, %swap3A_69], %broadcast_in_dim3A_3 {strides = array<i32>} : memref<32x16xf32, #tpu.memory_space<vmem>>, vector<16xf32>,
    %swap3A_71 = arith.constant 17 : i32
    %swap3A_72 = arith.index_cast %swap3A_71 : i32 to index
    %swap3A_73 = arith.constant 0 : index
    %swap3A_74 = tpu.vector_load %arg10[%swap3A_72, %swap3A_73] {strides = array<i32>} : memref<32x16xf32, #tpu.memory_space<vmem>>, vector<16xf32>,
    tpu.vector_store %arg10[%swap3A_72, %swap3A_73], %broadcast_in_dim3A_3 {strides = array<i32>} : memref<32x16xf32, #tpu.memory_space<vmem>>, vector<16xf32>,
    %swap3A_75 = arith.constant 18 : i32
    %swap3A_76 = arith.index_cast %swap3A_75 : i32 to index
    %swap3A_77 = arith.constant 0 : index
    %swap3A_78 = tpu.vector_load %arg10[%swap3A_76, %swap3A_77] {strides = array<i32>} : memref<32x16xf32, #tpu.memory_space<vmem>>, vector<16xf32>,
    tpu.vector_store %arg10[%swap3A_76, %swap3A_77], %broadcast_in_dim3A_3 {strides = array<i32>} : memref<32x16xf32, #tpu.memory_space<vmem>>, vector<16xf32>,
    %swap3A_79 = arith.constant 19 : i32
    %swap3A_80 = arith.index_cast %swap3A_79 : i32 to index
    %swap3A_81 = arith.constant 0 : index
    %swap3A_82 = tpu.vector_load %arg10[%swap3A_80, %swap3A_81] {strides = array<i32>} : memref<32x16xf32, #tpu.memory_space<vmem>>, vector<16xf32>,
    tpu.vector_store %arg10[%swap3A_80, %swap3A_81], %broadcast_in_dim3A_3 {strides = array<i32>} : memref<32x16xf32, #tpu.memory_space<vmem>>, vector<16xf32>,
    %swap3A_83 = arith.constant 20 : i32
    %swap3A_84 = arith.index_cast %swap3A_83 : i32 to index
    %swap3A_85 = arith.constant 0 : index
    %swap3A_86 = tpu.vector_load %arg10[%swap3A_84, %swap3A_85] {strides = array<i32>} : memref<32x16xf32, #tpu.memory_space<vmem>>, vector<16xf32>,
    tpu.vector_store %arg10[%swap3A_84, %swap3A_85], %broadcast_in_dim3A_3 {strides = array<i32>} : memref<32x16xf32, #tpu.memory_space<vmem>>, vector<16xf32>,
    %swap3A_87 = arith.constant 21 : i32
    %swap3A_88 = arith.index_cast %swap3A_87 : i32 to index
    %swap3A_89 = arith.constant 0 : index
    %swap3A_90 = tpu.vector_load %arg10[%swap3A_88, %swap3A_89] {strides = array<i32>} : memref<32x16xf32, #tpu.memory_space<vmem>>, vector<16xf32>,
    tpu.vector_store %arg10[%swap3A_88, %swap3A_89], %broadcast_in_dim3A_3 {strides = array<i32>} : memref<32x16xf32, #tpu.memory_space<vmem>>, vector<16xf32>,
    %swap3A_91 = arith.constant 22 : i32
    %swap3A_92 = arith.index_cast %swap3A_91 : i32 to index
    %swap3A_93 = arith.constant 0 : index
    %swap3A_94 = tpu.vector_load %arg10[%swap3A_92, %swap3A_93] {strides = array<i32>} : memref<32x16xf32, #tpu.memory_space<vmem>>, vector<16xf32>,
    tpu.vector_store %arg10[%swap3A_92, %swap3A_93], %broadcast_in_dim3A_3 {strides = array<i32>} : memref<32x16xf32, #tpu.memory_space<vmem>>, vector<16xf32>,
    %swap3A_95 = arith.constant 23 : i32
    %swap3A_96 = arith.index_cast %swap3A_95 : i32 to index
    %swap3A_97 = arith.constant 0 : index
    %swap3A_98 = tpu.vector_load %arg10[%swap3A_96, %swap3A_97] {strides = array<i32>} : memref<32x16xf32, #tpu.memory_space<vmem>>, vector<16xf32>,
    tpu.vector_store %arg10[%swap3A_96, %swap3A_97], %broadcast_in_dim3A_3 {strides = array<i32>} : memref<32x16xf32, #tpu.memory_space<vmem>>, vector<16xf32>,
    %swap3A_99 = arith.constant 24 : i32
    %swap3A_100 = arith.index_cast %swap3A_99 : i32 to index
    %swap3A_101 = arith.constant 0 : index
    %swap3A_102 = tpu.vector_load %arg10[%swap3A_100, %swap3A_101] {strides = array<i32>} : memref<32x16xf32, #tpu.memory_space<vmem>>, vector<16xf32>,
    tpu.vector_store %arg10[%swap3A_100, %swap3A_101], %broadcast_in_dim3A_3 {strides = array<i32>} : memref<32x16xf32, #tpu.memory_space<vmem>>, vector<16xf32>,
    %swap3A_103 = arith.constant 25 : i32
    %swap3A_104 = arith.index_cast %swap3A_103 : i32 to index
    %swap3A_105 = arith.constant 0 : index
    %swap3A_106 = tpu.vector_load %arg10[%swap3A_104, %swap3A_105] {strides = array<i32>} : memref<32x16xf32, #tpu.memory_space<vmem>>, vector<16xf32>,
    tpu.vector_store %arg10[%swap3A_104, %swap3A_105], %broadcast_in_dim3A_3 {strides = array<i32>} : memref<32x16xf32, #tpu.memory_space<vmem>>, vector<16xf32>,
    %swap3A_107 = arith.constant 26 : i32
    %swap3A_108 = arith.index_cast %swap3A_107 : i32 to index
    %swap3A_109 = arith.constant 0 : index
    %swap3A_110 = tpu.vector_load %arg10[%swap3A_108, %swap3A_109] {strides = array<i32>} : memref<32x16xf32, #tpu.memory_space<vmem>>, vector<16xf32>,
    tpu.vector_store %arg10[%swap3A_108, %swap3A_109], %broadcast_in_dim3A_3 {strides = array<i32>} : memref<32x16xf32, #tpu.memory_space<vmem>>, vector<16xf32>,
    %swap3A_111 = arith.constant 27 : i32
    %swap3A_112 = arith.index_cast %swap3A_111 : i32 to index
    %swap3A_113 = arith.constant 0 : index
    %swap3A_114 = tpu.vector_load %arg10[%swap3A_112, %swap3A_113] {strides = array<i32>} : memref<32x16xf32, #tpu.memory_space<vmem>>, vector<16xf32>,
    tpu.vector_store %arg10[%swap3A_112, %swap3A_113], %broadcast_in_dim3A_3 {strides = array<i32>} : memref<32x16xf32, #tpu.memory_space<vmem>>, vector<16xf32>,
    %swap3A_115 = arith.constant 28 : i32
    %swap3A_116 = arith.index_cast %swap3A_115 : i32 to index
    %swap3A_117 = arith.constant 0 : index
    %swap3A_118 = tpu.vector_load %arg10[%swap3A_116, %swap3A_117] {strides = array<i32>} : memref<32x16xf32, #tpu.memory_space<vmem>>, vector<16xf32>,
    tpu.vector_store %arg10[%swap3A_116, %swap3A_117], %broadcast_in_dim3A_3 {strides = array<i32>} : memref<32x16xf32, #tpu.memory_space<vmem>>, vector<16xf32>,
    %swap3A_119 = arith.constant 29 : i32
    %swap3A_120 = arith.index_cast %swap3A_119 : i32 to index
    %swap3A_121 = arith.constant 0 : index
    %swap3A_122 = tpu.vector_load %arg10[%swap3A_120, %swap3A_121] {strides = array<i32>} : memref<32x16xf32, #tpu.memory_space<vmem>>, vector<16xf32>,
    tpu.vector_store %arg10[%swap3A_120, %swap3A_121], %broadcast_in_dim3A_3 {strides = array<i32>} : memref<32x16xf32, #tpu.memory_space<vmem>>, vector<16xf32>,
    %swap3A_123 = arith.constant 30 : i32
    %swap3A_124 = arith.index_cast %swap3A_123 : i32 to index
    %swap3A_125 = arith.constant 0 : index
    %swap3A_126 = tpu.vector_load %arg10[%swap3A_124, %swap3A_125] {strides = array<i32>} : memref<32x16xf32, #tpu.memory_space<vmem>>, vector<16xf32>,
    tpu.vector_store %arg10[%swap3A_124, %swap3A_125], %broadcast_in_dim3A_3 {strides = array<i32>} : memref<32x16xf32, #tpu.memory_space<vmem>>, vector<16xf32>,
    %swap3A_127 = arith.constant 31 : i32
    %swap3A_128 = arith.index_cast %swap3A_127 : i32 to index
    %swap3A_129 = arith.constant 0 : index
    %swap3A_130 = tpu.vector_load %arg10[%swap3A_128, %swap3A_129] {strides = array<i32>} : memref<32x16xf32, #tpu.memory_space<vmem>>, vector<16xf32>,
    tpu.vector_store %arg10[%swap3A_128, %swap3A_129], %broadcast_in_dim3A_3 {strides = array<i32>} : memref<32x16xf32, #tpu.memory_space<vmem>>, vector<16xf32>,
    %scan3A = arith.constant 0 : i32
    %scan3A_131 = arith.constant 0 : i32
    %scan3A_132 = arith.constant 64 : i32
    %scan3A_133 = arith.addi %scan3A_131, %scan3A_132 : i32
    %scan3A_134 = arith.constant 1 : i32
    scf.for %scan3A_136 = %scan3A_131 to %scan3A_133 step %scan3A_134  : i32 {
      %add3A_137 = arith.addi %mul3A_2, %scan3A_136 : i32
      "tpu.region"() ({
        %run_scoped3A = tpu.sem_alloc : memref<!tpu.dma_semaphore, #tpu.memory_space<semaphore_mem>>
        %dma_start3A_1780 = arith.constant 0 : i32
        %dma_start3A_1781 = tpu.memref_slice %arg2[%add3A_137, %dma_start3A_1780] : memref<2048x512xf32, #tpu.memory_space<hbm>> -> memref<1x512xf32, #tpu.memory_space<hbm>>
        %dma_start3A_1782 = tpu.memref_squeeze %dma_start3A_1781 : memref<1x512xf32, #tpu.memory_space<hbm>> -> memref<512xf32, #tpu.memory_space<hbm>>
        %dma_start3A_1783 = arith.constant 0 : i32
        %dma_start3A_1784 = tpu.memref_slice %arg2[%add3A_137, %dma_start3A_1783] : memref<2048x512xf32, #tpu.memory_space<hbm>> -> memref<1x512xf32, #tpu.memory_space<hbm>>
        %dma_start3A_1785 = tpu.memref_squeeze %dma_start3A_1784 : memref<1x512xf32, #tpu.memory_space<hbm>> -> memref<512xf32, #tpu.memory_space<hbm>>
        tpu.enqueue_dma source(%dma_start3A_1785 : memref<512xf32, #tpu.memory_space<hbm>>) target(%arg7 : memref<512xf32, #tpu.memory_space<vmem>>) target_semaphore(%run_scoped3A : memref<!tpu.dma_semaphore, #tpu.memory_space<semaphore_mem>>)
        %dma_wait3A_1786 = arith.constant 0 : i32
        %dma_wait3A_1787 = tpu.memref_slice %arg2[%add3A_137, %dma_wait3A_1786] : memref<2048x512xf32, #tpu.memory_space<hbm>> -> memref<1x512xf32, #tpu.memory_space<hbm>>
        %dma_wait3A_1788 = tpu.memref_squeeze %dma_wait3A_1787 : memref<1x512xf32, #tpu.memory_space<hbm>> -> memref<512xf32, #tpu.memory_space<hbm>>
        %dma_wait3A_1789 = arith.constant 0 : i32
        %dma_wait3A_1790 = tpu.memref_slice %arg2[%add3A_137, %dma_wait3A_1789] : memref<2048x512xf32, #tpu.memory_space<hbm>> -> memref<1x512xf32, #tpu.memory_space<hbm>>
        %dma_wait3A_1791 = tpu.memref_squeeze %dma_wait3A_1790 : memref<1x512xf32, #tpu.memory_space<hbm>> -> memref<512xf32, #tpu.memory_space<hbm>>
        tpu.wait_dma2 semaphore(%run_scoped3A : memref<!tpu.dma_semaphore, #tpu.memory_space<semaphore_mem>>) src(%dma_wait3A_1791 : memref<512xf32, #tpu.memory_space<hbm>>) dst(%arg7 : memref<512xf32, #tpu.memory_space<vmem>>)
        tpu.yield
      }) : () -> ()
      %get3A = arith.constant 0 : index
      %get3A_138 = tpu.vector_load %arg7[%get3A] {strides = array<i32>} : memref<512xf32, #tpu.memory_space<vmem>>, vector<16xf32>,
      %add3A_139 = arith.constant 0 : i32
      %add3A_140 = vector.broadcast %add3A_139 : i32 to vector<16xi32>
      %add3A_141 = arith.addi %iota3A, %add3A_140 : vector<16xi32>
      %masked_sort3A = arith.constant dense<true> : vector<16xi1>
      %masked_sort3A_142, %masked_sort3A_143, %masked_sort3A_144 = tpu.sort %get3A_138, %add3A_141 masked %masked_sort3A : (vector<16xf32>, vector<16xi32>, vector<16xi1>) -> (vector<16xi1>, vector<16xf32>, vector<16xi32>)
      %get3A_145 = arith.constant 16 : index
      %get3A_146 = tpu.vector_load %arg7[%get3A_145] {strides = array<i32>} : memref<512xf32, #tpu.memory_space<vmem>>, vector<16xf32>,
      %add3A_147 = arith.constant 16 : i32
      %add3A_148 = vector.broadcast %add3A_147 : i32 to vector<16xi32>
      %add3A_149 = arith.addi %iota3A, %add3A_148 : vector<16xi32>
      %masked_sort3A_150 = arith.constant dense<true> : vector<16xi1>
      %masked_sort3A_151, %masked_sort3A_152, %masked_sort3A_153 = tpu.sort %get3A_146, %add3A_149 masked %masked_sort3A_150 : (vector<16xf32>, vector<16xi32>, vector<16xi1>) -> (vector<16xi1>, vector<16xf32>, vector<16xi32>)
      %rev3A = arith.constant 15 : i32
      %rev3A_154 = vector.broadcast %rev3A : i32 to vector<16xi32>
      %rev3A_155 = tpu.iota {dimensions = array<i32: 0>} : vector<16xi32>
      %rev3A_156 = arith.subi %rev3A_154, %rev3A_155 : vector<16xi32>
      %rev3A_157 = tpu.dynamic_gather %masked_sort3A_152[%rev3A_156] in [0] : vector<16xf32>, vector<16xi32> -> vector<16xf32>
      %rev3A_158 = arith.constant 15 : i32
      %rev3A_159 = vector.broadcast %rev3A_158 : i32 to vector<16xi32>
      %rev3A_160 = tpu.iota {dimensions = array<i32: 0>} : vector<16xi32>
      %rev3A_161 = arith.subi %rev3A_159, %rev3A_160 : vector<16xi32>
      %rev3A_162 = tpu.dynamic_gather %masked_sort3A_153[%rev3A_161] in [0] : vector<16xi32>, vector<16xi32> -> vector<16xi32>
      %le3A = arith.cmpf ole, %masked_sort3A_143, %rev3A_157 : vector<16xf32>
      %select_n3A = arith.select %le3A, %masked_sort3A_143, %rev3A_157 : vector<16xi1>, vector<16xf32>
      %select_n3A_163 = arith.select %le3A, %masked_sort3A_144, %rev3A_162 : vector<16xi1>, vector<16xi32>
      %select_n3A_164 = arith.select %le3A, %rev3A_157, %masked_sort3A_143 : vector<16xi1>, vector<16xf32>
      %select_n3A_165 = arith.select %le3A, %rev3A_162, %masked_sort3A_144 : vector<16xi1>, vector<16xi32>
      %masked_sort3A_166 = arith.constant dense<true> : vector<16xi1>
      %masked_sort3A_167, %masked_sort3A_168, %masked_sort3A_169 = tpu.sort %select_n3A, %select_n3A_163 masked %masked_sort3A_166 : (vector<16xf32>, vector<16xi32>, vector<16xi1>) -> (vector<16xi1>, vector<16xf32>, vector<16xi32>)
      %masked_sort3A_170 = arith.constant dense<true> : vector<16xi1>
      %masked_sort3A_171, %masked_sort3A_172, %masked_sort3A_173 = tpu.sort %select_n3A_164, %select_n3A_165 masked %masked_sort3A_170 : (vector<16xf32>, vector<16xi32>, vector<16xi1>) -> (vector<16xi1>, vector<16xf32>, vector<16xi32>)
      %get3A_174 = arith.constant 32 : index
      %get3A_175 = tpu.vector_load %arg7[%get3A_174] {strides = array<i32>} : memref<512xf32, #tpu.memory_space<vmem>>, vector<16xf32>,
      %add3A_176 = arith.constant 32 : i32
      %add3A_177 = vector.broadcast %add3A_176 : i32 to vector<16xi32>
      %add3A_178 = arith.addi %iota3A, %add3A_177 : vector<16xi32>
      %masked_sort3A_179 = arith.constant dense<true> : vector<16xi1>
      %masked_sort3A_180, %masked_sort3A_181, %masked_sort3A_182 = tpu.sort %get3A_175, %add3A_178 masked %masked_sort3A_179 : (vector<16xf32>, vector<16xi32>, vector<16xi1>) -> (vector<16xi1>, vector<16xf32>, vector<16xi32>)
      %rev3A_183 = arith.constant 15 : i32
      %rev3A_184 = vector.broadcast %rev3A_183 : i32 to vector<16xi32>
      %rev3A_185 = tpu.iota {dimensions = array<i32: 0>} : vector<16xi32>
      %rev3A_186 = arith.subi %rev3A_184, %rev3A_185 : vector<16xi32>
      %rev3A_187 = tpu.dynamic_gather %masked_sort3A_181[%rev3A_186] in [0] : vector<16xf32>, vector<16xi32> -> vector<16xf32>
      %rev3A_188 = arith.constant 15 : i32
      %rev3A_189 = vector.broadcast %rev3A_188 : i32 to vector<16xi32>
      %rev3A_190 = tpu.iota {dimensions = array<i32: 0>} : vector<16xi32>
      %rev3A_191 = arith.subi %rev3A_189, %rev3A_190 : vector<16xi32>
      %rev3A_192 = tpu.dynamic_gather %masked_sort3A_182[%rev3A_191] in [0] : vector<16xi32>, vector<16xi32> -> vector<16xi32>
      %le3A_193 = arith.cmpf ole, %masked_sort3A_172, %rev3A_187 : vector<16xf32>
      %select_n3A_194 = arith.select %le3A_193, %masked_sort3A_172, %rev3A_187 : vector<16xi1>, vector<16xf32>
      %select_n3A_195 = arith.select %le3A_193, %masked_sort3A_173, %rev3A_192 : vector<16xi1>, vector<16xi32>
      %masked_sort3A_196 = arith.constant dense<true> : vector<16xi1>
      %masked_sort3A_197, %masked_sort3A_198, %masked_sort3A_199 = tpu.sort %select_n3A_194, %select_n3A_195 masked %masked_sort3A_196 : (vector<16xf32>, vector<16xi32>, vector<16xi1>) -> (vector<16xi1>, vector<16xf32>, vector<16xi32>)
      %rev3A_200 = arith.constant 15 : i32
      %rev3A_201 = vector.broadcast %rev3A_200 : i32 to vector<16xi32>
      %rev3A_202 = tpu.iota {dimensions = array<i32: 0>} : vector<16xi32>
      %rev3A_203 = arith.subi %rev3A_201, %rev3A_202 : vector<16xi32>
      %rev3A_204 = tpu.dynamic_gather %masked_sort3A_198[%rev3A_203] in [0] : vector<16xf32>, vector<16xi32> -> vector<16xf32>
      %rev3A_205 = arith.constant 15 : i32
      %rev3A_206 = vector.broadcast %rev3A_205 : i32 to vector<16xi32>
      %rev3A_207 = tpu.iota {dimensions = array<i32: 0>} : vector<16xi32>
      %rev3A_208 = arith.subi %rev3A_206, %rev3A_207 : vector<16xi32>
      %rev3A_209 = tpu.dynamic_gather %masked_sort3A_199[%rev3A_208] in [0] : vector<16xi32>, vector<16xi32> -> vector<16xi32>
      %le3A_210 = arith.cmpf ole, %masked_sort3A_168, %rev3A_204 : vector<16xf32>
      %select_n3A_211 = arith.select %le3A_210, %masked_sort3A_168, %rev3A_204 : vector<16xi1>, vector<16xf32>
      %select_n3A_212 = arith.select %le3A_210, %masked_sort3A_169, %rev3A_209 : vector<16xi1>, vector<16xi32>
      %select_n3A_213 = arith.select %le3A_210, %rev3A_204, %masked_sort3A_168 : vector<16xi1>, vector<16xf32>
      %select_n3A_214 = arith.select %le3A_210, %rev3A_209, %masked_sort3A_169 : vector<16xi1>, vector<16xi32>
      %masked_sort3A_215 = arith.constant dense<true> : vector<16xi1>
      %masked_sort3A_216, %masked_sort3A_217, %masked_sort3A_218 = tpu.sort %select_n3A_211, %select_n3A_212 masked %masked_sort3A_215 : (vector<16xf32>, vector<16xi32>, vector<16xi1>) -> (vector<16xi1>, vector<16xf32>, vector<16xi32>)
      %masked_sort3A_219 = arith.constant dense<true> : vector<16xi1>
      %masked_sort3A_220, %masked_sort3A_221, %masked_sort3A_222 = tpu.sort %select_n3A_213, %select_n3A_214 masked %masked_sort3A_219 : (vector<16xf32>, vector<16xi32>, vector<16xi1>) -> (vector<16xi1>, vector<16xf32>, vector<16xi32>)
      %get3A_223 = arith.constant 48 : index
      %get3A_224 = tpu.vector_load %arg7[%get3A_223] {strides = array<i32>} : memref<512xf32, #tpu.memory_space<vmem>>, vector<16xf32>,
      %add3A_225 = arith.constant 48 : i32
      %add3A_226 = vector.broadcast %add3A_225 : i32 to vector<16xi32>
      %add3A_227 = arith.addi %iota3A, %add3A_226 : vector<16xi32>
      %masked_sort3A_228 = arith.constant dense<true> : vector<16xi1>
      %masked_sort3A_229, %masked_sort3A_230, %masked_sort3A_231 = tpu.sort %get3A_224, %add3A_227 masked %masked_sort3A_228 : (vector<16xf32>, vector<16xi32>, vector<16xi1>) -> (vector<16xi1>, vector<16xf32>, vector<16xi32>)
      %rev3A_232 = arith.constant 15 : i32
      %rev3A_233 = vector.broadcast %rev3A_232 : i32 to vector<16xi32>
      %rev3A_234 = tpu.iota {dimensions = array<i32: 0>} : vector<16xi32>
      %rev3A_235 = arith.subi %rev3A_233, %rev3A_234 : vector<16xi32>
      %rev3A_236 = tpu.dynamic_gather %masked_sort3A_230[%rev3A_235] in [0] : vector<16xf32>, vector<16xi32> -> vector<16xf32>
      %rev3A_237 = arith.constant 15 : i32
      %rev3A_238 = vector.broadcast %rev3A_237 : i32 to vector<16xi32>
      %rev3A_239 = tpu.iota {dimensions = array<i32: 0>} : vector<16xi32>
      %rev3A_240 = arith.subi %rev3A_238, %rev3A_239 : vector<16xi32>
      %rev3A_241 = tpu.dynamic_gather %masked_sort3A_231[%rev3A_240] in [0] : vector<16xi32>, vector<16xi32> -> vector<16xi32>
      %le3A_242 = arith.cmpf ole, %masked_sort3A_221, %rev3A_236 : vector<16xf32>
      %select_n3A_243 = arith.select %le3A_242, %masked_sort3A_221, %rev3A_236 : vector<16xi1>, vector<16xf32>
      %select_n3A_244 = arith.select %le3A_242, %masked_sort3A_222, %rev3A_241 : vector<16xi1>, vector<16xi32>
      %masked_sort3A_245 = arith.constant dense<true> : vector<16xi1>
      %masked_sort3A_246, %masked_sort3A_247, %masked_sort3A_248 = tpu.sort %select_n3A_243, %select_n3A_244 masked %masked_sort3A_245 : (vector<16xf32>, vector<16xi32>, vector<16xi1>) -> (vector<16xi1>, vector<16xf32>, vector<16xi32>)
      %rev3A_249 = arith.constant 15 : i32
      %rev3A_250 = vector.broadcast %rev3A_249 : i32 to vector<16xi32>
      %rev3A_251 = tpu.iota {dimensions = array<i32: 0>} : vector<16xi32>
      %rev3A_252 = arith.subi %rev3A_250, %rev3A_251 : vector<16xi32>
      %rev3A_253 = tpu.dynamic_gather %masked_sort3A_247[%rev3A_252] in [0] : vector<16xf32>, vector<16xi32> -> vector<16xf32>
      %rev3A_254 = arith.constant 15 : i32
      %rev3A_255 = vector.broadcast %rev3A_254 : i32 to vector<16xi32>
      %rev3A_256 = tpu.iota {dimensions = array<i32: 0>} : vector<16xi32>
      %rev3A_257 = arith.subi %rev3A_255, %rev3A_256 : vector<16xi32>
      %rev3A_258 = tpu.dynamic_gather %masked_sort3A_248[%rev3A_257] in [0] : vector<16xi32>, vector<16xi32> -> vector<16xi32>
      %le3A_259 = arith.cmpf ole, %masked_sort3A_217, %rev3A_253 : vector<16xf32>
      %select_n3A_260 = arith.select %le3A_259, %masked_sort3A_217, %rev3A_253 : vector<16xi1>, vector<16xf32>
      %select_n3A_261 = arith.select %le3A_259, %masked_sort3A_218, %rev3A_258 : vector<16xi1>, vector<16xi32>
      %select_n3A_262 = arith.select %le3A_259, %rev3A_253, %masked_sort3A_217 : vector<16xi1>, vector<16xf32>
      %select_n3A_263 = arith.select %le3A_259, %rev3A_258, %masked_sort3A_218 : vector<16xi1>, vector<16xi32>
      %masked_sort3A_264 = arith.constant dense<true> : vector<16xi1>
      %masked_sort3A_265, %masked_sort3A_266, %masked_sort3A_267 = tpu.sort %select_n3A_260, %select_n3A_261 masked %masked_sort3A_264 : (vector<16xf32>, vector<16xi32>, vector<16xi1>) -> (vector<16xi1>, vector<16xf32>, vector<16xi32>)
      %masked_sort3A_268 = arith.constant dense<true> : vector<16xi1>
      %masked_sort3A_269, %masked_sort3A_270, %masked_sort3A_271 = tpu.sort %select_n3A_262, %select_n3A_263 masked %masked_sort3A_268 : (vector<16xf32>, vector<16xi32>, vector<16xi1>) -> (vector<16xi1>, vector<16xf32>, vector<16xi32>)
      %get3A_272 = arith.constant 64 : index
      %get3A_273 = tpu.vector_load %arg7[%get3A_272] {strides = array<i32>} : memref<512xf32, #tpu.memory_space<vmem>>, vector<16xf32>,
      %add3A_274 = arith.constant 64 : i32
      %add3A_275 = vector.broadcast %add3A_274 : i32 to vector<16xi32>
      %add3A_276 = arith.addi %iota3A, %add3A_275 : vector<16xi32>
      %masked_sort3A_277 = arith.constant dense<true> : vector<16xi1>
      %masked_sort3A_278, %masked_sort3A_279, %masked_sort3A_280 = tpu.sort %get3A_273, %add3A_276 masked %masked_sort3A_277 : (vector<16xf32>, vector<16xi32>, vector<16xi1>) -> (vector<16xi1>, vector<16xf32>, vector<16xi32>)
      %rev3A_281 = arith.constant 15 : i32
      %rev3A_282 = vector.broadcast %rev3A_281 : i32 to vector<16xi32>
      %rev3A_283 = tpu.iota {dimensions = array<i32: 0>} : vector<16xi32>
      %rev3A_284 = arith.subi %rev3A_282, %rev3A_283 : vector<16xi32>
      %rev3A_285 = tpu.dynamic_gather %masked_sort3A_279[%rev3A_284] in [0] : vector<16xf32>, vector<16xi32> -> vector<16xf32>
      %rev3A_286 = arith.constant 15 : i32
      %rev3A_287 = vector.broadcast %rev3A_286 : i32 to vector<16xi32>
      %rev3A_288 = tpu.iota {dimensions = array<i32: 0>} : vector<16xi32>
      %rev3A_289 = arith.subi %rev3A_287, %rev3A_288 : vector<16xi32>
      %rev3A_290 = tpu.dynamic_gather %masked_sort3A_280[%rev3A_289] in [0] : vector<16xi32>, vector<16xi32> -> vector<16xi32>
      %le3A_291 = arith.cmpf ole, %masked_sort3A_270, %rev3A_285 : vector<16xf32>
      %select_n3A_292 = arith.select %le3A_291, %masked_sort3A_270, %rev3A_285 : vector<16xi1>, vector<16xf32>
      %select_n3A_293 = arith.select %le3A_291, %masked_sort3A_271, %rev3A_290 : vector<16xi1>, vector<16xi32>
      %masked_sort3A_294 = arith.constant dense<true> : vector<16xi1>
      %masked_sort3A_295, %masked_sort3A_296, %masked_sort3A_297 = tpu.sort %select_n3A_292, %select_n3A_293 masked %masked_sort3A_294 : (vector<16xf32>, vector<16xi32>, vector<16xi1>) -> (vector<16xi1>, vector<16xf32>, vector<16xi32>)
      %rev3A_298 = arith.constant 15 : i32
      %rev3A_299 = vector.broadcast %rev3A_298 : i32 to vector<16xi32>
      %rev3A_300 = tpu.iota {dimensions = array<i32: 0>} : vector<16xi32>
      %rev3A_301 = arith.subi %rev3A_299, %rev3A_300 : vector<16xi32>
      %rev3A_302 = tpu.dynamic_gather %masked_sort3A_296[%rev3A_301] in [0] : vector<16xf32>, vector<16xi32> -> vector<16xf32>
      %rev3A_303 = arith.constant 15 : i32
      %rev3A_304 = vector.broadcast %rev3A_303 : i32 to vector<16xi32>
      %rev3A_305 = tpu.iota {dimensions = array<i32: 0>} : vector<16xi32>
      %rev3A_306 = arith.subi %rev3A_304, %rev3A_305 : vector<16xi32>
      %rev3A_307 = tpu.dynamic_gather %masked_sort3A_297[%rev3A_306] in [0] : vector<16xi32>, vector<16xi32> -> vector<16xi32>
      %le3A_308 = arith.cmpf ole, %masked_sort3A_266, %rev3A_302 : vector<16xf32>
      %select_n3A_309 = arith.select %le3A_308, %masked_sort3A_266, %rev3A_302 : vector<16xi1>, vector<16xf32>
      %select_n3A_310 = arith.select %le3A_308, %masked_sort3A_267, %rev3A_307 : vector<16xi1>, vector<16xi32>
      %select_n3A_311 = arith.select %le3A_308, %rev3A_302, %masked_sort3A_266 : vector<16xi1>, vector<16xf32>
      %select_n3A_312 = arith.select %le3A_308, %rev3A_307, %masked_sort3A_267 : vector<16xi1>, vector<16xi32>
      %masked_sort3A_313 = arith.constant dense<true> : vector<16xi1>
      %masked_sort3A_314, %masked_sort3A_315, %masked_sort3A_316 = tpu.sort %select_n3A_309, %select_n3A_310 masked %masked_sort3A_313 : (vector<16xf32>, vector<16xi32>, vector<16xi1>) -> (vector<16xi1>, vector<16xf32>, vector<16xi32>)
      %masked_sort3A_317 = arith.constant dense<true> : vector<16xi1>
      %masked_sort3A_318, %masked_sort3A_319, %masked_sort3A_320 = tpu.sort %select_n3A_311, %select_n3A_312 masked %masked_sort3A_317 : (vector<16xf32>, vector<16xi32>, vector<16xi1>) -> (vector<16xi1>, vector<16xf32>, vector<16xi32>)
      %get3A_321 = arith.constant 80 : index
      %get3A_322 = tpu.vector_load %arg7[%get3A_321] {strides = array<i32>} : memref<512xf32, #tpu.memory_space<vmem>>, vector<16xf32>,
      %add3A_323 = arith.constant 80 : i32
      %add3A_324 = vector.broadcast %add3A_323 : i32 to vector<16xi32>
      %add3A_325 = arith.addi %iota3A, %add3A_324 : vector<16xi32>
      %masked_sort3A_326 = arith.constant dense<true> : vector<16xi1>
      %masked_sort3A_327, %masked_sort3A_328, %masked_sort3A_329 = tpu.sort %get3A_322, %add3A_325 masked %masked_sort3A_326 : (vector<16xf32>, vector<16xi32>, vector<16xi1>) -> (vector<16xi1>, vector<16xf32>, vector<16xi32>)
      %rev3A_330 = arith.constant 15 : i32
      %rev3A_331 = vector.broadcast %rev3A_330 : i32 to vector<16xi32>
      %rev3A_332 = tpu.iota {dimensions = array<i32: 0>} : vector<16xi32>
      %rev3A_333 = arith.subi %rev3A_331, %rev3A_332 : vector<16xi32>
      %rev3A_334 = tpu.dynamic_gather %masked_sort3A_328[%rev3A_333] in [0] : vector<16xf32>, vector<16xi32> -> vector<16xf32>
      %rev3A_335 = arith.constant 15 : i32
      %rev3A_336 = vector.broadcast %rev3A_335 : i32 to vector<16xi32>
      %rev3A_337 = tpu.iota {dimensions = array<i32: 0>} : vector<16xi32>
      %rev3A_338 = arith.subi %rev3A_336, %rev3A_337 : vector<16xi32>
      %rev3A_339 = tpu.dynamic_gather %masked_sort3A_329[%rev3A_338] in [0] : vector<16xi32>, vector<16xi32> -> vector<16xi32>
      %le3A_340 = arith.cmpf ole, %masked_sort3A_319, %rev3A_334 : vector<16xf32>
      %select_n3A_341 = arith.select %le3A_340, %masked_sort3A_319, %rev3A_334 : vector<16xi1>, vector<16xf32>
      %select_n3A_342 = arith.select %le3A_340, %masked_sort3A_320, %rev3A_339 : vector<16xi1>, vector<16xi32>
      %masked_sort3A_343 = arith.constant dense<true> : vector<16xi1>
      %masked_sort3A_344, %masked_sort3A_345, %masked_sort3A_346 = tpu.sort %select_n3A_341, %select_n3A_342 masked %masked_sort3A_343 : (vector<16xf32>, vector<16xi32>, vector<16xi1>) -> (vector<16xi1>, vector<16xf32>, vector<16xi32>)
      %rev3A_347 = arith.constant 15 : i32
      %rev3A_348 = vector.broadcast %rev3A_347 : i32 to vector<16xi32>
      %rev3A_349 = tpu.iota {dimensions = array<i32: 0>} : vector<16xi32>
      %rev3A_350 = arith.subi %rev3A_348, %rev3A_349 : vector<16xi32>
      %rev3A_351 = tpu.dynamic_gather %masked_sort3A_345[%rev3A_350] in [0] : vector<16xf32>, vector<16xi32> -> vector<16xf32>
      %rev3A_352 = arith.constant 15 : i32
      %rev3A_353 = vector.broadcast %rev3A_352 : i32 to vector<16xi32>
      %rev3A_354 = tpu.iota {dimensions = array<i32: 0>} : vector<16xi32>
      %rev3A_355 = arith.subi %rev3A_353, %rev3A_354 : vector<16xi32>
      %rev3A_356 = tpu.dynamic_gather %masked_sort3A_346[%rev3A_355] in [0] : vector<16xi32>, vector<16xi32> -> vector<16xi32>
      %le3A_357 = arith.cmpf ole, %masked_sort3A_315, %rev3A_351 : vector<16xf32>
      %select_n3A_358 = arith.select %le3A_357, %masked_sort3A_315, %rev3A_351 : vector<16xi1>, vector<16xf32>
      %select_n3A_359 = arith.select %le3A_357, %masked_sort3A_316, %rev3A_356 : vector<16xi1>, vector<16xi32>
      %select_n3A_360 = arith.select %le3A_357, %rev3A_351, %masked_sort3A_315 : vector<16xi1>, vector<16xf32>
      %select_n3A_361 = arith.select %le3A_357, %rev3A_356, %masked_sort3A_316 : vector<16xi1>, vector<16xi32>
      %masked_sort3A_362 = arith.constant dense<true> : vector<16xi1>
      %masked_sort3A_363, %masked_sort3A_364, %masked_sort3A_365 = tpu.sort %select_n3A_358, %select_n3A_359 masked %masked_sort3A_362 : (vector<16xf32>, vector<16xi32>, vector<16xi1>) -> (vector<16xi1>, vector<16xf32>, vector<16xi32>)
      %masked_sort3A_366 = arith.constant dense<true> : vector<16xi1>
      %masked_sort3A_367, %masked_sort3A_368, %masked_sort3A_369 = tpu.sort %select_n3A_360, %select_n3A_361 masked %masked_sort3A_366 : (vector<16xf32>, vector<16xi32>, vector<16xi1>) -> (vector<16xi1>, vector<16xf32>, vector<16xi32>)
      %get3A_370 = arith.constant 96 : index
      %get3A_371 = tpu.vector_load %arg7[%get3A_370] {strides = array<i32>} : memref<512xf32, #tpu.memory_space<vmem>>, vector<16xf32>,
      %add3A_372 = arith.constant 96 : i32
      %add3A_373 = vector.broadcast %add3A_372 : i32 to vector<16xi32>
      %add3A_374 = arith.addi %iota3A, %add3A_373 : vector<16xi32>
      %masked_sort3A_375 = arith.constant dense<true> : vector<16xi1>
      %masked_sort3A_376, %masked_sort3A_377, %masked_sort3A_378 = tpu.sort %get3A_371, %add3A_374 masked %masked_sort3A_375 : (vector<16xf32>, vector<16xi32>, vector<16xi1>) -> (vector<16xi1>, vector<16xf32>, vector<16xi32>)
      %rev3A_379 = arith.constant 15 : i32
      %rev3A_380 = vector.broadcast %rev3A_379 : i32 to vector<16xi32>
      %rev3A_381 = tpu.iota {dimensions = array<i32: 0>} : vector<16xi32>
      %rev3A_382 = arith.subi %rev3A_380, %rev3A_381 : vector<16xi32>
      %rev3A_383 = tpu.dynamic_gather %masked_sort3A_377[%rev3A_382] in [0] : vector<16xf32>, vector<16xi32> -> vector<16xf32>
      %rev3A_384 = arith.constant 15 : i32
      %rev3A_385 = vector.broadcast %rev3A_384 : i32 to vector<16xi32>
      %rev3A_386 = tpu.iota {dimensions = array<i32: 0>} : vector<16xi32>
      %rev3A_387 = arith.subi %rev3A_385, %rev3A_386 : vector<16xi32>
      %rev3A_388 = tpu.dynamic_gather %masked_sort3A_378[%rev3A_387] in [0] : vector<16xi32>, vector<16xi32> -> vector<16xi32>
      %le3A_389 = arith.cmpf ole, %masked_sort3A_368, %rev3A_383 : vector<16xf32>
      %select_n3A_390 = arith.select %le3A_389, %masked_sort3A_368, %rev3A_383 : vector<16xi1>, vector<16xf32>
      %select_n3A_391 = arith.select %le3A_389, %masked_sort3A_369, %rev3A_388 : vector<16xi1>, vector<16xi32>
      %masked_sort3A_392 = arith.constant dense<true> : vector<16xi1>
      %masked_sort3A_393, %masked_sort3A_394, %masked_sort3A_395 = tpu.sort %select_n3A_390, %select_n3A_391 masked %masked_sort3A_392 : (vector<16xf32>, vector<16xi32>, vector<16xi1>) -> (vector<16xi1>, vector<16xf32>, vector<16xi32>)
      %rev3A_396 = arith.constant 15 : i32
      %rev3A_397 = vector.broadcast %rev3A_396 : i32 to vector<16xi32>
      %rev3A_398 = tpu.iota {dimensions = array<i32: 0>} : vector<16xi32>
      %rev3A_399 = arith.subi %rev3A_397, %rev3A_398 : vector<16xi32>
      %rev3A_400 = tpu.dynamic_gather %masked_sort3A_394[%rev3A_399] in [0] : vector<16xf32>, vector<16xi32> -> vector<16xf32>
      %rev3A_401 = arith.constant 15 : i32
      %rev3A_402 = vector.broadcast %rev3A_401 : i32 to vector<16xi32>
      %rev3A_403 = tpu.iota {dimensions = array<i32: 0>} : vector<16xi32>
      %rev3A_404 = arith.subi %rev3A_402, %rev3A_403 : vector<16xi32>
      %rev3A_405 = tpu.dynamic_gather %masked_sort3A_395[%rev3A_404] in [0] : vector<16xi32>, vector<16xi32> -> vector<16xi32>
      %le3A_406 = arith.cmpf ole, %masked_sort3A_364, %rev3A_400 : vector<16xf32>
      %select_n3A_407 = arith.select %le3A_406, %masked_sort3A_364, %rev3A_400 : vector<16xi1>, vector<16xf32>
      %select_n3A_408 = arith.select %le3A_406, %masked_sort3A_365, %rev3A_405 : vector<16xi1>, vector<16xi32>
      %select_n3A_409 = arith.select %le3A_406, %rev3A_400, %masked_sort3A_364 : vector<16xi1>, vector<16xf32>
      %select_n3A_410 = arith.select %le3A_406, %rev3A_405, %masked_sort3A_365 : vector<16xi1>, vector<16xi32>
      %masked_sort3A_411 = arith.constant dense<true> : vector<16xi1>
      %masked_sort3A_412, %masked_sort3A_413, %masked_sort3A_414 = tpu.sort %select_n3A_407, %select_n3A_408 masked %masked_sort3A_411 : (vector<16xf32>, vector<16xi32>, vector<16xi1>) -> (vector<16xi1>, vector<16xf32>, vector<16xi32>)
      %masked_sort3A_415 = arith.constant dense<true> : vector<16xi1>
      %masked_sort3A_416, %masked_sort3A_417, %masked_sort3A_418 = tpu.sort %select_n3A_409, %select_n3A_410 masked %masked_sort3A_415 : (vector<16xf32>, vector<16xi32>, vector<16xi1>) -> (vector<16xi1>, vector<16xf32>, vector<16xi32>)
      %get3A_419 = arith.constant 112 : index
      %get3A_420 = tpu.vector_load %arg7[%get3A_419] {strides = array<i32>} : memref<512xf32, #tpu.memory_space<vmem>>, vector<16xf32>,
      %add3A_421 = arith.constant 112 : i32
      %add3A_422 = vector.broadcast %add3A_421 : i32 to vector<16xi32>
      %add3A_423 = arith.addi %iota3A, %add3A_422 : vector<16xi32>
      %masked_sort3A_424 = arith.constant dense<true> : vector<16xi1>
      %masked_sort3A_425, %masked_sort3A_426, %masked_sort3A_427 = tpu.sort %get3A_420, %add3A_423 masked %masked_sort3A_424 : (vector<16xf32>, vector<16xi32>, vector<16xi1>) -> (vector<16xi1>, vector<16xf32>, vector<16xi32>)
      %rev3A_428 = arith.constant 15 : i32
      %rev3A_429 = vector.broadcast %rev3A_428 : i32 to vector<16xi32>
      %rev3A_430 = tpu.iota {dimensions = array<i32: 0>} : vector<16xi32>
      %rev3A_431 = arith.subi %rev3A_429, %rev3A_430 : vector<16xi32>
      %rev3A_432 = tpu.dynamic_gather %masked_sort3A_426[%rev3A_431] in [0] : vector<16xf32>, vector<16xi32> -> vector<16xf32>
      %rev3A_433 = arith.constant 15 : i32
      %rev3A_434 = vector.broadcast %rev3A_433 : i32 to vector<16xi32>
      %rev3A_435 = tpu.iota {dimensions = array<i32: 0>} : vector<16xi32>
      %rev3A_436 = arith.subi %rev3A_434, %rev3A_435 : vector<16xi32>
      %rev3A_437 = tpu.dynamic_gather %masked_sort3A_427[%rev3A_436] in [0] : vector<16xi32>, vector<16xi32> -> vector<16xi32>
      %le3A_438 = arith.cmpf ole, %masked_sort3A_417, %rev3A_432 : vector<16xf32>
      %select_n3A_439 = arith.select %le3A_438, %masked_sort3A_417, %rev3A_432 : vector<16xi1>, vector<16xf32>
      %select_n3A_440 = arith.select %le3A_438, %masked_sort3A_418, %rev3A_437 : vector<16xi1>, vector<16xi32>
      %masked_sort3A_441 = arith.constant dense<true> : vector<16xi1>
      %masked_sort3A_442, %masked_sort3A_443, %masked_sort3A_444 = tpu.sort %select_n3A_439, %select_n3A_440 masked %masked_sort3A_441 : (vector<16xf32>, vector<16xi32>, vector<16xi1>) -> (vector<16xi1>, vector<16xf32>, vector<16xi32>)
      %rev3A_445 = arith.constant 15 : i32
      %rev3A_446 = vector.broadcast %rev3A_445 : i32 to vector<16xi32>
      %rev3A_447 = tpu.iota {dimensions = array<i32: 0>} : vector<16xi32>
      %rev3A_448 = arith.subi %rev3A_446, %rev3A_447 : vector<16xi32>
      %rev3A_449 = tpu.dynamic_gather %masked_sort3A_443[%rev3A_448] in [0] : vector<16xf32>, vector<16xi32> -> vector<16xf32>
      %rev3A_450 = arith.constant 15 : i32
      %rev3A_451 = vector.broadcast %rev3A_450 : i32 to vector<16xi32>
      %rev3A_452 = tpu.iota {dimensions = array<i32: 0>} : vector<16xi32>
      %rev3A_453 = arith.subi %rev3A_451, %rev3A_452 : vector<16xi32>
      %rev3A_454 = tpu.dynamic_gather %masked_sort3A_444[%rev3A_453] in [0] : vector<16xi32>, vector<16xi32> -> vector<16xi32>
      %le3A_455 = arith.cmpf ole, %masked_sort3A_413, %rev3A_449 : vector<16xf32>
      %select_n3A_456 = arith.select %le3A_455, %masked_sort3A_413, %rev3A_449 : vector<16xi1>, vector<16xf32>
      %select_n3A_457 = arith.select %le3A_455, %masked_sort3A_414, %rev3A_454 : vector<16xi1>, vector<16xi32>
      %select_n3A_458 = arith.select %le3A_455, %rev3A_449, %masked_sort3A_413 : vector<16xi1>, vector<16xf32>
      %select_n3A_459 = arith.select %le3A_455, %rev3A_454, %masked_sort3A_414 : vector<16xi1>, vector<16xi32>
      %masked_sort3A_460 = arith.constant dense<true> : vector<16xi1>
      %masked_sort3A_461, %masked_sort3A_462, %masked_sort3A_463 = tpu.sort %select_n3A_456, %select_n3A_457 masked %masked_sort3A_460 : (vector<16xf32>, vector<16xi32>, vector<16xi1>) -> (vector<16xi1>, vector<16xf32>, vector<16xi32>)
      %masked_sort3A_464 = arith.constant dense<true> : vector<16xi1>
      %masked_sort3A_465, %masked_sort3A_466, %masked_sort3A_467 = tpu.sort %select_n3A_458, %select_n3A_459 masked %masked_sort3A_464 : (vector<16xf32>, vector<16xi32>, vector<16xi1>) -> (vector<16xi1>, vector<16xf32>, vector<16xi32>)
      %get3A_468 = arith.constant 128 : index
      %get3A_469 = tpu.vector_load %arg7[%get3A_468] {strides = array<i32>} : memref<512xf32, #tpu.memory_space<vmem>>, vector<16xf32>,
      %add3A_470 = arith.constant 128 : i32
      %add3A_471 = vector.broadcast %add3A_470 : i32 to vector<16xi32>
      %add3A_472 = arith.addi %iota3A, %add3A_471 : vector<16xi32>
      %masked_sort3A_473 = arith.constant dense<true> : vector<16xi1>
      %masked_sort3A_474, %masked_sort3A_475, %masked_sort3A_476 = tpu.sort %get3A_469, %add3A_472 masked %masked_sort3A_473 : (vector<16xf32>, vector<16xi32>, vector<16xi1>) -> (vector<16xi1>, vector<16xf32>, vector<16xi32>)
      %rev3A_477 = arith.constant 15 : i32
      %rev3A_478 = vector.broadcast %rev3A_477 : i32 to vector<16xi32>
      %rev3A_479 = tpu.iota {dimensions = array<i32: 0>} : vector<16xi32>
      %rev3A_480 = arith.subi %rev3A_478, %rev3A_479 : vector<16xi32>
      %rev3A_481 = tpu.dynamic_gather %masked_sort3A_475[%rev3A_480] in [0] : vector<16xf32>, vector<16xi32> -> vector<16xf32>
      %rev3A_482 = arith.constant 15 : i32
      %rev3A_483 = vector.broadcast %rev3A_482 : i32 to vector<16xi32>
      %rev3A_484 = tpu.iota {dimensions = array<i32: 0>} : vector<16xi32>
      %rev3A_485 = arith.subi %rev3A_483, %rev3A_484 : vector<16xi32>
      %rev3A_486 = tpu.dynamic_gather %masked_sort3A_476[%rev3A_485] in [0] : vector<16xi32>, vector<16xi32> -> vector<16xi32>
      %le3A_487 = arith.cmpf ole, %masked_sort3A_466, %rev3A_481 : vector<16xf32>
      %select_n3A_488 = arith.select %le3A_487, %masked_sort3A_466, %rev3A_481 : vector<16xi1>, vector<16xf32>
      %select_n3A_489 = arith.select %le3A_487, %masked_sort3A_467, %rev3A_486 : vector<16xi1>, vector<16xi32>
      %masked_sort3A_490 = arith.constant dense<true> : vector<16xi1>
      %masked_sort3A_491, %masked_sort3A_492, %masked_sort3A_493 = tpu.sort %select_n3A_488, %select_n3A_489 masked %masked_sort3A_490 : (vector<16xf32>, vector<16xi32>, vector<16xi1>) -> (vector<16xi1>, vector<16xf32>, vector<16xi32>)
      %rev3A_494 = arith.constant 15 : i32
      %rev3A_495 = vector.broadcast %rev3A_494 : i32 to vector<16xi32>
      %rev3A_496 = tpu.iota {dimensions = array<i32: 0>} : vector<16xi32>
      %rev3A_497 = arith.subi %rev3A_495, %rev3A_496 : vector<16xi32>
      %rev3A_498 = tpu.dynamic_gather %masked_sort3A_492[%rev3A_497] in [0] : vector<16xf32>, vector<16xi32> -> vector<16xf32>
      %rev3A_499 = arith.constant 15 : i32
      %rev3A_500 = vector.broadcast %rev3A_499 : i32 to vector<16xi32>
      %rev3A_501 = tpu.iota {dimensions = array<i32: 0>} : vector<16xi32>
      %rev3A_502 = arith.subi %rev3A_500, %rev3A_501 : vector<16xi32>
      %rev3A_503 = tpu.dynamic_gather %masked_sort3A_493[%rev3A_502] in [0] : vector<16xi32>, vector<16xi32> -> vector<16xi32>
      %le3A_504 = arith.cmpf ole, %masked_sort3A_462, %rev3A_498 : vector<16xf32>
      %select_n3A_505 = arith.select %le3A_504, %masked_sort3A_462, %rev3A_498 : vector<16xi1>, vector<16xf32>
      %select_n3A_506 = arith.select %le3A_504, %masked_sort3A_463, %rev3A_503 : vector<16xi1>, vector<16xi32>
      %select_n3A_507 = arith.select %le3A_504, %rev3A_498, %masked_sort3A_462 : vector<16xi1>, vector<16xf32>
      %select_n3A_508 = arith.select %le3A_504, %rev3A_503, %masked_sort3A_463 : vector<16xi1>, vector<16xi32>
      %masked_sort3A_509 = arith.constant dense<true> : vector<16xi1>
      %masked_sort3A_510, %masked_sort3A_511, %masked_sort3A_512 = tpu.sort %select_n3A_505, %select_n3A_506 masked %masked_sort3A_509 : (vector<16xf32>, vector<16xi32>, vector<16xi1>) -> (vector<16xi1>, vector<16xf32>, vector<16xi32>)
      %masked_sort3A_513 = arith.constant dense<true> : vector<16xi1>
      %masked_sort3A_514, %masked_sort3A_515, %masked_sort3A_516 = tpu.sort %select_n3A_507, %select_n3A_508 masked %masked_sort3A_513 : (vector<16xf32>, vector<16xi32>, vector<16xi1>) -> (vector<16xi1>, vector<16xf32>, vector<16xi32>)
      %get3A_517 = arith.constant 144 : index
      %get3A_518 = tpu.vector_load %arg7[%get3A_517] {strides = array<i32>} : memref<512xf32, #tpu.memory_space<vmem>>, vector<16xf32>,
      %add3A_519 = arith.constant 144 : i32
      %add3A_520 = vector.broadcast %add3A_519 : i32 to vector<16xi32>
      %add3A_521 = arith.addi %iota3A, %add3A_520 : vector<16xi32>
      %masked_sort3A_522 = arith.constant dense<true> : vector<16xi1>
      %masked_sort3A_523, %masked_sort3A_524, %masked_sort3A_525 = tpu.sort %get3A_518, %add3A_521 masked %masked_sort3A_522 : (vector<16xf32>, vector<16xi32>, vector<16xi1>) -> (vector<16xi1>, vector<16xf32>, vector<16xi32>)
      %rev3A_526 = arith.constant 15 : i32
      %rev3A_527 = vector.broadcast %rev3A_526 : i32 to vector<16xi32>
      %rev3A_528 = tpu.iota {dimensions = array<i32: 0>} : vector<16xi32>
      %rev3A_529 = arith.subi %rev3A_527, %rev3A_528 : vector<16xi32>
      %rev3A_530 = tpu.dynamic_gather %masked_sort3A_524[%rev3A_529] in [0] : vector<16xf32>, vector<16xi32> -> vector<16xf32>
      %rev3A_531 = arith.constant 15 : i32
      %rev3A_532 = vector.broadcast %rev3A_531 : i32 to vector<16xi32>
      %rev3A_533 = tpu.iota {dimensions = array<i32: 0>} : vector<16xi32>
      %rev3A_534 = arith.subi %rev3A_532, %rev3A_533 : vector<16xi32>
      %rev3A_535 = tpu.dynamic_gather %masked_sort3A_525[%rev3A_534] in [0] : vector<16xi32>, vector<16xi32> -> vector<16xi32>
      %le3A_536 = arith.cmpf ole, %masked_sort3A_515, %rev3A_530 : vector<16xf32>
      %select_n3A_537 = arith.select %le3A_536, %masked_sort3A_515, %rev3A_530 : vector<16xi1>, vector<16xf32>
      %select_n3A_538 = arith.select %le3A_536, %masked_sort3A_516, %rev3A_535 : vector<16xi1>, vector<16xi32>
      %masked_sort3A_539 = arith.constant dense<true> : vector<16xi1>
      %masked_sort3A_540, %masked_sort3A_541, %masked_sort3A_542 = tpu.sort %select_n3A_537, %select_n3A_538 masked %masked_sort3A_539 : (vector<16xf32>, vector<16xi32>, vector<16xi1>) -> (vector<16xi1>, vector<16xf32>, vector<16xi32>)
      %rev3A_543 = arith.constant 15 : i32
      %rev3A_544 = vector.broadcast %rev3A_543 : i32 to vector<16xi32>
      %rev3A_545 = tpu.iota {dimensions = array<i32: 0>} : vector<16xi32>
      %rev3A_546 = arith.subi %rev3A_544, %rev3A_545 : vector<16xi32>
      %rev3A_547 = tpu.dynamic_gather %masked_sort3A_541[%rev3A_546] in [0] : vector<16xf32>, vector<16xi32> -> vector<16xf32>
      %rev3A_548 = arith.constant 15 : i32
      %rev3A_549 = vector.broadcast %rev3A_548 : i32 to vector<16xi32>
      %rev3A_550 = tpu.iota {dimensions = array<i32: 0>} : vector<16xi32>
      %rev3A_551 = arith.subi %rev3A_549, %rev3A_550 : vector<16xi32>
      %rev3A_552 = tpu.dynamic_gather %masked_sort3A_542[%rev3A_551] in [0] : vector<16xi32>, vector<16xi32> -> vector<16xi32>
      %le3A_553 = arith.cmpf ole, %masked_sort3A_511, %rev3A_547 : vector<16xf32>
      %select_n3A_554 = arith.select %le3A_553, %masked_sort3A_511, %rev3A_547 : vector<16xi1>, vector<16xf32>
      %select_n3A_555 = arith.select %le3A_553, %masked_sort3A_512, %rev3A_552 : vector<16xi1>, vector<16xi32>
      %select_n3A_556 = arith.select %le3A_553, %rev3A_547, %masked_sort3A_511 : vector<16xi1>, vector<16xf32>
      %select_n3A_557 = arith.select %le3A_553, %rev3A_552, %masked_sort3A_512 : vector<16xi1>, vector<16xi32>
      %masked_sort3A_558 = arith.constant dense<true> : vector<16xi1>
      %masked_sort3A_559, %masked_sort3A_560, %masked_sort3A_561 = tpu.sort %select_n3A_554, %select_n3A_555 masked %masked_sort3A_558 : (vector<16xf32>, vector<16xi32>, vector<16xi1>) -> (vector<16xi1>, vector<16xf32>, vector<16xi32>)
      %masked_sort3A_562 = arith.constant dense<true> : vector<16xi1>
      %masked_sort3A_563, %masked_sort3A_564, %masked_sort3A_565 = tpu.sort %select_n3A_556, %select_n3A_557 masked %masked_sort3A_562 : (vector<16xf32>, vector<16xi32>, vector<16xi1>) -> (vector<16xi1>, vector<16xf32>, vector<16xi32>)
      %get3A_566 = arith.constant 160 : index
      %get3A_567 = tpu.vector_load %arg7[%get3A_566] {strides = array<i32>} : memref<512xf32, #tpu.memory_space<vmem>>, vector<16xf32>,
      %add3A_568 = arith.constant 160 : i32
      %add3A_569 = vector.broadcast %add3A_568 : i32 to vector<16xi32>
      %add3A_570 = arith.addi %iota3A, %add3A_569 : vector<16xi32>
      %masked_sort3A_571 = arith.constant dense<true> : vector<16xi1>
      %masked_sort3A_572, %masked_sort3A_573, %masked_sort3A_574 = tpu.sort %get3A_567, %add3A_570 masked %masked_sort3A_571 : (vector<16xf32>, vector<16xi32>, vector<16xi1>) -> (vector<16xi1>, vector<16xf32>, vector<16xi32>)
      %rev3A_575 = arith.constant 15 : i32
      %rev3A_576 = vector.broadcast %rev3A_575 : i32 to vector<16xi32>
      %rev3A_577 = tpu.iota {dimensions = array<i32: 0>} : vector<16xi32>
      %rev3A_578 = arith.subi %rev3A_576, %rev3A_577 : vector<16xi32>
      %rev3A_579 = tpu.dynamic_gather %masked_sort3A_573[%rev3A_578] in [0] : vector<16xf32>, vector<16xi32> -> vector<16xf32>
      %rev3A_580 = arith.constant 15 : i32
      %rev3A_581 = vector.broadcast %rev3A_580 : i32 to vector<16xi32>
      %rev3A_582 = tpu.iota {dimensions = array<i32: 0>} : vector<16xi32>
      %rev3A_583 = arith.subi %rev3A_581, %rev3A_582 : vector<16xi32>
      %rev3A_584 = tpu.dynamic_gather %masked_sort3A_574[%rev3A_583] in [0] : vector<16xi32>, vector<16xi32> -> vector<16xi32>
      %le3A_585 = arith.cmpf ole, %masked_sort3A_564, %rev3A_579 : vector<16xf32>
      %select_n3A_586 = arith.select %le3A_585, %masked_sort3A_564, %rev3A_579 : vector<16xi1>, vector<16xf32>
      %select_n3A_587 = arith.select %le3A_585, %masked_sort3A_565, %rev3A_584 : vector<16xi1>, vector<16xi32>
      %masked_sort3A_588 = arith.constant dense<true> : vector<16xi1>
      %masked_sort3A_589, %masked_sort3A_590, %masked_sort3A_591 = tpu.sort %select_n3A_586, %select_n3A_587 masked %masked_sort3A_588 : (vector<16xf32>, vector<16xi32>, vector<16xi1>) -> (vector<16xi1>, vector<16xf32>, vector<16xi32>)
      %rev3A_592 = arith.constant 15 : i32
      %rev3A_593 = vector.broadcast %rev3A_592 : i32 to vector<16xi32>
      %rev3A_594 = tpu.iota {dimensions = array<i32: 0>} : vector<16xi32>
      %rev3A_595 = arith.subi %rev3A_593, %rev3A_594 : vector<16xi32>
      %rev3A_596 = tpu.dynamic_gather %masked_sort3A_590[%rev3A_595] in [0] : vector<16xf32>, vector<16xi32> -> vector<16xf32>
      %rev3A_597 = arith.constant 15 : i32
      %rev3A_598 = vector.broadcast %rev3A_597 : i32 to vector<16xi32>
      %rev3A_599 = tpu.iota {dimensions = array<i32: 0>} : vector<16xi32>
      %rev3A_600 = arith.subi %rev3A_598, %rev3A_599 : vector<16xi32>
      %rev3A_601 = tpu.dynamic_gather %masked_sort3A_591[%rev3A_600] in [0] : vector<16xi32>, vector<16xi32> -> vector<16xi32>
      %le3A_602 = arith.cmpf ole, %masked_sort3A_560, %rev3A_596 : vector<16xf32>
      %select_n3A_603 = arith.select %le3A_602, %masked_sort3A_560, %rev3A_596 : vector<16xi1>, vector<16xf32>
      %select_n3A_604 = arith.select %le3A_602, %masked_sort3A_561, %rev3A_601 : vector<16xi1>, vector<16xi32>
      %select_n3A_605 = arith.select %le3A_602, %rev3A_596, %masked_sort3A_560 : vector<16xi1>, vector<16xf32>
      %select_n3A_606 = arith.select %le3A_602, %rev3A_601, %masked_sort3A_561 : vector<16xi1>, vector<16xi32>
      %masked_sort3A_607 = arith.constant dense<true> : vector<16xi1>
      %masked_sort3A_608, %masked_sort3A_609, %masked_sort3A_610 = tpu.sort %select_n3A_603, %select_n3A_604 masked %masked_sort3A_607 : (vector<16xf32>, vector<16xi32>, vector<16xi1>) -> (vector<16xi1>, vector<16xf32>, vector<16xi32>)
      %masked_sort3A_611 = arith.constant dense<true> : vector<16xi1>
      %masked_sort3A_612, %masked_sort3A_613, %masked_sort3A_614 = tpu.sort %select_n3A_605, %select_n3A_606 masked %masked_sort3A_611 : (vector<16xf32>, vector<16xi32>, vector<16xi1>) -> (vector<16xi1>, vector<16xf32>, vector<16xi32>)
      %get3A_615 = arith.constant 176 : index
      %get3A_616 = tpu.vector_load %arg7[%get3A_615] {strides = array<i32>} : memref<512xf32, #tpu.memory_space<vmem>>, vector<16xf32>,
      %add3A_617 = arith.constant 176 : i32
      %add3A_618 = vector.broadcast %add3A_617 : i32 to vector<16xi32>
      %add3A_619 = arith.addi %iota3A, %add3A_618 : vector<16xi32>
      %masked_sort3A_620 = arith.constant dense<true> : vector<16xi1>
      %masked_sort3A_621, %masked_sort3A_622, %masked_sort3A_623 = tpu.sort %get3A_616, %add3A_619 masked %masked_sort3A_620 : (vector<16xf32>, vector<16xi32>, vector<16xi1>) -> (vector<16xi1>, vector<16xf32>, vector<16xi32>)
      %rev3A_624 = arith.constant 15 : i32
      %rev3A_625 = vector.broadcast %rev3A_624 : i32 to vector<16xi32>
      %rev3A_626 = tpu.iota {dimensions = array<i32: 0>} : vector<16xi32>
      %rev3A_627 = arith.subi %rev3A_625, %rev3A_626 : vector<16xi32>
      %rev3A_628 = tpu.dynamic_gather %masked_sort3A_622[%rev3A_627] in [0] : vector<16xf32>, vector<16xi32> -> vector<16xf32>
      %rev3A_629 = arith.constant 15 : i32
      %rev3A_630 = vector.broadcast %rev3A_629 : i32 to vector<16xi32>
      %rev3A_631 = tpu.iota {dimensions = array<i32: 0>} : vector<16xi32>
      %rev3A_632 = arith.subi %rev3A_630, %rev3A_631 : vector<16xi32>
      %rev3A_633 = tpu.dynamic_gather %masked_sort3A_623[%rev3A_632] in [0] : vector<16xi32>, vector<16xi32> -> vector<16xi32>
      %le3A_634 = arith.cmpf ole, %masked_sort3A_613, %rev3A_628 : vector<16xf32>
      %select_n3A_635 = arith.select %le3A_634, %masked_sort3A_613, %rev3A_628 : vector<16xi1>, vector<16xf32>
      %select_n3A_636 = arith.select %le3A_634, %masked_sort3A_614, %rev3A_633 : vector<16xi1>, vector<16xi32>
      %masked_sort3A_637 = arith.constant dense<true> : vector<16xi1>
      %masked_sort3A_638, %masked_sort3A_639, %masked_sort3A_640 = tpu.sort %select_n3A_635, %select_n3A_636 masked %masked_sort3A_637 : (vector<16xf32>, vector<16xi32>, vector<16xi1>) -> (vector<16xi1>, vector<16xf32>, vector<16xi32>)
      %rev3A_641 = arith.constant 15 : i32
      %rev3A_642 = vector.broadcast %rev3A_641 : i32 to vector<16xi32>
      %rev3A_643 = tpu.iota {dimensions = array<i32: 0>} : vector<16xi32>
      %rev3A_644 = arith.subi %rev3A_642, %rev3A_643 : vector<16xi32>
      %rev3A_645 = tpu.dynamic_gather %masked_sort3A_639[%rev3A_644] in [0] : vector<16xf32>, vector<16xi32> -> vector<16xf32>
      %rev3A_646 = arith.constant 15 : i32
      %rev3A_647 = vector.broadcast %rev3A_646 : i32 to vector<16xi32>
      %rev3A_648 = tpu.iota {dimensions = array<i32: 0>} : vector<16xi32>
      %rev3A_649 = arith.subi %rev3A_647, %rev3A_648 : vector<16xi32>
      %rev3A_650 = tpu.dynamic_gather %masked_sort3A_640[%rev3A_649] in [0] : vector<16xi32>, vector<16xi32> -> vector<16xi32>
      %le3A_651 = arith.cmpf ole, %masked_sort3A_609, %rev3A_645 : vector<16xf32>
      %select_n3A_652 = arith.select %le3A_651, %masked_sort3A_609, %rev3A_645 : vector<16xi1>, vector<16xf32>
      %select_n3A_653 = arith.select %le3A_651, %masked_sort3A_610, %rev3A_650 : vector<16xi1>, vector<16xi32>
      %select_n3A_654 = arith.select %le3A_651, %rev3A_645, %masked_sort3A_609 : vector<16xi1>, vector<16xf32>
      %select_n3A_655 = arith.select %le3A_651, %rev3A_650, %masked_sort3A_610 : vector<16xi1>, vector<16xi32>
      %masked_sort3A_656 = arith.constant dense<true> : vector<16xi1>
      %masked_sort3A_657, %masked_sort3A_658, %masked_sort3A_659 = tpu.sort %select_n3A_652, %select_n3A_653 masked %masked_sort3A_656 : (vector<16xf32>, vector<16xi32>, vector<16xi1>) -> (vector<16xi1>, vector<16xf32>, vector<16xi32>)
      %masked_sort3A_660 = arith.constant dense<true> : vector<16xi1>
      %masked_sort3A_661, %masked_sort3A_662, %masked_sort3A_663 = tpu.sort %select_n3A_654, %select_n3A_655 masked %masked_sort3A_660 : (vector<16xf32>, vector<16xi32>, vector<16xi1>) -> (vector<16xi1>, vector<16xf32>, vector<16xi32>)
      %get3A_664 = arith.constant 192 : index
      %get3A_665 = tpu.vector_load %arg7[%get3A_664] {strides = array<i32>} : memref<512xf32, #tpu.memory_space<vmem>>, vector<16xf32>,
      %add3A_666 = arith.constant 192 : i32
      %add3A_667 = vector.broadcast %add3A_666 : i32 to vector<16xi32>
      %add3A_668 = arith.addi %iota3A, %add3A_667 : vector<16xi32>
      %masked_sort3A_669 = arith.constant dense<true> : vector<16xi1>
      %masked_sort3A_670, %masked_sort3A_671, %masked_sort3A_672 = tpu.sort %get3A_665, %add3A_668 masked %masked_sort3A_669 : (vector<16xf32>, vector<16xi32>, vector<16xi1>) -> (vector<16xi1>, vector<16xf32>, vector<16xi32>)
      %rev3A_673 = arith.constant 15 : i32
      %rev3A_674 = vector.broadcast %rev3A_673 : i32 to vector<16xi32>
      %rev3A_675 = tpu.iota {dimensions = array<i32: 0>} : vector<16xi32>
      %rev3A_676 = arith.subi %rev3A_674, %rev3A_675 : vector<16xi32>
      %rev3A_677 = tpu.dynamic_gather %masked_sort3A_671[%rev3A_676] in [0] : vector<16xf32>, vector<16xi32> -> vector<16xf32>
      %rev3A_678 = arith.constant 15 : i32
      %rev3A_679 = vector.broadcast %rev3A_678 : i32 to vector<16xi32>
      %rev3A_680 = tpu.iota {dimensions = array<i32: 0>} : vector<16xi32>
      %rev3A_681 = arith.subi %rev3A_679, %rev3A_680 : vector<16xi32>
      %rev3A_682 = tpu.dynamic_gather %masked_sort3A_672[%rev3A_681] in [0] : vector<16xi32>, vector<16xi32> -> vector<16xi32>
      %le3A_683 = arith.cmpf ole, %masked_sort3A_662, %rev3A_677 : vector<16xf32>
      %select_n3A_684 = arith.select %le3A_683, %masked_sort3A_662, %rev3A_677 : vector<16xi1>, vector<16xf32>
      %select_n3A_685 = arith.select %le3A_683, %masked_sort3A_663, %rev3A_682 : vector<16xi1>, vector<16xi32>
      %masked_sort3A_686 = arith.constant dense<true> : vector<16xi1>
      %masked_sort3A_687, %masked_sort3A_688, %masked_sort3A_689 = tpu.sort %select_n3A_684, %select_n3A_685 masked %masked_sort3A_686 : (vector<16xf32>, vector<16xi32>, vector<16xi1>) -> (vector<16xi1>, vector<16xf32>, vector<16xi32>)
      %rev3A_690 = arith.constant 15 : i32
      %rev3A_691 = vector.broadcast %rev3A_690 : i32 to vector<16xi32>
      %rev3A_692 = tpu.iota {dimensions = array<i32: 0>} : vector<16xi32>
      %rev3A_693 = arith.subi %rev3A_691, %rev3A_692 : vector<16xi32>
      %rev3A_694 = tpu.dynamic_gather %masked_sort3A_688[%rev3A_693] in [0] : vector<16xf32>, vector<16xi32> -> vector<16xf32>
      %rev3A_695 = arith.constant 15 : i32
      %rev3A_696 = vector.broadcast %rev3A_695 : i32 to vector<16xi32>
      %rev3A_697 = tpu.iota {dimensions = array<i32: 0>} : vector<16xi32>
      %rev3A_698 = arith.subi %rev3A_696, %rev3A_697 : vector<16xi32>
      %rev3A_699 = tpu.dynamic_gather %masked_sort3A_689[%rev3A_698] in [0] : vector<16xi32>, vector<16xi32> -> vector<16xi32>
      %le3A_700 = arith.cmpf ole, %masked_sort3A_658, %rev3A_694 : vector<16xf32>
      %select_n3A_701 = arith.select %le3A_700, %masked_sort3A_658, %rev3A_694 : vector<16xi1>, vector<16xf32>
      %select_n3A_702 = arith.select %le3A_700, %masked_sort3A_659, %rev3A_699 : vector<16xi1>, vector<16xi32>
      %select_n3A_703 = arith.select %le3A_700, %rev3A_694, %masked_sort3A_658 : vector<16xi1>, vector<16xf32>
      %select_n3A_704 = arith.select %le3A_700, %rev3A_699, %masked_sort3A_659 : vector<16xi1>, vector<16xi32>
      %masked_sort3A_705 = arith.constant dense<true> : vector<16xi1>
      %masked_sort3A_706, %masked_sort3A_707, %masked_sort3A_708 = tpu.sort %select_n3A_701, %select_n3A_702 masked %masked_sort3A_705 : (vector<16xf32>, vector<16xi32>, vector<16xi1>) -> (vector<16xi1>, vector<16xf32>, vector<16xi32>)
      %masked_sort3A_709 = arith.constant dense<true> : vector<16xi1>
      %masked_sort3A_710, %masked_sort3A_711, %masked_sort3A_712 = tpu.sort %select_n3A_703, %select_n3A_704 masked %masked_sort3A_709 : (vector<16xf32>, vector<16xi32>, vector<16xi1>) -> (vector<16xi1>, vector<16xf32>, vector<16xi32>)
      %get3A_713 = arith.constant 208 : index
      %get3A_714 = tpu.vector_load %arg7[%get3A_713] {strides = array<i32>} : memref<512xf32, #tpu.memory_space<vmem>>, vector<16xf32>,
      %add3A_715 = arith.constant 208 : i32
      %add3A_716 = vector.broadcast %add3A_715 : i32 to vector<16xi32>
      %add3A_717 = arith.addi %iota3A, %add3A_716 : vector<16xi32>
      %masked_sort3A_718 = arith.constant dense<true> : vector<16xi1>
      %masked_sort3A_719, %masked_sort3A_720, %masked_sort3A_721 = tpu.sort %get3A_714, %add3A_717 masked %masked_sort3A_718 : (vector<16xf32>, vector<16xi32>, vector<16xi1>) -> (vector<16xi1>, vector<16xf32>, vector<16xi32>)
      %rev3A_722 = arith.constant 15 : i32
      %rev3A_723 = vector.broadcast %rev3A_722 : i32 to vector<16xi32>
      %rev3A_724 = tpu.iota {dimensions = array<i32: 0>} : vector<16xi32>
      %rev3A_725 = arith.subi %rev3A_723, %rev3A_724 : vector<16xi32>
      %rev3A_726 = tpu.dynamic_gather %masked_sort3A_720[%rev3A_725] in [0] : vector<16xf32>, vector<16xi32> -> vector<16xf32>
      %rev3A_727 = arith.constant 15 : i32
      %rev3A_728 = vector.broadcast %rev3A_727 : i32 to vector<16xi32>
      %rev3A_729 = tpu.iota {dimensions = array<i32: 0>} : vector<16xi32>
      %rev3A_730 = arith.subi %rev3A_728, %rev3A_729 : vector<16xi32>
      %rev3A_731 = tpu.dynamic_gather %masked_sort3A_721[%rev3A_730] in [0] : vector<16xi32>, vector<16xi32> -> vector<16xi32>
      %le3A_732 = arith.cmpf ole, %masked_sort3A_711, %rev3A_726 : vector<16xf32>
      %select_n3A_733 = arith.select %le3A_732, %masked_sort3A_711, %rev3A_726 : vector<16xi1>, vector<16xf32>
      %select_n3A_734 = arith.select %le3A_732, %masked_sort3A_712, %rev3A_731 : vector<16xi1>, vector<16xi32>
      %masked_sort3A_735 = arith.constant dense<true> : vector<16xi1>
      %masked_sort3A_736, %masked_sort3A_737, %masked_sort3A_738 = tpu.sort %select_n3A_733, %select_n3A_734 masked %masked_sort3A_735 : (vector<16xf32>, vector<16xi32>, vector<16xi1>) -> (vector<16xi1>, vector<16xf32>, vector<16xi32>)
      %rev3A_739 = arith.constant 15 : i32
      %rev3A_740 = vector.broadcast %rev3A_739 : i32 to vector<16xi32>
      %rev3A_741 = tpu.iota {dimensions = array<i32: 0>} : vector<16xi32>
      %rev3A_742 = arith.subi %rev3A_740, %rev3A_741 : vector<16xi32>
      %rev3A_743 = tpu.dynamic_gather %masked_sort3A_737[%rev3A_742] in [0] : vector<16xf32>, vector<16xi32> -> vector<16xf32>
      %rev3A_744 = arith.constant 15 : i32
      %rev3A_745 = vector.broadcast %rev3A_744 : i32 to vector<16xi32>
      %rev3A_746 = tpu.iota {dimensions = array<i32: 0>} : vector<16xi32>
      %rev3A_747 = arith.subi %rev3A_745, %rev3A_746 : vector<16xi32>
      %rev3A_748 = tpu.dynamic_gather %masked_sort3A_738[%rev3A_747] in [0] : vector<16xi32>, vector<16xi32> -> vector<16xi32>
      %le3A_749 = arith.cmpf ole, %masked_sort3A_707, %rev3A_743 : vector<16xf32>
      %select_n3A_750 = arith.select %le3A_749, %masked_sort3A_707, %rev3A_743 : vector<16xi1>, vector<16xf32>
      %select_n3A_751 = arith.select %le3A_749, %masked_sort3A_708, %rev3A_748 : vector<16xi1>, vector<16xi32>
      %select_n3A_752 = arith.select %le3A_749, %rev3A_743, %masked_sort3A_707 : vector<16xi1>, vector<16xf32>
      %select_n3A_753 = arith.select %le3A_749, %rev3A_748, %masked_sort3A_708 : vector<16xi1>, vector<16xi32>
      %masked_sort3A_754 = arith.constant dense<true> : vector<16xi1>
      %masked_sort3A_755, %masked_sort3A_756, %masked_sort3A_757 = tpu.sort %select_n3A_750, %select_n3A_751 masked %masked_sort3A_754 : (vector<16xf32>, vector<16xi32>, vector<16xi1>) -> (vector<16xi1>, vector<16xf32>, vector<16xi32>)
      %masked_sort3A_758 = arith.constant dense<true> : vector<16xi1>
      %masked_sort3A_759, %masked_sort3A_760, %masked_sort3A_761 = tpu.sort %select_n3A_752, %select_n3A_753 masked %masked_sort3A_758 : (vector<16xf32>, vector<16xi32>, vector<16xi1>) -> (vector<16xi1>, vector<16xf32>, vector<16xi32>)
      %get3A_762 = arith.constant 224 : index
      %get3A_763 = tpu.vector_load %arg7[%get3A_762] {strides = array<i32>} : memref<512xf32, #tpu.memory_space<vmem>>, vector<16xf32>,
      %add3A_764 = arith.constant 224 : i32
      %add3A_765 = vector.broadcast %add3A_764 : i32 to vector<16xi32>
      %add3A_766 = arith.addi %iota3A, %add3A_765 : vector<16xi32>
      %masked_sort3A_767 = arith.constant dense<true> : vector<16xi1>
      %masked_sort3A_768, %masked_sort3A_769, %masked_sort3A_770 = tpu.sort %get3A_763, %add3A_766 masked %masked_sort3A_767 : (vector<16xf32>, vector<16xi32>, vector<16xi1>) -> (vector<16xi1>, vector<16xf32>, vector<16xi32>)
      %rev3A_771 = arith.constant 15 : i32
      %rev3A_772 = vector.broadcast %rev3A_771 : i32 to vector<16xi32>
      %rev3A_773 = tpu.iota {dimensions = array<i32: 0>} : vector<16xi32>
      %rev3A_774 = arith.subi %rev3A_772, %rev3A_773 : vector<16xi32>
      %rev3A_775 = tpu.dynamic_gather %masked_sort3A_769[%rev3A_774] in [0] : vector<16xf32>, vector<16xi32> -> vector<16xf32>
      %rev3A_776 = arith.constant 15 : i32
      %rev3A_777 = vector.broadcast %rev3A_776 : i32 to vector<16xi32>
      %rev3A_778 = tpu.iota {dimensions = array<i32: 0>} : vector<16xi32>
      %rev3A_779 = arith.subi %rev3A_777, %rev3A_778 : vector<16xi32>
      %rev3A_780 = tpu.dynamic_gather %masked_sort3A_770[%rev3A_779] in [0] : vector<16xi32>, vector<16xi32> -> vector<16xi32>
      %le3A_781 = arith.cmpf ole, %masked_sort3A_760, %rev3A_775 : vector<16xf32>
      %select_n3A_782 = arith.select %le3A_781, %masked_sort3A_760, %rev3A_775 : vector<16xi1>, vector<16xf32>
      %select_n3A_783 = arith.select %le3A_781, %masked_sort3A_761, %rev3A_780 : vector<16xi1>, vector<16xi32>
      %masked_sort3A_784 = arith.constant dense<true> : vector<16xi1>
      %masked_sort3A_785, %masked_sort3A_786, %masked_sort3A_787 = tpu.sort %select_n3A_782, %select_n3A_783 masked %masked_sort3A_784 : (vector<16xf32>, vector<16xi32>, vector<16xi1>) -> (vector<16xi1>, vector<16xf32>, vector<16xi32>)
      %rev3A_788 = arith.constant 15 : i32
      %rev3A_789 = vector.broadcast %rev3A_788 : i32 to vector<16xi32>
      %rev3A_790 = tpu.iota {dimensions = array<i32: 0>} : vector<16xi32>
      %rev3A_791 = arith.subi %rev3A_789, %rev3A_790 : vector<16xi32>
      %rev3A_792 = tpu.dynamic_gather %masked_sort3A_786[%rev3A_791] in [0] : vector<16xf32>, vector<16xi32> -> vector<16xf32>
      %rev3A_793 = arith.constant 15 : i32
      %rev3A_794 = vector.broadcast %rev3A_793 : i32 to vector<16xi32>
      %rev3A_795 = tpu.iota {dimensions = array<i32: 0>} : vector<16xi32>
      %rev3A_796 = arith.subi %rev3A_794, %rev3A_795 : vector<16xi32>
      %rev3A_797 = tpu.dynamic_gather %masked_sort3A_787[%rev3A_796] in [0] : vector<16xi32>, vector<16xi32> -> vector<16xi32>
      %le3A_798 = arith.cmpf ole, %masked_sort3A_756, %rev3A_792 : vector<16xf32>
      %select_n3A_799 = arith.select %le3A_798, %masked_sort3A_756, %rev3A_792 : vector<16xi1>, vector<16xf32>
      %select_n3A_800 = arith.select %le3A_798, %masked_sort3A_757, %rev3A_797 : vector<16xi1>, vector<16xi32>
      %select_n3A_801 = arith.select %le3A_798, %rev3A_792, %masked_sort3A_756 : vector<16xi1>, vector<16xf32>
      %select_n3A_802 = arith.select %le3A_798, %rev3A_797, %masked_sort3A_757 : vector<16xi1>, vector<16xi32>
      %masked_sort3A_803 = arith.constant dense<true> : vector<16xi1>
      %masked_sort3A_804, %masked_sort3A_805, %masked_sort3A_806 = tpu.sort %select_n3A_799, %select_n3A_800 masked %masked_sort3A_803 : (vector<16xf32>, vector<16xi32>, vector<16xi1>) -> (vector<16xi1>, vector<16xf32>, vector<16xi32>)
      %masked_sort3A_807 = arith.constant dense<true> : vector<16xi1>
      %masked_sort3A_808, %masked_sort3A_809, %masked_sort3A_810 = tpu.sort %select_n3A_801, %select_n3A_802 masked %masked_sort3A_807 : (vector<16xf32>, vector<16xi32>, vector<16xi1>) -> (vector<16xi1>, vector<16xf32>, vector<16xi32>)
      %get3A_811 = arith.constant 240 : index
      %get3A_812 = tpu.vector_load %arg7[%get3A_811] {strides = array<i32>} : memref<512xf32, #tpu.memory_space<vmem>>, vector<16xf32>,
      %add3A_813 = arith.constant 240 : i32
      %add3A_814 = vector.broadcast %add3A_813 : i32 to vector<16xi32>
      %add3A_815 = arith.addi %iota3A, %add3A_814 : vector<16xi32>
      %masked_sort3A_816 = arith.constant dense<true> : vector<16xi1>
      %masked_sort3A_817, %masked_sort3A_818, %masked_sort3A_819 = tpu.sort %get3A_812, %add3A_815 masked %masked_sort3A_816 : (vector<16xf32>, vector<16xi32>, vector<16xi1>) -> (vector<16xi1>, vector<16xf32>, vector<16xi32>)
      %rev3A_820 = arith.constant 15 : i32
      %rev3A_821 = vector.broadcast %rev3A_820 : i32 to vector<16xi32>
      %rev3A_822 = tpu.iota {dimensions = array<i32: 0>} : vector<16xi32>
      %rev3A_823 = arith.subi %rev3A_821, %rev3A_822 : vector<16xi32>
      %rev3A_824 = tpu.dynamic_gather %masked_sort3A_818[%rev3A_823] in [0] : vector<16xf32>, vector<16xi32> -> vector<16xf32>
      %rev3A_825 = arith.constant 15 : i32
      %rev3A_826 = vector.broadcast %rev3A_825 : i32 to vector<16xi32>
      %rev3A_827 = tpu.iota {dimensions = array<i32: 0>} : vector<16xi32>
      %rev3A_828 = arith.subi %rev3A_826, %rev3A_827 : vector<16xi32>
      %rev3A_829 = tpu.dynamic_gather %masked_sort3A_819[%rev3A_828] in [0] : vector<16xi32>, vector<16xi32> -> vector<16xi32>
      %le3A_830 = arith.cmpf ole, %masked_sort3A_809, %rev3A_824 : vector<16xf32>
      %select_n3A_831 = arith.select %le3A_830, %masked_sort3A_809, %rev3A_824 : vector<16xi1>, vector<16xf32>
      %select_n3A_832 = arith.select %le3A_830, %masked_sort3A_810, %rev3A_829 : vector<16xi1>, vector<16xi32>
      %masked_sort3A_833 = arith.constant dense<true> : vector<16xi1>
      %masked_sort3A_834, %masked_sort3A_835, %masked_sort3A_836 = tpu.sort %select_n3A_831, %select_n3A_832 masked %masked_sort3A_833 : (vector<16xf32>, vector<16xi32>, vector<16xi1>) -> (vector<16xi1>, vector<16xf32>, vector<16xi32>)
      %rev3A_837 = arith.constant 15 : i32
      %rev3A_838 = vector.broadcast %rev3A_837 : i32 to vector<16xi32>
      %rev3A_839 = tpu.iota {dimensions = array<i32: 0>} : vector<16xi32>
      %rev3A_840 = arith.subi %rev3A_838, %rev3A_839 : vector<16xi32>
      %rev3A_841 = tpu.dynamic_gather %masked_sort3A_835[%rev3A_840] in [0] : vector<16xf32>, vector<16xi32> -> vector<16xf32>
      %rev3A_842 = arith.constant 15 : i32
      %rev3A_843 = vector.broadcast %rev3A_842 : i32 to vector<16xi32>
      %rev3A_844 = tpu.iota {dimensions = array<i32: 0>} : vector<16xi32>
      %rev3A_845 = arith.subi %rev3A_843, %rev3A_844 : vector<16xi32>
      %rev3A_846 = tpu.dynamic_gather %masked_sort3A_836[%rev3A_845] in [0] : vector<16xi32>, vector<16xi32> -> vector<16xi32>
      %le3A_847 = arith.cmpf ole, %masked_sort3A_805, %rev3A_841 : vector<16xf32>
      %select_n3A_848 = arith.select %le3A_847, %masked_sort3A_805, %rev3A_841 : vector<16xi1>, vector<16xf32>
      %select_n3A_849 = arith.select %le3A_847, %masked_sort3A_806, %rev3A_846 : vector<16xi1>, vector<16xi32>
      %select_n3A_850 = arith.select %le3A_847, %rev3A_841, %masked_sort3A_805 : vector<16xi1>, vector<16xf32>
      %select_n3A_851 = arith.select %le3A_847, %rev3A_846, %masked_sort3A_806 : vector<16xi1>, vector<16xi32>
      %masked_sort3A_852 = arith.constant dense<true> : vector<16xi1>
      %masked_sort3A_853, %masked_sort3A_854, %masked_sort3A_855 = tpu.sort %select_n3A_848, %select_n3A_849 masked %masked_sort3A_852 : (vector<16xf32>, vector<16xi32>, vector<16xi1>) -> (vector<16xi1>, vector<16xf32>, vector<16xi32>)
      %masked_sort3A_856 = arith.constant dense<true> : vector<16xi1>
      %masked_sort3A_857, %masked_sort3A_858, %masked_sort3A_859 = tpu.sort %select_n3A_850, %select_n3A_851 masked %masked_sort3A_856 : (vector<16xf32>, vector<16xi32>, vector<16xi1>) -> (vector<16xi1>, vector<16xf32>, vector<16xi32>)
      %get3A_860 = arith.constant 256 : index
      %get3A_861 = tpu.vector_load %arg7[%get3A_860] {strides = array<i32>} : memref<512xf32, #tpu.memory_space<vmem>>, vector<16xf32>,
      %add3A_862 = arith.constant 256 : i32
      %add3A_863 = vector.broadcast %add3A_862 : i32 to vector<16xi32>
      %add3A_864 = arith.addi %iota3A, %add3A_863 : vector<16xi32>
      %masked_sort3A_865 = arith.constant dense<true> : vector<16xi1>
      %masked_sort3A_866, %masked_sort3A_867, %masked_sort3A_868 = tpu.sort %get3A_861, %add3A_864 masked %masked_sort3A_865 : (vector<16xf32>, vector<16xi32>, vector<16xi1>) -> (vector<16xi1>, vector<16xf32>, vector<16xi32>)
      %rev3A_869 = arith.constant 15 : i32
      %rev3A_870 = vector.broadcast %rev3A_869 : i32 to vector<16xi32>
      %rev3A_871 = tpu.iota {dimensions = array<i32: 0>} : vector<16xi32>
      %rev3A_872 = arith.subi %rev3A_870, %rev3A_871 : vector<16xi32>
      %rev3A_873 = tpu.dynamic_gather %masked_sort3A_867[%rev3A_872] in [0] : vector<16xf32>, vector<16xi32> -> vector<16xf32>
      %rev3A_874 = arith.constant 15 : i32
      %rev3A_875 = vector.broadcast %rev3A_874 : i32 to vector<16xi32>
      %rev3A_876 = tpu.iota {dimensions = array<i32: 0>} : vector<16xi32>
      %rev3A_877 = arith.subi %rev3A_875, %rev3A_876 : vector<16xi32>
      %rev3A_878 = tpu.dynamic_gather %masked_sort3A_868[%rev3A_877] in [0] : vector<16xi32>, vector<16xi32> -> vector<16xi32>
      %le3A_879 = arith.cmpf ole, %masked_sort3A_858, %rev3A_873 : vector<16xf32>
      %select_n3A_880 = arith.select %le3A_879, %masked_sort3A_858, %rev3A_873 : vector<16xi1>, vector<16xf32>
      %select_n3A_881 = arith.select %le3A_879, %masked_sort3A_859, %rev3A_878 : vector<16xi1>, vector<16xi32>
      %masked_sort3A_882 = arith.constant dense<true> : vector<16xi1>
      %masked_sort3A_883, %masked_sort3A_884, %masked_sort3A_885 = tpu.sort %select_n3A_880, %select_n3A_881 masked %masked_sort3A_882 : (vector<16xf32>, vector<16xi32>, vector<16xi1>) -> (vector<16xi1>, vector<16xf32>, vector<16xi32>)
      %rev3A_886 = arith.constant 15 : i32
      %rev3A_887 = vector.broadcast %rev3A_886 : i32 to vector<16xi32>
      %rev3A_888 = tpu.iota {dimensions = array<i32: 0>} : vector<16xi32>
      %rev3A_889 = arith.subi %rev3A_887, %rev3A_888 : vector<16xi32>
      %rev3A_890 = tpu.dynamic_gather %masked_sort3A_884[%rev3A_889] in [0] : vector<16xf32>, vector<16xi32> -> vector<16xf32>
      %rev3A_891 = arith.constant 15 : i32
      %rev3A_892 = vector.broadcast %rev3A_891 : i32 to vector<16xi32>
      %rev3A_893 = tpu.iota {dimensions = array<i32: 0>} : vector<16xi32>
      %rev3A_894 = arith.subi %rev3A_892, %rev3A_893 : vector<16xi32>
      %rev3A_895 = tpu.dynamic_gather %masked_sort3A_885[%rev3A_894] in [0] : vector<16xi32>, vector<16xi32> -> vector<16xi32>
      %le3A_896 = arith.cmpf ole, %masked_sort3A_854, %rev3A_890 : vector<16xf32>
      %select_n3A_897 = arith.select %le3A_896, %masked_sort3A_854, %rev3A_890 : vector<16xi1>, vector<16xf32>
      %select_n3A_898 = arith.select %le3A_896, %masked_sort3A_855, %rev3A_895 : vector<16xi1>, vector<16xi32>
      %select_n3A_899 = arith.select %le3A_896, %rev3A_890, %masked_sort3A_854 : vector<16xi1>, vector<16xf32>
      %select_n3A_900 = arith.select %le3A_896, %rev3A_895, %masked_sort3A_855 : vector<16xi1>, vector<16xi32>
      %masked_sort3A_901 = arith.constant dense<true> : vector<16xi1>
      %masked_sort3A_902, %masked_sort3A_903, %masked_sort3A_904 = tpu.sort %select_n3A_897, %select_n3A_898 masked %masked_sort3A_901 : (vector<16xf32>, vector<16xi32>, vector<16xi1>) -> (vector<16xi1>, vector<16xf32>, vector<16xi32>)
      %masked_sort3A_905 = arith.constant dense<true> : vector<16xi1>
      %masked_sort3A_906, %masked_sort3A_907, %masked_sort3A_908 = tpu.sort %select_n3A_899, %select_n3A_900 masked %masked_sort3A_905 : (vector<16xf32>, vector<16xi32>, vector<16xi1>) -> (vector<16xi1>, vector<16xf32>, vector<16xi32>)
      %get3A_909 = arith.constant 272 : index
      %get3A_910 = tpu.vector_load %arg7[%get3A_909] {strides = array<i32>} : memref<512xf32, #tpu.memory_space<vmem>>, vector<16xf32>,
      %add3A_911 = arith.constant 272 : i32
      %add3A_912 = vector.broadcast %add3A_911 : i32 to vector<16xi32>
      %add3A_913 = arith.addi %iota3A, %add3A_912 : vector<16xi32>
      %masked_sort3A_914 = arith.constant dense<true> : vector<16xi1>
      %masked_sort3A_915, %masked_sort3A_916, %masked_sort3A_917 = tpu.sort %get3A_910, %add3A_913 masked %masked_sort3A_914 : (vector<16xf32>, vector<16xi32>, vector<16xi1>) -> (vector<16xi1>, vector<16xf32>, vector<16xi32>)
      %rev3A_918 = arith.constant 15 : i32
      %rev3A_919 = vector.broadcast %rev3A_918 : i32 to vector<16xi32>
      %rev3A_920 = tpu.iota {dimensions = array<i32: 0>} : vector<16xi32>
      %rev3A_921 = arith.subi %rev3A_919, %rev3A_920 : vector<16xi32>
      %rev3A_922 = tpu.dynamic_gather %masked_sort3A_916[%rev3A_921] in [0] : vector<16xf32>, vector<16xi32> -> vector<16xf32>
      %rev3A_923 = arith.constant 15 : i32
      %rev3A_924 = vector.broadcast %rev3A_923 : i32 to vector<16xi32>
      %rev3A_925 = tpu.iota {dimensions = array<i32: 0>} : vector<16xi32>
      %rev3A_926 = arith.subi %rev3A_924, %rev3A_925 : vector<16xi32>
      %rev3A_927 = tpu.dynamic_gather %masked_sort3A_917[%rev3A_926] in [0] : vector<16xi32>, vector<16xi32> -> vector<16xi32>
      %le3A_928 = arith.cmpf ole, %masked_sort3A_907, %rev3A_922 : vector<16xf32>
      %select_n3A_929 = arith.select %le3A_928, %masked_sort3A_907, %rev3A_922 : vector<16xi1>, vector<16xf32>
      %select_n3A_930 = arith.select %le3A_928, %masked_sort3A_908, %rev3A_927 : vector<16xi1>, vector<16xi32>
      %masked_sort3A_931 = arith.constant dense<true> : vector<16xi1>
      %masked_sort3A_932, %masked_sort3A_933, %masked_sort3A_934 = tpu.sort %select_n3A_929, %select_n3A_930 masked %masked_sort3A_931 : (vector<16xf32>, vector<16xi32>, vector<16xi1>) -> (vector<16xi1>, vector<16xf32>, vector<16xi32>)
      %rev3A_935 = arith.constant 15 : i32
      %rev3A_936 = vector.broadcast %rev3A_935 : i32 to vector<16xi32>
      %rev3A_937 = tpu.iota {dimensions = array<i32: 0>} : vector<16xi32>
      %rev3A_938 = arith.subi %rev3A_936, %rev3A_937 : vector<16xi32>
      %rev3A_939 = tpu.dynamic_gather %masked_sort3A_933[%rev3A_938] in [0] : vector<16xf32>, vector<16xi32> -> vector<16xf32>
      %rev3A_940 = arith.constant 15 : i32
      %rev3A_941 = vector.broadcast %rev3A_940 : i32 to vector<16xi32>
      %rev3A_942 = tpu.iota {dimensions = array<i32: 0>} : vector<16xi32>
      %rev3A_943 = arith.subi %rev3A_941, %rev3A_942 : vector<16xi32>
      %rev3A_944 = tpu.dynamic_gather %masked_sort3A_934[%rev3A_943] in [0] : vector<16xi32>, vector<16xi32> -> vector<16xi32>
      %le3A_945 = arith.cmpf ole, %masked_sort3A_903, %rev3A_939 : vector<16xf32>
      %select_n3A_946 = arith.select %le3A_945, %masked_sort3A_903, %rev3A_939 : vector<16xi1>, vector<16xf32>
      %select_n3A_947 = arith.select %le3A_945, %masked_sort3A_904, %rev3A_944 : vector<16xi1>, vector<16xi32>
      %select_n3A_948 = arith.select %le3A_945, %rev3A_939, %masked_sort3A_903 : vector<16xi1>, vector<16xf32>
      %select_n3A_949 = arith.select %le3A_945, %rev3A_944, %masked_sort3A_904 : vector<16xi1>, vector<16xi32>
      %masked_sort3A_950 = arith.constant dense<true> : vector<16xi1>
      %masked_sort3A_951, %masked_sort3A_952, %masked_sort3A_953 = tpu.sort %select_n3A_946, %select_n3A_947 masked %masked_sort3A_950 : (vector<16xf32>, vector<16xi32>, vector<16xi1>) -> (vector<16xi1>, vector<16xf32>, vector<16xi32>)
      %masked_sort3A_954 = arith.constant dense<true> : vector<16xi1>
      %masked_sort3A_955, %masked_sort3A_956, %masked_sort3A_957 = tpu.sort %select_n3A_948, %select_n3A_949 masked %masked_sort3A_954 : (vector<16xf32>, vector<16xi32>, vector<16xi1>) -> (vector<16xi1>, vector<16xf32>, vector<16xi32>)
      %get3A_958 = arith.constant 288 : index
      %get3A_959 = tpu.vector_load %arg7[%get3A_958] {strides = array<i32>} : memref<512xf32, #tpu.memory_space<vmem>>, vector<16xf32>,
      %add3A_960 = arith.constant 288 : i32
      %add3A_961 = vector.broadcast %add3A_960 : i32 to vector<16xi32>
      %add3A_962 = arith.addi %iota3A, %add3A_961 : vector<16xi32>
      %masked_sort3A_963 = arith.constant dense<true> : vector<16xi1>
      %masked_sort3A_964, %masked_sort3A_965, %masked_sort3A_966 = tpu.sort %get3A_959, %add3A_962 masked %masked_sort3A_963 : (vector<16xf32>, vector<16xi32>, vector<16xi1>) -> (vector<16xi1>, vector<16xf32>, vector<16xi32>)
      %rev3A_967 = arith.constant 15 : i32
      %rev3A_968 = vector.broadcast %rev3A_967 : i32 to vector<16xi32>
      %rev3A_969 = tpu.iota {dimensions = array<i32: 0>} : vector<16xi32>
      %rev3A_970 = arith.subi %rev3A_968, %rev3A_969 : vector<16xi32>
      %rev3A_971 = tpu.dynamic_gather %masked_sort3A_965[%rev3A_970] in [0] : vector<16xf32>, vector<16xi32> -> vector<16xf32>
      %rev3A_972 = arith.constant 15 : i32
      %rev3A_973 = vector.broadcast %rev3A_972 : i32 to vector<16xi32>
      %rev3A_974 = tpu.iota {dimensions = array<i32: 0>} : vector<16xi32>
      %rev3A_975 = arith.subi %rev3A_973, %rev3A_974 : vector<16xi32>
      %rev3A_976 = tpu.dynamic_gather %masked_sort3A_966[%rev3A_975] in [0] : vector<16xi32>, vector<16xi32> -> vector<16xi32>
      %le3A_977 = arith.cmpf ole, %masked_sort3A_956, %rev3A_971 : vector<16xf32>
      %select_n3A_978 = arith.select %le3A_977, %masked_sort3A_956, %rev3A_971 : vector<16xi1>, vector<16xf32>
      %select_n3A_979 = arith.select %le3A_977, %masked_sort3A_957, %rev3A_976 : vector<16xi1>, vector<16xi32>
      %masked_sort3A_980 = arith.constant dense<true> : vector<16xi1>
      %masked_sort3A_981, %masked_sort3A_982, %masked_sort3A_983 = tpu.sort %select_n3A_978, %select_n3A_979 masked %masked_sort3A_980 : (vector<16xf32>, vector<16xi32>, vector<16xi1>) -> (vector<16xi1>, vector<16xf32>, vector<16xi32>)
      %rev3A_984 = arith.constant 15 : i32
      %rev3A_985 = vector.broadcast %rev3A_984 : i32 to vector<16xi32>
      %rev3A_986 = tpu.iota {dimensions = array<i32: 0>} : vector<16xi32>
      %rev3A_987 = arith.subi %rev3A_985, %rev3A_986 : vector<16xi32>
      %rev3A_988 = tpu.dynamic_gather %masked_sort3A_982[%rev3A_987] in [0] : vector<16xf32>, vector<16xi32> -> vector<16xf32>
      %rev3A_989 = arith.constant 15 : i32
      %rev3A_990 = vector.broadcast %rev3A_989 : i32 to vector<16xi32>
      %rev3A_991 = tpu.iota {dimensions = array<i32: 0>} : vector<16xi32>
      %rev3A_992 = arith.subi %rev3A_990, %rev3A_991 : vector<16xi32>
      %rev3A_993 = tpu.dynamic_gather %masked_sort3A_983[%rev3A_992] in [0] : vector<16xi32>, vector<16xi32> -> vector<16xi32>
      %le3A_994 = arith.cmpf ole, %masked_sort3A_952, %rev3A_988 : vector<16xf32>
      %select_n3A_995 = arith.select %le3A_994, %masked_sort3A_952, %rev3A_988 : vector<16xi1>, vector<16xf32>
      %select_n3A_996 = arith.select %le3A_994, %masked_sort3A_953, %rev3A_993 : vector<16xi1>, vector<16xi32>
      %select_n3A_997 = arith.select %le3A_994, %rev3A_988, %masked_sort3A_952 : vector<16xi1>, vector<16xf32>
      %select_n3A_998 = arith.select %le3A_994, %rev3A_993, %masked_sort3A_953 : vector<16xi1>, vector<16xi32>
      %masked_sort3A_999 = arith.constant dense<true> : vector<16xi1>
      %masked_sort3A_1000, %masked_sort3A_1001, %masked_sort3A_1002 = tpu.sort %select_n3A_995, %select_n3A_996 masked %masked_sort3A_999 : (vector<16xf32>, vector<16xi32>, vector<16xi1>) -> (vector<16xi1>, vector<16xf32>, vector<16xi32>)
      %masked_sort3A_1003 = arith.constant dense<true> : vector<16xi1>
      %masked_sort3A_1004, %masked_sort3A_1005, %masked_sort3A_1006 = tpu.sort %select_n3A_997, %select_n3A_998 masked %masked_sort3A_1003 : (vector<16xf32>, vector<16xi32>, vector<16xi1>) -> (vector<16xi1>, vector<16xf32>, vector<16xi32>)
      %get3A_1007 = arith.constant 304 : index
      %get3A_1008 = tpu.vector_load %arg7[%get3A_1007] {strides = array<i32>} : memref<512xf32, #tpu.memory_space<vmem>>, vector<16xf32>,
      %add3A_1009 = arith.constant 304 : i32
      %add3A_1010 = vector.broadcast %add3A_1009 : i32 to vector<16xi32>
      %add3A_1011 = arith.addi %iota3A, %add3A_1010 : vector<16xi32>
      %masked_sort3A_1012 = arith.constant dense<true> : vector<16xi1>
      %masked_sort3A_1013, %masked_sort3A_1014, %masked_sort3A_1015 = tpu.sort %get3A_1008, %add3A_1011 masked %masked_sort3A_1012 : (vector<16xf32>, vector<16xi32>, vector<16xi1>) -> (vector<16xi1>, vector<16xf32>, vector<16xi32>)
      %rev3A_1016 = arith.constant 15 : i32
      %rev3A_1017 = vector.broadcast %rev3A_1016 : i32 to vector<16xi32>
      %rev3A_1018 = tpu.iota {dimensions = array<i32: 0>} : vector<16xi32>
      %rev3A_1019 = arith.subi %rev3A_1017, %rev3A_1018 : vector<16xi32>
      %rev3A_1020 = tpu.dynamic_gather %masked_sort3A_1014[%rev3A_1019] in [0] : vector<16xf32>, vector<16xi32> -> vector<16xf32>
      %rev3A_1021 = arith.constant 15 : i32
      %rev3A_1022 = vector.broadcast %rev3A_1021 : i32 to vector<16xi32>
      %rev3A_1023 = tpu.iota {dimensions = array<i32: 0>} : vector<16xi32>
      %rev3A_1024 = arith.subi %rev3A_1022, %rev3A_1023 : vector<16xi32>
      %rev3A_1025 = tpu.dynamic_gather %masked_sort3A_1015[%rev3A_1024] in [0] : vector<16xi32>, vector<16xi32> -> vector<16xi32>
      %le3A_1026 = arith.cmpf ole, %masked_sort3A_1005, %rev3A_1020 : vector<16xf32>
      %select_n3A_1027 = arith.select %le3A_1026, %masked_sort3A_1005, %rev3A_1020 : vector<16xi1>, vector<16xf32>
      %select_n3A_1028 = arith.select %le3A_1026, %masked_sort3A_1006, %rev3A_1025 : vector<16xi1>, vector<16xi32>
      %masked_sort3A_1029 = arith.constant dense<true> : vector<16xi1>
      %masked_sort3A_1030, %masked_sort3A_1031, %masked_sort3A_1032 = tpu.sort %select_n3A_1027, %select_n3A_1028 masked %masked_sort3A_1029 : (vector<16xf32>, vector<16xi32>, vector<16xi1>) -> (vector<16xi1>, vector<16xf32>, vector<16xi32>)
      %rev3A_1033 = arith.constant 15 : i32
      %rev3A_1034 = vector.broadcast %rev3A_1033 : i32 to vector<16xi32>
      %rev3A_1035 = tpu.iota {dimensions = array<i32: 0>} : vector<16xi32>
      %rev3A_1036 = arith.subi %rev3A_1034, %rev3A_1035 : vector<16xi32>
      %rev3A_1037 = tpu.dynamic_gather %masked_sort3A_1031[%rev3A_1036] in [0] : vector<16xf32>, vector<16xi32> -> vector<16xf32>
      %rev3A_1038 = arith.constant 15 : i32
      %rev3A_1039 = vector.broadcast %rev3A_1038 : i32 to vector<16xi32>
      %rev3A_1040 = tpu.iota {dimensions = array<i32: 0>} : vector<16xi32>
      %rev3A_1041 = arith.subi %rev3A_1039, %rev3A_1040 : vector<16xi32>
      %rev3A_1042 = tpu.dynamic_gather %masked_sort3A_1032[%rev3A_1041] in [0] : vector<16xi32>, vector<16xi32> -> vector<16xi32>
      %le3A_1043 = arith.cmpf ole, %masked_sort3A_1001, %rev3A_1037 : vector<16xf32>
      %select_n3A_1044 = arith.select %le3A_1043, %masked_sort3A_1001, %rev3A_1037 : vector<16xi1>, vector<16xf32>
      %select_n3A_1045 = arith.select %le3A_1043, %masked_sort3A_1002, %rev3A_1042 : vector<16xi1>, vector<16xi32>
      %select_n3A_1046 = arith.select %le3A_1043, %rev3A_1037, %masked_sort3A_1001 : vector<16xi1>, vector<16xf32>
      %select_n3A_1047 = arith.select %le3A_1043, %rev3A_1042, %masked_sort3A_1002 : vector<16xi1>, vector<16xi32>
      %masked_sort3A_1048 = arith.constant dense<true> : vector<16xi1>
      %masked_sort3A_1049, %masked_sort3A_1050, %masked_sort3A_1051 = tpu.sort %select_n3A_1044, %select_n3A_1045 masked %masked_sort3A_1048 : (vector<16xf32>, vector<16xi32>, vector<16xi1>) -> (vector<16xi1>, vector<16xf32>, vector<16xi32>)
      %masked_sort3A_1052 = arith.constant dense<true> : vector<16xi1>
      %masked_sort3A_1053, %masked_sort3A_1054, %masked_sort3A_1055 = tpu.sort %select_n3A_1046, %select_n3A_1047 masked %masked_sort3A_1052 : (vector<16xf32>, vector<16xi32>, vector<16xi1>) -> (vector<16xi1>, vector<16xf32>, vector<16xi32>)
      %get3A_1056 = arith.constant 320 : index
      %get3A_1057 = tpu.vector_load %arg7[%get3A_1056] {strides = array<i32>} : memref<512xf32, #tpu.memory_space<vmem>>, vector<16xf32>,
      %add3A_1058 = arith.constant 320 : i32
      %add3A_1059 = vector.broadcast %add3A_1058 : i32 to vector<16xi32>
      %add3A_1060 = arith.addi %iota3A, %add3A_1059 : vector<16xi32>
      %masked_sort3A_1061 = arith.constant dense<true> : vector<16xi1>
      %masked_sort3A_1062, %masked_sort3A_1063, %masked_sort3A_1064 = tpu.sort %get3A_1057, %add3A_1060 masked %masked_sort3A_1061 : (vector<16xf32>, vector<16xi32>, vector<16xi1>) -> (vector<16xi1>, vector<16xf32>, vector<16xi32>)
      %rev3A_1065 = arith.constant 15 : i32
      %rev3A_1066 = vector.broadcast %rev3A_1065 : i32 to vector<16xi32>
      %rev3A_1067 = tpu.iota {dimensions = array<i32: 0>} : vector<16xi32>
      %rev3A_1068 = arith.subi %rev3A_1066, %rev3A_1067 : vector<16xi32>
      %rev3A_1069 = tpu.dynamic_gather %masked_sort3A_1063[%rev3A_1068] in [0] : vector<16xf32>, vector<16xi32> -> vector<16xf32>
      %rev3A_1070 = arith.constant 15 : i32
      %rev3A_1071 = vector.broadcast %rev3A_1070 : i32 to vector<16xi32>
      %rev3A_1072 = tpu.iota {dimensions = array<i32: 0>} : vector<16xi32>
      %rev3A_1073 = arith.subi %rev3A_1071, %rev3A_1072 : vector<16xi32>
      %rev3A_1074 = tpu.dynamic_gather %masked_sort3A_1064[%rev3A_1073] in [0] : vector<16xi32>, vector<16xi32> -> vector<16xi32>
      %le3A_1075 = arith.cmpf ole, %masked_sort3A_1054, %rev3A_1069 : vector<16xf32>
      %select_n3A_1076 = arith.select %le3A_1075, %masked_sort3A_1054, %rev3A_1069 : vector<16xi1>, vector<16xf32>
      %select_n3A_1077 = arith.select %le3A_1075, %masked_sort3A_1055, %rev3A_1074 : vector<16xi1>, vector<16xi32>
      %masked_sort3A_1078 = arith.constant dense<true> : vector<16xi1>
      %masked_sort3A_1079, %masked_sort3A_1080, %masked_sort3A_1081 = tpu.sort %select_n3A_1076, %select_n3A_1077 masked %masked_sort3A_1078 : (vector<16xf32>, vector<16xi32>, vector<16xi1>) -> (vector<16xi1>, vector<16xf32>, vector<16xi32>)
      %rev3A_1082 = arith.constant 15 : i32
      %rev3A_1083 = vector.broadcast %rev3A_1082 : i32 to vector<16xi32>
      %rev3A_1084 = tpu.iota {dimensions = array<i32: 0>} : vector<16xi32>
      %rev3A_1085 = arith.subi %rev3A_1083, %rev3A_1084 : vector<16xi32>
      %rev3A_1086 = tpu.dynamic_gather %masked_sort3A_1080[%rev3A_1085] in [0] : vector<16xf32>, vector<16xi32> -> vector<16xf32>
      %rev3A_1087 = arith.constant 15 : i32
      %rev3A_1088 = vector.broadcast %rev3A_1087 : i32 to vector<16xi32>
      %rev3A_1089 = tpu.iota {dimensions = array<i32: 0>} : vector<16xi32>
      %rev3A_1090 = arith.subi %rev3A_1088, %rev3A_1089 : vector<16xi32>
      %rev3A_1091 = tpu.dynamic_gather %masked_sort3A_1081[%rev3A_1090] in [0] : vector<16xi32>, vector<16xi32> -> vector<16xi32>
      %le3A_1092 = arith.cmpf ole, %masked_sort3A_1050, %rev3A_1086 : vector<16xf32>
      %select_n3A_1093 = arith.select %le3A_1092, %masked_sort3A_1050, %rev3A_1086 : vector<16xi1>, vector<16xf32>
      %select_n3A_1094 = arith.select %le3A_1092, %masked_sort3A_1051, %rev3A_1091 : vector<16xi1>, vector<16xi32>
      %select_n3A_1095 = arith.select %le3A_1092, %rev3A_1086, %masked_sort3A_1050 : vector<16xi1>, vector<16xf32>
      %select_n3A_1096 = arith.select %le3A_1092, %rev3A_1091, %masked_sort3A_1051 : vector<16xi1>, vector<16xi32>
      %masked_sort3A_1097 = arith.constant dense<true> : vector<16xi1>
      %masked_sort3A_1098, %masked_sort3A_1099, %masked_sort3A_1100 = tpu.sort %select_n3A_1093, %select_n3A_1094 masked %masked_sort3A_1097 : (vector<16xf32>, vector<16xi32>, vector<16xi1>) -> (vector<16xi1>, vector<16xf32>, vector<16xi32>)
      %masked_sort3A_1101 = arith.constant dense<true> : vector<16xi1>
      %masked_sort3A_1102, %masked_sort3A_1103, %masked_sort3A_1104 = tpu.sort %select_n3A_1095, %select_n3A_1096 masked %masked_sort3A_1101 : (vector<16xf32>, vector<16xi32>, vector<16xi1>) -> (vector<16xi1>, vector<16xf32>, vector<16xi32>)
      %get3A_1105 = arith.constant 336 : index
      %get3A_1106 = tpu.vector_load %arg7[%get3A_1105] {strides = array<i32>} : memref<512xf32, #tpu.memory_space<vmem>>, vector<16xf32>,
      %add3A_1107 = arith.constant 336 : i32
      %add3A_1108 = vector.broadcast %add3A_1107 : i32 to vector<16xi32>
      %add3A_1109 = arith.addi %iota3A, %add3A_1108 : vector<16xi32>
      %masked_sort3A_1110 = arith.constant dense<true> : vector<16xi1>
      %masked_sort3A_1111, %masked_sort3A_1112, %masked_sort3A_1113 = tpu.sort %get3A_1106, %add3A_1109 masked %masked_sort3A_1110 : (vector<16xf32>, vector<16xi32>, vector<16xi1>) -> (vector<16xi1>, vector<16xf32>, vector<16xi32>)
      %rev3A_1114 = arith.constant 15 : i32
      %rev3A_1115 = vector.broadcast %rev3A_1114 : i32 to vector<16xi32>
      %rev3A_1116 = tpu.iota {dimensions = array<i32: 0>} : vector<16xi32>
      %rev3A_1117 = arith.subi %rev3A_1115, %rev3A_1116 : vector<16xi32>
      %rev3A_1118 = tpu.dynamic_gather %masked_sort3A_1112[%rev3A_1117] in [0] : vector<16xf32>, vector<16xi32> -> vector<16xf32>
      %rev3A_1119 = arith.constant 15 : i32
      %rev3A_1120 = vector.broadcast %rev3A_1119 : i32 to vector<16xi32>
      %rev3A_1121 = tpu.iota {dimensions = array<i32: 0>} : vector<16xi32>
      %rev3A_1122 = arith.subi %rev3A_1120, %rev3A_1121 : vector<16xi32>
      %rev3A_1123 = tpu.dynamic_gather %masked_sort3A_1113[%rev3A_1122] in [0] : vector<16xi32>, vector<16xi32> -> vector<16xi32>
      %le3A_1124 = arith.cmpf ole, %masked_sort3A_1103, %rev3A_1118 : vector<16xf32>
      %select_n3A_1125 = arith.select %le3A_1124, %masked_sort3A_1103, %rev3A_1118 : vector<16xi1>, vector<16xf32>
      %select_n3A_1126 = arith.select %le3A_1124, %masked_sort3A_1104, %rev3A_1123 : vector<16xi1>, vector<16xi32>
      %masked_sort3A_1127 = arith.constant dense<true> : vector<16xi1>
      %masked_sort3A_1128, %masked_sort3A_1129, %masked_sort3A_1130 = tpu.sort %select_n3A_1125, %select_n3A_1126 masked %masked_sort3A_1127 : (vector<16xf32>, vector<16xi32>, vector<16xi1>) -> (vector<16xi1>, vector<16xf32>, vector<16xi32>)
      %rev3A_1131 = arith.constant 15 : i32
      %rev3A_1132 = vector.broadcast %rev3A_1131 : i32 to vector<16xi32>
      %rev3A_1133 = tpu.iota {dimensions = array<i32: 0>} : vector<16xi32>
      %rev3A_1134 = arith.subi %rev3A_1132, %rev3A_1133 : vector<16xi32>
      %rev3A_1135 = tpu.dynamic_gather %masked_sort3A_1129[%rev3A_1134] in [0] : vector<16xf32>, vector<16xi32> -> vector<16xf32>
      %rev3A_1136 = arith.constant 15 : i32
      %rev3A_1137 = vector.broadcast %rev3A_1136 : i32 to vector<16xi32>
      %rev3A_1138 = tpu.iota {dimensions = array<i32: 0>} : vector<16xi32>
      %rev3A_1139 = arith.subi %rev3A_1137, %rev3A_1138 : vector<16xi32>
      %rev3A_1140 = tpu.dynamic_gather %masked_sort3A_1130[%rev3A_1139] in [0] : vector<16xi32>, vector<16xi32> -> vector<16xi32>
      %le3A_1141 = arith.cmpf ole, %masked_sort3A_1099, %rev3A_1135 : vector<16xf32>
      %select_n3A_1142 = arith.select %le3A_1141, %masked_sort3A_1099, %rev3A_1135 : vector<16xi1>, vector<16xf32>
      %select_n3A_1143 = arith.select %le3A_1141, %masked_sort3A_1100, %rev3A_1140 : vector<16xi1>, vector<16xi32>
      %select_n3A_1144 = arith.select %le3A_1141, %rev3A_1135, %masked_sort3A_1099 : vector<16xi1>, vector<16xf32>
      %select_n3A_1145 = arith.select %le3A_1141, %rev3A_1140, %masked_sort3A_1100 : vector<16xi1>, vector<16xi32>
      %masked_sort3A_1146 = arith.constant dense<true> : vector<16xi1>
      %masked_sort3A_1147, %masked_sort3A_1148, %masked_sort3A_1149 = tpu.sort %select_n3A_1142, %select_n3A_1143 masked %masked_sort3A_1146 : (vector<16xf32>, vector<16xi32>, vector<16xi1>) -> (vector<16xi1>, vector<16xf32>, vector<16xi32>)
      %masked_sort3A_1150 = arith.constant dense<true> : vector<16xi1>
      %masked_sort3A_1151, %masked_sort3A_1152, %masked_sort3A_1153 = tpu.sort %select_n3A_1144, %select_n3A_1145 masked %masked_sort3A_1150 : (vector<16xf32>, vector<16xi32>, vector<16xi1>) -> (vector<16xi1>, vector<16xf32>, vector<16xi32>)
      %get3A_1154 = arith.constant 352 : index
      %get3A_1155 = tpu.vector_load %arg7[%get3A_1154] {strides = array<i32>} : memref<512xf32, #tpu.memory_space<vmem>>, vector<16xf32>,
      %add3A_1156 = arith.constant 352 : i32
      %add3A_1157 = vector.broadcast %add3A_1156 : i32 to vector<16xi32>
      %add3A_1158 = arith.addi %iota3A, %add3A_1157 : vector<16xi32>
      %masked_sort3A_1159 = arith.constant dense<true> : vector<16xi1>
      %masked_sort3A_1160, %masked_sort3A_1161, %masked_sort3A_1162 = tpu.sort %get3A_1155, %add3A_1158 masked %masked_sort3A_1159 : (vector<16xf32>, vector<16xi32>, vector<16xi1>) -> (vector<16xi1>, vector<16xf32>, vector<16xi32>)
      %rev3A_1163 = arith.constant 15 : i32
      %rev3A_1164 = vector.broadcast %rev3A_1163 : i32 to vector<16xi32>
      %rev3A_1165 = tpu.iota {dimensions = array<i32: 0>} : vector<16xi32>
      %rev3A_1166 = arith.subi %rev3A_1164, %rev3A_1165 : vector<16xi32>
      %rev3A_1167 = tpu.dynamic_gather %masked_sort3A_1161[%rev3A_1166] in [0] : vector<16xf32>, vector<16xi32> -> vector<16xf32>
      %rev3A_1168 = arith.constant 15 : i32
      %rev3A_1169 = vector.broadcast %rev3A_1168 : i32 to vector<16xi32>
      %rev3A_1170 = tpu.iota {dimensions = array<i32: 0>} : vector<16xi32>
      %rev3A_1171 = arith.subi %rev3A_1169, %rev3A_1170 : vector<16xi32>
      %rev3A_1172 = tpu.dynamic_gather %masked_sort3A_1162[%rev3A_1171] in [0] : vector<16xi32>, vector<16xi32> -> vector<16xi32>
      %le3A_1173 = arith.cmpf ole, %masked_sort3A_1152, %rev3A_1167 : vector<16xf32>
      %select_n3A_1174 = arith.select %le3A_1173, %masked_sort3A_1152, %rev3A_1167 : vector<16xi1>, vector<16xf32>
      %select_n3A_1175 = arith.select %le3A_1173, %masked_sort3A_1153, %rev3A_1172 : vector<16xi1>, vector<16xi32>
      %masked_sort3A_1176 = arith.constant dense<true> : vector<16xi1>
      %masked_sort3A_1177, %masked_sort3A_1178, %masked_sort3A_1179 = tpu.sort %select_n3A_1174, %select_n3A_1175 masked %masked_sort3A_1176 : (vector<16xf32>, vector<16xi32>, vector<16xi1>) -> (vector<16xi1>, vector<16xf32>, vector<16xi32>)
      %rev3A_1180 = arith.constant 15 : i32
      %rev3A_1181 = vector.broadcast %rev3A_1180 : i32 to vector<16xi32>
      %rev3A_1182 = tpu.iota {dimensions = array<i32: 0>} : vector<16xi32>
      %rev3A_1183 = arith.subi %rev3A_1181, %rev3A_1182 : vector<16xi32>
      %rev3A_1184 = tpu.dynamic_gather %masked_sort3A_1178[%rev3A_1183] in [0] : vector<16xf32>, vector<16xi32> -> vector<16xf32>
      %rev3A_1185 = arith.constant 15 : i32
      %rev3A_1186 = vector.broadcast %rev3A_1185 : i32 to vector<16xi32>
      %rev3A_1187 = tpu.iota {dimensions = array<i32: 0>} : vector<16xi32>
      %rev3A_1188 = arith.subi %rev3A_1186, %rev3A_1187 : vector<16xi32>
      %rev3A_1189 = tpu.dynamic_gather %masked_sort3A_1179[%rev3A_1188] in [0] : vector<16xi32>, vector<16xi32> -> vector<16xi32>
      %le3A_1190 = arith.cmpf ole, %masked_sort3A_1148, %rev3A_1184 : vector<16xf32>
      %select_n3A_1191 = arith.select %le3A_1190, %masked_sort3A_1148, %rev3A_1184 : vector<16xi1>, vector<16xf32>
      %select_n3A_1192 = arith.select %le3A_1190, %masked_sort3A_1149, %rev3A_1189 : vector<16xi1>, vector<16xi32>
      %select_n3A_1193 = arith.select %le3A_1190, %rev3A_1184, %masked_sort3A_1148 : vector<16xi1>, vector<16xf32>
      %select_n3A_1194 = arith.select %le3A_1190, %rev3A_1189, %masked_sort3A_1149 : vector<16xi1>, vector<16xi32>
      %masked_sort3A_1195 = arith.constant dense<true> : vector<16xi1>
      %masked_sort3A_1196, %masked_sort3A_1197, %masked_sort3A_1198 = tpu.sort %select_n3A_1191, %select_n3A_1192 masked %masked_sort3A_1195 : (vector<16xf32>, vector<16xi32>, vector<16xi1>) -> (vector<16xi1>, vector<16xf32>, vector<16xi32>)
      %masked_sort3A_1199 = arith.constant dense<true> : vector<16xi1>
      %masked_sort3A_1200, %masked_sort3A_1201, %masked_sort3A_1202 = tpu.sort %select_n3A_1193, %select_n3A_1194 masked %masked_sort3A_1199 : (vector<16xf32>, vector<16xi32>, vector<16xi1>) -> (vector<16xi1>, vector<16xf32>, vector<16xi32>)
      %get3A_1203 = arith.constant 368 : index
      %get3A_1204 = tpu.vector_load %arg7[%get3A_1203] {strides = array<i32>} : memref<512xf32, #tpu.memory_space<vmem>>, vector<16xf32>,
      %add3A_1205 = arith.constant 368 : i32
      %add3A_1206 = vector.broadcast %add3A_1205 : i32 to vector<16xi32>
      %add3A_1207 = arith.addi %iota3A, %add3A_1206 : vector<16xi32>
      %masked_sort3A_1208 = arith.constant dense<true> : vector<16xi1>
      %masked_sort3A_1209, %masked_sort3A_1210, %masked_sort3A_1211 = tpu.sort %get3A_1204, %add3A_1207 masked %masked_sort3A_1208 : (vector<16xf32>, vector<16xi32>, vector<16xi1>) -> (vector<16xi1>, vector<16xf32>, vector<16xi32>)
      %rev3A_1212 = arith.constant 15 : i32
      %rev3A_1213 = vector.broadcast %rev3A_1212 : i32 to vector<16xi32>
      %rev3A_1214 = tpu.iota {dimensions = array<i32: 0>} : vector<16xi32>
      %rev3A_1215 = arith.subi %rev3A_1213, %rev3A_1214 : vector<16xi32>
      %rev3A_1216 = tpu.dynamic_gather %masked_sort3A_1210[%rev3A_1215] in [0] : vector<16xf32>, vector<16xi32> -> vector<16xf32>
      %rev3A_1217 = arith.constant 15 : i32
      %rev3A_1218 = vector.broadcast %rev3A_1217 : i32 to vector<16xi32>
      %rev3A_1219 = tpu.iota {dimensions = array<i32: 0>} : vector<16xi32>
      %rev3A_1220 = arith.subi %rev3A_1218, %rev3A_1219 : vector<16xi32>
      %rev3A_1221 = tpu.dynamic_gather %masked_sort3A_1211[%rev3A_1220] in [0] : vector<16xi32>, vector<16xi32> -> vector<16xi32>
      %le3A_1222 = arith.cmpf ole, %masked_sort3A_1201, %rev3A_1216 : vector<16xf32>
      %select_n3A_1223 = arith.select %le3A_1222, %masked_sort3A_1201, %rev3A_1216 : vector<16xi1>, vector<16xf32>
      %select_n3A_1224 = arith.select %le3A_1222, %masked_sort3A_1202, %rev3A_1221 : vector<16xi1>, vector<16xi32>
      %masked_sort3A_1225 = arith.constant dense<true> : vector<16xi1>
      %masked_sort3A_1226, %masked_sort3A_1227, %masked_sort3A_1228 = tpu.sort %select_n3A_1223, %select_n3A_1224 masked %masked_sort3A_1225 : (vector<16xf32>, vector<16xi32>, vector<16xi1>) -> (vector<16xi1>, vector<16xf32>, vector<16xi32>)
      %rev3A_1229 = arith.constant 15 : i32
      %rev3A_1230 = vector.broadcast %rev3A_1229 : i32 to vector<16xi32>
      %rev3A_1231 = tpu.iota {dimensions = array<i32: 0>} : vector<16xi32>
      %rev3A_1232 = arith.subi %rev3A_1230, %rev3A_1231 : vector<16xi32>
      %rev3A_1233 = tpu.dynamic_gather %masked_sort3A_1227[%rev3A_1232] in [0] : vector<16xf32>, vector<16xi32> -> vector<16xf32>
      %rev3A_1234 = arith.constant 15 : i32
      %rev3A_1235 = vector.broadcast %rev3A_1234 : i32 to vector<16xi32>
      %rev3A_1236 = tpu.iota {dimensions = array<i32: 0>} : vector<16xi32>
      %rev3A_1237 = arith.subi %rev3A_1235, %rev3A_1236 : vector<16xi32>
      %rev3A_1238 = tpu.dynamic_gather %masked_sort3A_1228[%rev3A_1237] in [0] : vector<16xi32>, vector<16xi32> -> vector<16xi32>
      %le3A_1239 = arith.cmpf ole, %masked_sort3A_1197, %rev3A_1233 : vector<16xf32>
      %select_n3A_1240 = arith.select %le3A_1239, %masked_sort3A_1197, %rev3A_1233 : vector<16xi1>, vector<16xf32>
      %select_n3A_1241 = arith.select %le3A_1239, %masked_sort3A_1198, %rev3A_1238 : vector<16xi1>, vector<16xi32>
      %select_n3A_1242 = arith.select %le3A_1239, %rev3A_1233, %masked_sort3A_1197 : vector<16xi1>, vector<16xf32>
      %select_n3A_1243 = arith.select %le3A_1239, %rev3A_1238, %masked_sort3A_1198 : vector<16xi1>, vector<16xi32>
      %masked_sort3A_1244 = arith.constant dense<true> : vector<16xi1>
      %masked_sort3A_1245, %masked_sort3A_1246, %masked_sort3A_1247 = tpu.sort %select_n3A_1240, %select_n3A_1241 masked %masked_sort3A_1244 : (vector<16xf32>, vector<16xi32>, vector<16xi1>) -> (vector<16xi1>, vector<16xf32>, vector<16xi32>)
      %masked_sort3A_1248 = arith.constant dense<true> : vector<16xi1>
      %masked_sort3A_1249, %masked_sort3A_1250, %masked_sort3A_1251 = tpu.sort %select_n3A_1242, %select_n3A_1243 masked %masked_sort3A_1248 : (vector<16xf32>, vector<16xi32>, vector<16xi1>) -> (vector<16xi1>, vector<16xf32>, vector<16xi32>)
      %get3A_1252 = arith.constant 384 : index
      %get3A_1253 = tpu.vector_load %arg7[%get3A_1252] {strides = array<i32>} : memref<512xf32, #tpu.memory_space<vmem>>, vector<16xf32>,
      %add3A_1254 = arith.constant 384 : i32
      %add3A_1255 = vector.broadcast %add3A_1254 : i32 to vector<16xi32>
      %add3A_1256 = arith.addi %iota3A, %add3A_1255 : vector<16xi32>
      %masked_sort3A_1257 = arith.constant dense<true> : vector<16xi1>
      %masked_sort3A_1258, %masked_sort3A_1259, %masked_sort3A_1260 = tpu.sort %get3A_1253, %add3A_1256 masked %masked_sort3A_1257 : (vector<16xf32>, vector<16xi32>, vector<16xi1>) -> (vector<16xi1>, vector<16xf32>, vector<16xi32>)
      %rev3A_1261 = arith.constant 15 : i32
      %rev3A_1262 = vector.broadcast %rev3A_1261 : i32 to vector<16xi32>
      %rev3A_1263 = tpu.iota {dimensions = array<i32: 0>} : vector<16xi32>
      %rev3A_1264 = arith.subi %rev3A_1262, %rev3A_1263 : vector<16xi32>
      %rev3A_1265 = tpu.dynamic_gather %masked_sort3A_1259[%rev3A_1264] in [0] : vector<16xf32>, vector<16xi32> -> vector<16xf32>
      %rev3A_1266 = arith.constant 15 : i32
      %rev3A_1267 = vector.broadcast %rev3A_1266 : i32 to vector<16xi32>
      %rev3A_1268 = tpu.iota {dimensions = array<i32: 0>} : vector<16xi32>
      %rev3A_1269 = arith.subi %rev3A_1267, %rev3A_1268 : vector<16xi32>
      %rev3A_1270 = tpu.dynamic_gather %masked_sort3A_1260[%rev3A_1269] in [0] : vector<16xi32>, vector<16xi32> -> vector<16xi32>
      %le3A_1271 = arith.cmpf ole, %masked_sort3A_1250, %rev3A_1265 : vector<16xf32>
      %select_n3A_1272 = arith.select %le3A_1271, %masked_sort3A_1250, %rev3A_1265 : vector<16xi1>, vector<16xf32>
      %select_n3A_1273 = arith.select %le3A_1271, %masked_sort3A_1251, %rev3A_1270 : vector<16xi1>, vector<16xi32>
      %masked_sort3A_1274 = arith.constant dense<true> : vector<16xi1>
      %masked_sort3A_1275, %masked_sort3A_1276, %masked_sort3A_1277 = tpu.sort %select_n3A_1272, %select_n3A_1273 masked %masked_sort3A_1274 : (vector<16xf32>, vector<16xi32>, vector<16xi1>) -> (vector<16xi1>, vector<16xf32>, vector<16xi32>)
      %rev3A_1278 = arith.constant 15 : i32
      %rev3A_1279 = vector.broadcast %rev3A_1278 : i32 to vector<16xi32>
      %rev3A_1280 = tpu.iota {dimensions = array<i32: 0>} : vector<16xi32>
      %rev3A_1281 = arith.subi %rev3A_1279, %rev3A_1280 : vector<16xi32>
      %rev3A_1282 = tpu.dynamic_gather %masked_sort3A_1276[%rev3A_1281] in [0] : vector<16xf32>, vector<16xi32> -> vector<16xf32>
      %rev3A_1283 = arith.constant 15 : i32
      %rev3A_1284 = vector.broadcast %rev3A_1283 : i32 to vector<16xi32>
      %rev3A_1285 = tpu.iota {dimensions = array<i32: 0>} : vector<16xi32>
      %rev3A_1286 = arith.subi %rev3A_1284, %rev3A_1285 : vector<16xi32>
      %rev3A_1287 = tpu.dynamic_gather %masked_sort3A_1277[%rev3A_1286] in [0] : vector<16xi32>, vector<16xi32> -> vector<16xi32>
      %le3A_1288 = arith.cmpf ole, %masked_sort3A_1246, %rev3A_1282 : vector<16xf32>
      %select_n3A_1289 = arith.select %le3A_1288, %masked_sort3A_1246, %rev3A_1282 : vector<16xi1>, vector<16xf32>
      %select_n3A_1290 = arith.select %le3A_1288, %masked_sort3A_1247, %rev3A_1287 : vector<16xi1>, vector<16xi32>
      %select_n3A_1291 = arith.select %le3A_1288, %rev3A_1282, %masked_sort3A_1246 : vector<16xi1>, vector<16xf32>
      %select_n3A_1292 = arith.select %le3A_1288, %rev3A_1287, %masked_sort3A_1247 : vector<16xi1>, vector<16xi32>
      %masked_sort3A_1293 = arith.constant dense<true> : vector<16xi1>
      %masked_sort3A_1294, %masked_sort3A_1295, %masked_sort3A_1296 = tpu.sort %select_n3A_1289, %select_n3A_1290 masked %masked_sort3A_1293 : (vector<16xf32>, vector<16xi32>, vector<16xi1>) -> (vector<16xi1>, vector<16xf32>, vector<16xi32>)
      %masked_sort3A_1297 = arith.constant dense<true> : vector<16xi1>
      %masked_sort3A_1298, %masked_sort3A_1299, %masked_sort3A_1300 = tpu.sort %select_n3A_1291, %select_n3A_1292 masked %masked_sort3A_1297 : (vector<16xf32>, vector<16xi32>, vector<16xi1>) -> (vector<16xi1>, vector<16xf32>, vector<16xi32>)
      %get3A_1301 = arith.constant 400 : index
      %get3A_1302 = tpu.vector_load %arg7[%get3A_1301] {strides = array<i32>} : memref<512xf32, #tpu.memory_space<vmem>>, vector<16xf32>,
      %add3A_1303 = arith.constant 400 : i32
      %add3A_1304 = vector.broadcast %add3A_1303 : i32 to vector<16xi32>
      %add3A_1305 = arith.addi %iota3A, %add3A_1304 : vector<16xi32>
      %masked_sort3A_1306 = arith.constant dense<true> : vector<16xi1>
      %masked_sort3A_1307, %masked_sort3A_1308, %masked_sort3A_1309 = tpu.sort %get3A_1302, %add3A_1305 masked %masked_sort3A_1306 : (vector<16xf32>, vector<16xi32>, vector<16xi1>) -> (vector<16xi1>, vector<16xf32>, vector<16xi32>)
      %rev3A_1310 = arith.constant 15 : i32
      %rev3A_1311 = vector.broadcast %rev3A_1310 : i32 to vector<16xi32>
      %rev3A_1312 = tpu.iota {dimensions = array<i32: 0>} : vector<16xi32>
      %rev3A_1313 = arith.subi %rev3A_1311, %rev3A_1312 : vector<16xi32>
      %rev3A_1314 = tpu.dynamic_gather %masked_sort3A_1308[%rev3A_1313] in [0] : vector<16xf32>, vector<16xi32> -> vector<16xf32>
      %rev3A_1315 = arith.constant 15 : i32
      %rev3A_1316 = vector.broadcast %rev3A_1315 : i32 to vector<16xi32>
      %rev3A_1317 = tpu.iota {dimensions = array<i32: 0>} : vector<16xi32>
      %rev3A_1318 = arith.subi %rev3A_1316, %rev3A_1317 : vector<16xi32>
      %rev3A_1319 = tpu.dynamic_gather %masked_sort3A_1309[%rev3A_1318] in [0] : vector<16xi32>, vector<16xi32> -> vector<16xi32>
      %le3A_1320 = arith.cmpf ole, %masked_sort3A_1299, %rev3A_1314 : vector<16xf32>
      %select_n3A_1321 = arith.select %le3A_1320, %masked_sort3A_1299, %rev3A_1314 : vector<16xi1>, vector<16xf32>
      %select_n3A_1322 = arith.select %le3A_1320, %masked_sort3A_1300, %rev3A_1319 : vector<16xi1>, vector<16xi32>
      %masked_sort3A_1323 = arith.constant dense<true> : vector<16xi1>
      %masked_sort3A_1324, %masked_sort3A_1325, %masked_sort3A_1326 = tpu.sort %select_n3A_1321, %select_n3A_1322 masked %masked_sort3A_1323 : (vector<16xf32>, vector<16xi32>, vector<16xi1>) -> (vector<16xi1>, vector<16xf32>, vector<16xi32>)
      %rev3A_1327 = arith.constant 15 : i32
      %rev3A_1328 = vector.broadcast %rev3A_1327 : i32 to vector<16xi32>
      %rev3A_1329 = tpu.iota {dimensions = array<i32: 0>} : vector<16xi32>
      %rev3A_1330 = arith.subi %rev3A_1328, %rev3A_1329 : vector<16xi32>
      %rev3A_1331 = tpu.dynamic_gather %masked_sort3A_1325[%rev3A_1330] in [0] : vector<16xf32>, vector<16xi32> -> vector<16xf32>
      %rev3A_1332 = arith.constant 15 : i32
      %rev3A_1333 = vector.broadcast %rev3A_1332 : i32 to vector<16xi32>
      %rev3A_1334 = tpu.iota {dimensions = array<i32: 0>} : vector<16xi32>
      %rev3A_1335 = arith.subi %rev3A_1333, %rev3A_1334 : vector<16xi32>
      %rev3A_1336 = tpu.dynamic_gather %masked_sort3A_1326[%rev3A_1335] in [0] : vector<16xi32>, vector<16xi32> -> vector<16xi32>
      %le3A_1337 = arith.cmpf ole, %masked_sort3A_1295, %rev3A_1331 : vector<16xf32>
      %select_n3A_1338 = arith.select %le3A_1337, %masked_sort3A_1295, %rev3A_1331 : vector<16xi1>, vector<16xf32>
      %select_n3A_1339 = arith.select %le3A_1337, %masked_sort3A_1296, %rev3A_1336 : vector<16xi1>, vector<16xi32>
      %select_n3A_1340 = arith.select %le3A_1337, %rev3A_1331, %masked_sort3A_1295 : vector<16xi1>, vector<16xf32>
      %select_n3A_1341 = arith.select %le3A_1337, %rev3A_1336, %masked_sort3A_1296 : vector<16xi1>, vector<16xi32>
      %masked_sort3A_1342 = arith.constant dense<true> : vector<16xi1>
      %masked_sort3A_1343, %masked_sort3A_1344, %masked_sort3A_1345 = tpu.sort %select_n3A_1338, %select_n3A_1339 masked %masked_sort3A_1342 : (vector<16xf32>, vector<16xi32>, vector<16xi1>) -> (vector<16xi1>, vector<16xf32>, vector<16xi32>)
      %masked_sort3A_1346 = arith.constant dense<true> : vector<16xi1>
      %masked_sort3A_1347, %masked_sort3A_1348, %masked_sort3A_1349 = tpu.sort %select_n3A_1340, %select_n3A_1341 masked %masked_sort3A_1346 : (vector<16xf32>, vector<16xi32>, vector<16xi1>) -> (vector<16xi1>, vector<16xf32>, vector<16xi32>)
      %get3A_1350 = arith.constant 416 : index
      %get3A_1351 = tpu.vector_load %arg7[%get3A_1350] {strides = array<i32>} : memref<512xf32, #tpu.memory_space<vmem>>, vector<16xf32>,
      %add3A_1352 = arith.constant 416 : i32
      %add3A_1353 = vector.broadcast %add3A_1352 : i32 to vector<16xi32>
      %add3A_1354 = arith.addi %iota3A, %add3A_1353 : vector<16xi32>
      %masked_sort3A_1355 = arith.constant dense<true> : vector<16xi1>
      %masked_sort3A_1356, %masked_sort3A_1357, %masked_sort3A_1358 = tpu.sort %get3A_1351, %add3A_1354 masked %masked_sort3A_1355 : (vector<16xf32>, vector<16xi32>, vector<16xi1>) -> (vector<16xi1>, vector<16xf32>, vector<16xi32>)
      %rev3A_1359 = arith.constant 15 : i32
      %rev3A_1360 = vector.broadcast %rev3A_1359 : i32 to vector<16xi32>
      %rev3A_1361 = tpu.iota {dimensions = array<i32: 0>} : vector<16xi32>
      %rev3A_1362 = arith.subi %rev3A_1360, %rev3A_1361 : vector<16xi32>
      %rev3A_1363 = tpu.dynamic_gather %masked_sort3A_1357[%rev3A_1362] in [0] : vector<16xf32>, vector<16xi32> -> vector<16xf32>
      %rev3A_1364 = arith.constant 15 : i32
      %rev3A_1365 = vector.broadcast %rev3A_1364 : i32 to vector<16xi32>
      %rev3A_1366 = tpu.iota {dimensions = array<i32: 0>} : vector<16xi32>
      %rev3A_1367 = arith.subi %rev3A_1365, %rev3A_1366 : vector<16xi32>
      %rev3A_1368 = tpu.dynamic_gather %masked_sort3A_1358[%rev3A_1367] in [0] : vector<16xi32>, vector<16xi32> -> vector<16xi32>
      %le3A_1369 = arith.cmpf ole, %masked_sort3A_1348, %rev3A_1363 : vector<16xf32>
      %select_n3A_1370 = arith.select %le3A_1369, %masked_sort3A_1348, %rev3A_1363 : vector<16xi1>, vector<16xf32>
      %select_n3A_1371 = arith.select %le3A_1369, %masked_sort3A_1349, %rev3A_1368 : vector<16xi1>, vector<16xi32>
      %masked_sort3A_1372 = arith.constant dense<true> : vector<16xi1>
      %masked_sort3A_1373, %masked_sort3A_1374, %masked_sort3A_1375 = tpu.sort %select_n3A_1370, %select_n3A_1371 masked %masked_sort3A_1372 : (vector<16xf32>, vector<16xi32>, vector<16xi1>) -> (vector<16xi1>, vector<16xf32>, vector<16xi32>)
      %rev3A_1376 = arith.constant 15 : i32
      %rev3A_1377 = vector.broadcast %rev3A_1376 : i32 to vector<16xi32>
      %rev3A_1378 = tpu.iota {dimensions = array<i32: 0>} : vector<16xi32>
      %rev3A_1379 = arith.subi %rev3A_1377, %rev3A_1378 : vector<16xi32>
      %rev3A_1380 = tpu.dynamic_gather %masked_sort3A_1374[%rev3A_1379] in [0] : vector<16xf32>, vector<16xi32> -> vector<16xf32>
      %rev3A_1381 = arith.constant 15 : i32
      %rev3A_1382 = vector.broadcast %rev3A_1381 : i32 to vector<16xi32>
      %rev3A_1383 = tpu.iota {dimensions = array<i32: 0>} : vector<16xi32>
      %rev3A_1384 = arith.subi %rev3A_1382, %rev3A_1383 : vector<16xi32>
      %rev3A_1385 = tpu.dynamic_gather %masked_sort3A_1375[%rev3A_1384] in [0] : vector<16xi32>, vector<16xi32> -> vector<16xi32>
      %le3A_1386 = arith.cmpf ole, %masked_sort3A_1344, %rev3A_1380 : vector<16xf32>
      %select_n3A_1387 = arith.select %le3A_1386, %masked_sort3A_1344, %rev3A_1380 : vector<16xi1>, vector<16xf32>
      %select_n3A_1388 = arith.select %le3A_1386, %masked_sort3A_1345, %rev3A_1385 : vector<16xi1>, vector<16xi32>
      %select_n3A_1389 = arith.select %le3A_1386, %rev3A_1380, %masked_sort3A_1344 : vector<16xi1>, vector<16xf32>
      %select_n3A_1390 = arith.select %le3A_1386, %rev3A_1385, %masked_sort3A_1345 : vector<16xi1>, vector<16xi32>
      %masked_sort3A_1391 = arith.constant dense<true> : vector<16xi1>
      %masked_sort3A_1392, %masked_sort3A_1393, %masked_sort3A_1394 = tpu.sort %select_n3A_1387, %select_n3A_1388 masked %masked_sort3A_1391 : (vector<16xf32>, vector<16xi32>, vector<16xi1>) -> (vector<16xi1>, vector<16xf32>, vector<16xi32>)
      %masked_sort3A_1395 = arith.constant dense<true> : vector<16xi1>
      %masked_sort3A_1396, %masked_sort3A_1397, %masked_sort3A_1398 = tpu.sort %select_n3A_1389, %select_n3A_1390 masked %masked_sort3A_1395 : (vector<16xf32>, vector<16xi32>, vector<16xi1>) -> (vector<16xi1>, vector<16xf32>, vector<16xi32>)
      %get3A_1399 = arith.constant 432 : index
      %get3A_1400 = tpu.vector_load %arg7[%get3A_1399] {strides = array<i32>} : memref<512xf32, #tpu.memory_space<vmem>>, vector<16xf32>,
      %add3A_1401 = arith.constant 432 : i32
      %add3A_1402 = vector.broadcast %add3A_1401 : i32 to vector<16xi32>
      %add3A_1403 = arith.addi %iota3A, %add3A_1402 : vector<16xi32>
      %masked_sort3A_1404 = arith.constant dense<true> : vector<16xi1>
      %masked_sort3A_1405, %masked_sort3A_1406, %masked_sort3A_1407 = tpu.sort %get3A_1400, %add3A_1403 masked %masked_sort3A_1404 : (vector<16xf32>, vector<16xi32>, vector<16xi1>) -> (vector<16xi1>, vector<16xf32>, vector<16xi32>)
      %rev3A_1408 = arith.constant 15 : i32
      %rev3A_1409 = vector.broadcast %rev3A_1408 : i32 to vector<16xi32>
      %rev3A_1410 = tpu.iota {dimensions = array<i32: 0>} : vector<16xi32>
      %rev3A_1411 = arith.subi %rev3A_1409, %rev3A_1410 : vector<16xi32>
      %rev3A_1412 = tpu.dynamic_gather %masked_sort3A_1406[%rev3A_1411] in [0] : vector<16xf32>, vector<16xi32> -> vector<16xf32>
      %rev3A_1413 = arith.constant 15 : i32
      %rev3A_1414 = vector.broadcast %rev3A_1413 : i32 to vector<16xi32>
      %rev3A_1415 = tpu.iota {dimensions = array<i32: 0>} : vector<16xi32>
      %rev3A_1416 = arith.subi %rev3A_1414, %rev3A_1415 : vector<16xi32>
      %rev3A_1417 = tpu.dynamic_gather %masked_sort3A_1407[%rev3A_1416] in [0] : vector<16xi32>, vector<16xi32> -> vector<16xi32>
      %le3A_1418 = arith.cmpf ole, %masked_sort3A_1397, %rev3A_1412 : vector<16xf32>
      %select_n3A_1419 = arith.select %le3A_1418, %masked_sort3A_1397, %rev3A_1412 : vector<16xi1>, vector<16xf32>
      %select_n3A_1420 = arith.select %le3A_1418, %masked_sort3A_1398, %rev3A_1417 : vector<16xi1>, vector<16xi32>
      %masked_sort3A_1421 = arith.constant dense<true> : vector<16xi1>
      %masked_sort3A_1422, %masked_sort3A_1423, %masked_sort3A_1424 = tpu.sort %select_n3A_1419, %select_n3A_1420 masked %masked_sort3A_1421 : (vector<16xf32>, vector<16xi32>, vector<16xi1>) -> (vector<16xi1>, vector<16xf32>, vector<16xi32>)
      %rev3A_1425 = arith.constant 15 : i32
      %rev3A_1426 = vector.broadcast %rev3A_1425 : i32 to vector<16xi32>
      %rev3A_1427 = tpu.iota {dimensions = array<i32: 0>} : vector<16xi32>
      %rev3A_1428 = arith.subi %rev3A_1426, %rev3A_1427 : vector<16xi32>
      %rev3A_1429 = tpu.dynamic_gather %masked_sort3A_1423[%rev3A_1428] in [0] : vector<16xf32>, vector<16xi32> -> vector<16xf32>
      %rev3A_1430 = arith.constant 15 : i32
      %rev3A_1431 = vector.broadcast %rev3A_1430 : i32 to vector<16xi32>
      %rev3A_1432 = tpu.iota {dimensions = array<i32: 0>} : vector<16xi32>
      %rev3A_1433 = arith.subi %rev3A_1431, %rev3A_1432 : vector<16xi32>
      %rev3A_1434 = tpu.dynamic_gather %masked_sort3A_1424[%rev3A_1433] in [0] : vector<16xi32>, vector<16xi32> -> vector<16xi32>
      %le3A_1435 = arith.cmpf ole, %masked_sort3A_1393, %rev3A_1429 : vector<16xf32>
      %select_n3A_1436 = arith.select %le3A_1435, %masked_sort3A_1393, %rev3A_1429 : vector<16xi1>, vector<16xf32>
      %select_n3A_1437 = arith.select %le3A_1435, %masked_sort3A_1394, %rev3A_1434 : vector<16xi1>, vector<16xi32>
      %select_n3A_1438 = arith.select %le3A_1435, %rev3A_1429, %masked_sort3A_1393 : vector<16xi1>, vector<16xf32>
      %select_n3A_1439 = arith.select %le3A_1435, %rev3A_1434, %masked_sort3A_1394 : vector<16xi1>, vector<16xi32>
      %masked_sort3A_1440 = arith.constant dense<true> : vector<16xi1>
      %masked_sort3A_1441, %masked_sort3A_1442, %masked_sort3A_1443 = tpu.sort %select_n3A_1436, %select_n3A_1437 masked %masked_sort3A_1440 : (vector<16xf32>, vector<16xi32>, vector<16xi1>) -> (vector<16xi1>, vector<16xf32>, vector<16xi32>)
      %masked_sort3A_1444 = arith.constant dense<true> : vector<16xi1>
      %masked_sort3A_1445, %masked_sort3A_1446, %masked_sort3A_1447 = tpu.sort %select_n3A_1438, %select_n3A_1439 masked %masked_sort3A_1444 : (vector<16xf32>, vector<16xi32>, vector<16xi1>) -> (vector<16xi1>, vector<16xf32>, vector<16xi32>)
      %get3A_1448 = arith.constant 448 : index
      %get3A_1449 = tpu.vector_load %arg7[%get3A_1448] {strides = array<i32>} : memref<512xf32, #tpu.memory_space<vmem>>, vector<16xf32>,
      %add3A_1450 = arith.constant 448 : i32
      %add3A_1451 = vector.broadcast %add3A_1450 : i32 to vector<16xi32>
      %add3A_1452 = arith.addi %iota3A, %add3A_1451 : vector<16xi32>
      %masked_sort3A_1453 = arith.constant dense<true> : vector<16xi1>
      %masked_sort3A_1454, %masked_sort3A_1455, %masked_sort3A_1456 = tpu.sort %get3A_1449, %add3A_1452 masked %masked_sort3A_1453 : (vector<16xf32>, vector<16xi32>, vector<16xi1>) -> (vector<16xi1>, vector<16xf32>, vector<16xi32>)
      %rev3A_1457 = arith.constant 15 : i32
      %rev3A_1458 = vector.broadcast %rev3A_1457 : i32 to vector<16xi32>
      %rev3A_1459 = tpu.iota {dimensions = array<i32: 0>} : vector<16xi32>
      %rev3A_1460 = arith.subi %rev3A_1458, %rev3A_1459 : vector<16xi32>
      %rev3A_1461 = tpu.dynamic_gather %masked_sort3A_1455[%rev3A_1460] in [0] : vector<16xf32>, vector<16xi32> -> vector<16xf32>
      %rev3A_1462 = arith.constant 15 : i32
      %rev3A_1463 = vector.broadcast %rev3A_1462 : i32 to vector<16xi32>
      %rev3A_1464 = tpu.iota {dimensions = array<i32: 0>} : vector<16xi32>
      %rev3A_1465 = arith.subi %rev3A_1463, %rev3A_1464 : vector<16xi32>
      %rev3A_1466 = tpu.dynamic_gather %masked_sort3A_1456[%rev3A_1465] in [0] : vector<16xi32>, vector<16xi32> -> vector<16xi32>
      %le3A_1467 = arith.cmpf ole, %masked_sort3A_1446, %rev3A_1461 : vector<16xf32>
      %select_n3A_1468 = arith.select %le3A_1467, %masked_sort3A_1446, %rev3A_1461 : vector<16xi1>, vector<16xf32>
      %select_n3A_1469 = arith.select %le3A_1467, %masked_sort3A_1447, %rev3A_1466 : vector<16xi1>, vector<16xi32>
      %masked_sort3A_1470 = arith.constant dense<true> : vector<16xi1>
      %masked_sort3A_1471, %masked_sort3A_1472, %masked_sort3A_1473 = tpu.sort %select_n3A_1468, %select_n3A_1469 masked %masked_sort3A_1470 : (vector<16xf32>, vector<16xi32>, vector<16xi1>) -> (vector<16xi1>, vector<16xf32>, vector<16xi32>)
      %rev3A_1474 = arith.constant 15 : i32
      %rev3A_1475 = vector.broadcast %rev3A_1474 : i32 to vector<16xi32>
      %rev3A_1476 = tpu.iota {dimensions = array<i32: 0>} : vector<16xi32>
      %rev3A_1477 = arith.subi %rev3A_1475, %rev3A_1476 : vector<16xi32>
      %rev3A_1478 = tpu.dynamic_gather %masked_sort3A_1472[%rev3A_1477] in [0] : vector<16xf32>, vector<16xi32> -> vector<16xf32>
      %rev3A_1479 = arith.constant 15 : i32
      %rev3A_1480 = vector.broadcast %rev3A_1479 : i32 to vector<16xi32>
      %rev3A_1481 = tpu.iota {dimensions = array<i32: 0>} : vector<16xi32>
      %rev3A_1482 = arith.subi %rev3A_1480, %rev3A_1481 : vector<16xi32>
      %rev3A_1483 = tpu.dynamic_gather %masked_sort3A_1473[%rev3A_1482] in [0] : vector<16xi32>, vector<16xi32> -> vector<16xi32>
      %le3A_1484 = arith.cmpf ole, %masked_sort3A_1442, %rev3A_1478 : vector<16xf32>
      %select_n3A_1485 = arith.select %le3A_1484, %masked_sort3A_1442, %rev3A_1478 : vector<16xi1>, vector<16xf32>
      %select_n3A_1486 = arith.select %le3A_1484, %masked_sort3A_1443, %rev3A_1483 : vector<16xi1>, vector<16xi32>
      %select_n3A_1487 = arith.select %le3A_1484, %rev3A_1478, %masked_sort3A_1442 : vector<16xi1>, vector<16xf32>
      %select_n3A_1488 = arith.select %le3A_1484, %rev3A_1483, %masked_sort3A_1443 : vector<16xi1>, vector<16xi32>
      %masked_sort3A_1489 = arith.constant dense<true> : vector<16xi1>
      %masked_sort3A_1490, %masked_sort3A_1491, %masked_sort3A_1492 = tpu.sort %select_n3A_1485, %select_n3A_1486 masked %masked_sort3A_1489 : (vector<16xf32>, vector<16xi32>, vector<16xi1>) -> (vector<16xi1>, vector<16xf32>, vector<16xi32>)
      %masked_sort3A_1493 = arith.constant dense<true> : vector<16xi1>
      %masked_sort3A_1494, %masked_sort3A_1495, %masked_sort3A_1496 = tpu.sort %select_n3A_1487, %select_n3A_1488 masked %masked_sort3A_1493 : (vector<16xf32>, vector<16xi32>, vector<16xi1>) -> (vector<16xi1>, vector<16xf32>, vector<16xi32>)
      %get3A_1497 = arith.constant 464 : index
      %get3A_1498 = tpu.vector_load %arg7[%get3A_1497] {strides = array<i32>} : memref<512xf32, #tpu.memory_space<vmem>>, vector<16xf32>,
      %add3A_1499 = arith.constant 464 : i32
      %add3A_1500 = vector.broadcast %add3A_1499 : i32 to vector<16xi32>
      %add3A_1501 = arith.addi %iota3A, %add3A_1500 : vector<16xi32>
      %masked_sort3A_1502 = arith.constant dense<true> : vector<16xi1>
      %masked_sort3A_1503, %masked_sort3A_1504, %masked_sort3A_1505 = tpu.sort %get3A_1498, %add3A_1501 masked %masked_sort3A_1502 : (vector<16xf32>, vector<16xi32>, vector<16xi1>) -> (vector<16xi1>, vector<16xf32>, vector<16xi32>)
      %rev3A_1506 = arith.constant 15 : i32
      %rev3A_1507 = vector.broadcast %rev3A_1506 : i32 to vector<16xi32>
      %rev3A_1508 = tpu.iota {dimensions = array<i32: 0>} : vector<16xi32>
      %rev3A_1509 = arith.subi %rev3A_1507, %rev3A_1508 : vector<16xi32>
      %rev3A_1510 = tpu.dynamic_gather %masked_sort3A_1504[%rev3A_1509] in [0] : vector<16xf32>, vector<16xi32> -> vector<16xf32>
      %rev3A_1511 = arith.constant 15 : i32
      %rev3A_1512 = vector.broadcast %rev3A_1511 : i32 to vector<16xi32>
      %rev3A_1513 = tpu.iota {dimensions = array<i32: 0>} : vector<16xi32>
      %rev3A_1514 = arith.subi %rev3A_1512, %rev3A_1513 : vector<16xi32>
      %rev3A_1515 = tpu.dynamic_gather %masked_sort3A_1505[%rev3A_1514] in [0] : vector<16xi32>, vector<16xi32> -> vector<16xi32>
      %le3A_1516 = arith.cmpf ole, %masked_sort3A_1495, %rev3A_1510 : vector<16xf32>
      %select_n3A_1517 = arith.select %le3A_1516, %masked_sort3A_1495, %rev3A_1510 : vector<16xi1>, vector<16xf32>
      %select_n3A_1518 = arith.select %le3A_1516, %masked_sort3A_1496, %rev3A_1515 : vector<16xi1>, vector<16xi32>
      %masked_sort3A_1519 = arith.constant dense<true> : vector<16xi1>
      %masked_sort3A_1520, %masked_sort3A_1521, %masked_sort3A_1522 = tpu.sort %select_n3A_1517, %select_n3A_1518 masked %masked_sort3A_1519 : (vector<16xf32>, vector<16xi32>, vector<16xi1>) -> (vector<16xi1>, vector<16xf32>, vector<16xi32>)
      %rev3A_1523 = arith.constant 15 : i32
      %rev3A_1524 = vector.broadcast %rev3A_1523 : i32 to vector<16xi32>
      %rev3A_1525 = tpu.iota {dimensions = array<i32: 0>} : vector<16xi32>
      %rev3A_1526 = arith.subi %rev3A_1524, %rev3A_1525 : vector<16xi32>
      %rev3A_1527 = tpu.dynamic_gather %masked_sort3A_1521[%rev3A_1526] in [0] : vector<16xf32>, vector<16xi32> -> vector<16xf32>
      %rev3A_1528 = arith.constant 15 : i32
      %rev3A_1529 = vector.broadcast %rev3A_1528 : i32 to vector<16xi32>
      %rev3A_1530 = tpu.iota {dimensions = array<i32: 0>} : vector<16xi32>
      %rev3A_1531 = arith.subi %rev3A_1529, %rev3A_1530 : vector<16xi32>
      %rev3A_1532 = tpu.dynamic_gather %masked_sort3A_1522[%rev3A_1531] in [0] : vector<16xi32>, vector<16xi32> -> vector<16xi32>
      %le3A_1533 = arith.cmpf ole, %masked_sort3A_1491, %rev3A_1527 : vector<16xf32>
      %select_n3A_1534 = arith.select %le3A_1533, %masked_sort3A_1491, %rev3A_1527 : vector<16xi1>, vector<16xf32>
      %select_n3A_1535 = arith.select %le3A_1533, %masked_sort3A_1492, %rev3A_1532 : vector<16xi1>, vector<16xi32>
      %select_n3A_1536 = arith.select %le3A_1533, %rev3A_1527, %masked_sort3A_1491 : vector<16xi1>, vector<16xf32>
      %select_n3A_1537 = arith.select %le3A_1533, %rev3A_1532, %masked_sort3A_1492 : vector<16xi1>, vector<16xi32>
      %masked_sort3A_1538 = arith.constant dense<true> : vector<16xi1>
      %masked_sort3A_1539, %masked_sort3A_1540, %masked_sort3A_1541 = tpu.sort %select_n3A_1534, %select_n3A_1535 masked %masked_sort3A_1538 : (vector<16xf32>, vector<16xi32>, vector<16xi1>) -> (vector<16xi1>, vector<16xf32>, vector<16xi32>)
      %masked_sort3A_1542 = arith.constant dense<true> : vector<16xi1>
      %masked_sort3A_1543, %masked_sort3A_1544, %masked_sort3A_1545 = tpu.sort %select_n3A_1536, %select_n3A_1537 masked %masked_sort3A_1542 : (vector<16xf32>, vector<16xi32>, vector<16xi1>) -> (vector<16xi1>, vector<16xf32>, vector<16xi32>)
      %get3A_1546 = arith.constant 480 : index
      %get3A_1547 = tpu.vector_load %arg7[%get3A_1546] {strides = array<i32>} : memref<512xf32, #tpu.memory_space<vmem>>, vector<16xf32>,
      %add3A_1548 = arith.constant 480 : i32
      %add3A_1549 = vector.broadcast %add3A_1548 : i32 to vector<16xi32>
      %add3A_1550 = arith.addi %iota3A, %add3A_1549 : vector<16xi32>
      %masked_sort3A_1551 = arith.constant dense<true> : vector<16xi1>
      %masked_sort3A_1552, %masked_sort3A_1553, %masked_sort3A_1554 = tpu.sort %get3A_1547, %add3A_1550 masked %masked_sort3A_1551 : (vector<16xf32>, vector<16xi32>, vector<16xi1>) -> (vector<16xi1>, vector<16xf32>, vector<16xi32>)
      %rev3A_1555 = arith.constant 15 : i32
      %rev3A_1556 = vector.broadcast %rev3A_1555 : i32 to vector<16xi32>
      %rev3A_1557 = tpu.iota {dimensions = array<i32: 0>} : vector<16xi32>
      %rev3A_1558 = arith.subi %rev3A_1556, %rev3A_1557 : vector<16xi32>
      %rev3A_1559 = tpu.dynamic_gather %masked_sort3A_1553[%rev3A_1558] in [0] : vector<16xf32>, vector<16xi32> -> vector<16xf32>
      %rev3A_1560 = arith.constant 15 : i32
      %rev3A_1561 = vector.broadcast %rev3A_1560 : i32 to vector<16xi32>
      %rev3A_1562 = tpu.iota {dimensions = array<i32: 0>} : vector<16xi32>
      %rev3A_1563 = arith.subi %rev3A_1561, %rev3A_1562 : vector<16xi32>
      %rev3A_1564 = tpu.dynamic_gather %masked_sort3A_1554[%rev3A_1563] in [0] : vector<16xi32>, vector<16xi32> -> vector<16xi32>
      %le3A_1565 = arith.cmpf ole, %masked_sort3A_1544, %rev3A_1559 : vector<16xf32>
      %select_n3A_1566 = arith.select %le3A_1565, %masked_sort3A_1544, %rev3A_1559 : vector<16xi1>, vector<16xf32>
      %select_n3A_1567 = arith.select %le3A_1565, %masked_sort3A_1545, %rev3A_1564 : vector<16xi1>, vector<16xi32>
      %masked_sort3A_1568 = arith.constant dense<true> : vector<16xi1>
      %masked_sort3A_1569, %masked_sort3A_1570, %masked_sort3A_1571 = tpu.sort %select_n3A_1566, %select_n3A_1567 masked %masked_sort3A_1568 : (vector<16xf32>, vector<16xi32>, vector<16xi1>) -> (vector<16xi1>, vector<16xf32>, vector<16xi32>)
      %rev3A_1572 = arith.constant 15 : i32
      %rev3A_1573 = vector.broadcast %rev3A_1572 : i32 to vector<16xi32>
      %rev3A_1574 = tpu.iota {dimensions = array<i32: 0>} : vector<16xi32>
      %rev3A_1575 = arith.subi %rev3A_1573, %rev3A_1574 : vector<16xi32>
      %rev3A_1576 = tpu.dynamic_gather %masked_sort3A_1570[%rev3A_1575] in [0] : vector<16xf32>, vector<16xi32> -> vector<16xf32>
      %rev3A_1577 = arith.constant 15 : i32
      %rev3A_1578 = vector.broadcast %rev3A_1577 : i32 to vector<16xi32>
      %rev3A_1579 = tpu.iota {dimensions = array<i32: 0>} : vector<16xi32>
      %rev3A_1580 = arith.subi %rev3A_1578, %rev3A_1579 : vector<16xi32>
      %rev3A_1581 = tpu.dynamic_gather %masked_sort3A_1571[%rev3A_1580] in [0] : vector<16xi32>, vector<16xi32> -> vector<16xi32>
      %le3A_1582 = arith.cmpf ole, %masked_sort3A_1540, %rev3A_1576 : vector<16xf32>
      %select_n3A_1583 = arith.select %le3A_1582, %masked_sort3A_1540, %rev3A_1576 : vector<16xi1>, vector<16xf32>
      %select_n3A_1584 = arith.select %le3A_1582, %masked_sort3A_1541, %rev3A_1581 : vector<16xi1>, vector<16xi32>
      %select_n3A_1585 = arith.select %le3A_1582, %rev3A_1576, %masked_sort3A_1540 : vector<16xi1>, vector<16xf32>
      %select_n3A_1586 = arith.select %le3A_1582, %rev3A_1581, %masked_sort3A_1541 : vector<16xi1>, vector<16xi32>
      %masked_sort3A_1587 = arith.constant dense<true> : vector<16xi1>
      %masked_sort3A_1588, %masked_sort3A_1589, %masked_sort3A_1590 = tpu.sort %select_n3A_1583, %select_n3A_1584 masked %masked_sort3A_1587 : (vector<16xf32>, vector<16xi32>, vector<16xi1>) -> (vector<16xi1>, vector<16xf32>, vector<16xi32>)
      %masked_sort3A_1591 = arith.constant dense<true> : vector<16xi1>
      %masked_sort3A_1592, %masked_sort3A_1593, %masked_sort3A_1594 = tpu.sort %select_n3A_1585, %select_n3A_1586 masked %masked_sort3A_1591 : (vector<16xf32>, vector<16xi32>, vector<16xi1>) -> (vector<16xi1>, vector<16xf32>, vector<16xi32>)
      %get3A_1595 = arith.constant 496 : index
      %get3A_1596 = tpu.vector_load %arg7[%get3A_1595] {strides = array<i32>} : memref<512xf32, #tpu.memory_space<vmem>>, vector<16xf32>,
      %add3A_1597 = arith.constant 496 : i32
      %add3A_1598 = vector.broadcast %add3A_1597 : i32 to vector<16xi32>
      %add3A_1599 = arith.addi %iota3A, %add3A_1598 : vector<16xi32>
      %masked_sort3A_1600 = arith.constant dense<true> : vector<16xi1>
      %masked_sort3A_1601, %masked_sort3A_1602, %masked_sort3A_1603 = tpu.sort %get3A_1596, %add3A_1599 masked %masked_sort3A_1600 : (vector<16xf32>, vector<16xi32>, vector<16xi1>) -> (vector<16xi1>, vector<16xf32>, vector<16xi32>)
      %rev3A_1604 = arith.constant 15 : i32
      %rev3A_1605 = vector.broadcast %rev3A_1604 : i32 to vector<16xi32>
      %rev3A_1606 = tpu.iota {dimensions = array<i32: 0>} : vector<16xi32>
      %rev3A_1607 = arith.subi %rev3A_1605, %rev3A_1606 : vector<16xi32>
      %rev3A_1608 = tpu.dynamic_gather %masked_sort3A_1602[%rev3A_1607] in [0] : vector<16xf32>, vector<16xi32> -> vector<16xf32>
      %rev3A_1609 = arith.constant 15 : i32
      %rev3A_1610 = vector.broadcast %rev3A_1609 : i32 to vector<16xi32>
      %rev3A_1611 = tpu.iota {dimensions = array<i32: 0>} : vector<16xi32>
      %rev3A_1612 = arith.subi %rev3A_1610, %rev3A_1611 : vector<16xi32>
      %rev3A_1613 = tpu.dynamic_gather %masked_sort3A_1603[%rev3A_1612] in [0] : vector<16xi32>, vector<16xi32> -> vector<16xi32>
      %le3A_1614 = arith.cmpf ole, %masked_sort3A_1593, %rev3A_1608 : vector<16xf32>
      %select_n3A_1615 = arith.select %le3A_1614, %masked_sort3A_1593, %rev3A_1608 : vector<16xi1>, vector<16xf32>
      %select_n3A_1616 = arith.select %le3A_1614, %masked_sort3A_1594, %rev3A_1613 : vector<16xi1>, vector<16xi32>
      %masked_sort3A_1617 = arith.constant dense<true> : vector<16xi1>
      %masked_sort3A_1618, %masked_sort3A_1619, %masked_sort3A_1620 = tpu.sort %select_n3A_1615, %select_n3A_1616 masked %masked_sort3A_1617 : (vector<16xf32>, vector<16xi32>, vector<16xi1>) -> (vector<16xi1>, vector<16xf32>, vector<16xi32>)
      %rev3A_1621 = arith.constant 15 : i32
      %rev3A_1622 = vector.broadcast %rev3A_1621 : i32 to vector<16xi32>
      %rev3A_1623 = tpu.iota {dimensions = array<i32: 0>} : vector<16xi32>
      %rev3A_1624 = arith.subi %rev3A_1622, %rev3A_1623 : vector<16xi32>
      %rev3A_1625 = tpu.dynamic_gather %masked_sort3A_1619[%rev3A_1624] in [0] : vector<16xf32>, vector<16xi32> -> vector<16xf32>
      %rev3A_1626 = arith.constant 15 : i32
      %rev3A_1627 = vector.broadcast %rev3A_1626 : i32 to vector<16xi32>
      %rev3A_1628 = tpu.iota {dimensions = array<i32: 0>} : vector<16xi32>
      %rev3A_1629 = arith.subi %rev3A_1627, %rev3A_1628 : vector<16xi32>
      %rev3A_1630 = tpu.dynamic_gather %masked_sort3A_1620[%rev3A_1629] in [0] : vector<16xi32>, vector<16xi32> -> vector<16xi32>
      %le3A_1631 = arith.cmpf ole, %masked_sort3A_1589, %rev3A_1625 : vector<16xf32>
      %select_n3A_1632 = arith.select %le3A_1631, %masked_sort3A_1589, %rev3A_1625 : vector<16xi1>, vector<16xf32>
      %select_n3A_1633 = arith.select %le3A_1631, %masked_sort3A_1590, %rev3A_1630 : vector<16xi1>, vector<16xi32>
      %select_n3A_1634 = arith.select %le3A_1631, %rev3A_1625, %masked_sort3A_1589 : vector<16xi1>, vector<16xf32>
      %select_n3A_1635 = arith.select %le3A_1631, %rev3A_1630, %masked_sort3A_1590 : vector<16xi1>, vector<16xi32>
      %masked_sort3A_1636 = arith.constant dense<true> : vector<16xi1>
      %masked_sort3A_1637, %masked_sort3A_1638, %masked_sort3A_1639 = tpu.sort %select_n3A_1632, %select_n3A_1633 masked %masked_sort3A_1636 : (vector<16xf32>, vector<16xi32>, vector<16xi1>) -> (vector<16xi1>, vector<16xf32>, vector<16xi32>)
      %masked_sort3A_1640 = arith.constant dense<true> : vector<16xi1>
      %masked_sort3A_1641, %masked_sort3A_1642, %masked_sort3A_1643 = tpu.sort %select_n3A_1634, %select_n3A_1635 masked %masked_sort3A_1640 : (vector<16xf32>, vector<16xi32>, vector<16xi1>) -> (vector<16xi1>, vector<16xf32>, vector<16xi32>)
      %jit3A = arith.constant 512 : i32
      %div3A = arith.divsi %add3A_137, %jit3A : i32
      %sign3A = arith.constant 0 : i32
      %sign3A_1644 = arith.cmpi sgt, %add3A_137, %sign3A : i32
      %sign3A_1645 = arith.extui %sign3A_1644 : i1 to i32
      %sign3A_1646 = arith.constant 0 : i32
      %sign3A_1647 = arith.cmpi slt, %add3A_137, %sign3A_1646 : i32
      %sign3A_1648 = arith.extui %sign3A_1647 : i1 to i32
      %sign3A_1649 = arith.subi %sign3A_1645, %sign3A_1648 : i32
      %sign3A_1650 = arith.constant 0 : i32
      %sign3A_1651 = arith.cmpi sgt, %jit3A, %sign3A_1650 : i32
      %sign3A_1652 = arith.extui %sign3A_1651 : i1 to i32
      %sign3A_1653 = arith.constant 0 : i32
      %sign3A_1654 = arith.cmpi slt, %jit3A, %sign3A_1653 : i32
      %sign3A_1655 = arith.extui %sign3A_1654 : i1 to i32
      %sign3A_1656 = arith.subi %sign3A_1652, %sign3A_1655 : i32
      %ne3A = arith.cmpi ne, %sign3A_1649, %sign3A_1656 : i32
      %rem3A = arith.remsi %add3A_137, %jit3A : i32
      %ne3A_1657 = arith.constant 0 : i32
      %ne3A_1658 = arith.cmpi ne, %rem3A, %ne3A_1657 : i32
      %and3A = arith.andi %ne3A, %ne3A_1658 : i1
      %sub3A = arith.constant 1 : i32
      %sub3A_1659 = arith.subi %div3A, %sub3A : i32
      %select_n3A_1660 = arith.select %and3A, %sub3A_1659, %div3A : i32
      %mul3A_1661 = arith.constant 512 : i32
      %mul3A_1662 = arith.muli %select_n3A_1660, %mul3A_1661 : i32
      %add3A_1663 = vector.broadcast %mul3A_1662 : i32 to vector<16xi32>
      %add3A_1664 = arith.addi %masked_sort3A_1639, %add3A_1663 : vector<16xi32>
      %swap3A_1665 = arith.constant 0 : index
      %swap3A_1666 = tpu.vector_load %arg8[%swap3A_1665] {strides = array<i32>} : memref<32xi32, #tpu.memory_space<vmem>>, vector<16xi32>,
      tpu.vector_store %arg8[%swap3A_1665], %add3A_1664 {strides = array<i32>} : memref<32xi32, #tpu.memory_space<vmem>>, vector<16xi32>,
      %add3A_1667 = vector.broadcast %mul3A_1662 : i32 to vector<16xi32>
      %add3A_1668 = arith.addi %masked_sort3A_1643, %add3A_1667 : vector<16xi32>
      %swap3A_1669 = arith.constant 16 : index
      %swap3A_1670 = tpu.vector_load %arg8[%swap3A_1669] {strides = array<i32>} : memref<32xi32, #tpu.memory_space<vmem>>, vector<16xi32>,
      tpu.vector_store %arg8[%swap3A_1669], %add3A_1668 {strides = array<i32>} : memref<32xi32, #tpu.memory_space<vmem>>, vector<16xi32>,
      %dma_start3A = arith.constant 0 : i32
      %dma_start3A_1671 = arith.constant 0 : i32
      %dma_start3A_1672 = tpu.memref_slice %arg3[%dma_start3A, %dma_start3A_1671] : memref<2048x512xf32, #tpu.memory_space<hbm>> -> memref<2048x512xf32, #tpu.memory_space<hbm>>
      tpu.enqueue_indirect_dma source(%dma_start3A_1672 : memref<2048x512xf32, #tpu.memory_space<hbm>>) target(%arg9 : memref<32x512xf32, #tpu.memory_space<vmem>>) offsets(%arg8 : memref<32xi32, #tpu.memory_space<vmem>>) semaphore(%arg12 : memref<!tpu.dma_semaphore, #tpu.memory_space<semaphore_mem>>)
      %add3A_1673 = arith.constant 0 : i32
      %add3A_1674 = vector.broadcast %add3A_1673 : i32 to vector<16xi32>
      %add3A_1675 = arith.addi %iota3A, %add3A_1674 : vector<16xi32>
      %mul3A_1676 = arith.constant 0 : i32
      %mul3A_1677 = vector.broadcast %mul3A_1676 : i32 to vector<16xi32>
      %mul3A_1678 = arith.muli %iota3A, %mul3A_1677 : vector<16xi32>
      %mul3A_1679 = arith.constant 3 : i32
      %mul3A_1680 = arith.muli %select_n3A_1660, %mul3A_1679 : i32
      %add3A_1681 = arith.constant 0 : i32
      %add3A_1682 = arith.addi %mul3A_1680, %add3A_1681 : i32
      %add3A_1683 = vector.broadcast %add3A_1682 : i32 to vector<16xi32>
      %add3A_1684 = arith.addi %mul3A_1678, %add3A_1683 : vector<16xi32>
      %gather3A = tpu.vector_load_idx %arg11[%add3A_1684, %masked_sort3A_1639] : memref<16x512xf32, #tpu.memory_space<vmem>>[vector<16xi32>, vector<16xi32>], vector<16xf32>,
      %mul3A_1685 = arith.constant 0 : i32
      %mul3A_1686 = vector.broadcast %mul3A_1685 : i32 to vector<16xi32>
      %mul3A_1687 = arith.muli %iota3A, %mul3A_1686 : vector<16xi32>
      %add3A_1688 = arith.constant 0 : i32
      %add3A_1689 = vector.broadcast %add3A_1688 : i32 to vector<16xi32>
      %add3A_1690 = arith.addi %mul3A_1687, %add3A_1689 : vector<16xi32>
      tpu.vector_store_idx %arg10[%add3A_1675, %add3A_1690], %gather3A : memref<32x16xf32, #tpu.memory_space<vmem>>[vector<16xi32>, vector<16xi32>], vector<16xf32>,
      %mul3A_1691 = arith.constant 0 : i32
      %mul3A_1692 = vector.broadcast %mul3A_1691 : i32 to vector<16xi32>
      %mul3A_1693 = arith.muli %iota3A, %mul3A_1692 : vector<16xi32>
      %mul3A_1694 = arith.constant 3 : i32
      %mul3A_1695 = arith.muli %select_n3A_1660, %mul3A_1694 : i32
      %add3A_1696 = arith.constant 1 : i32
      %add3A_1697 = arith.addi %mul3A_1695, %add3A_1696 : i32
      %add3A_1698 = vector.broadcast %add3A_1697 : i32 to vector<16xi32>
      %add3A_1699 = arith.addi %mul3A_1693, %add3A_1698 : vector<16xi32>
      %gather3A_1700 = tpu.vector_load_idx %arg11[%add3A_1699, %masked_sort3A_1639] : memref<16x512xf32, #tpu.memory_space<vmem>>[vector<16xi32>, vector<16xi32>], vector<16xf32>,
      %mul3A_1701 = arith.constant 0 : i32
      %mul3A_1702 = vector.broadcast %mul3A_1701 : i32 to vector<16xi32>
      %mul3A_1703 = arith.muli %iota3A, %mul3A_1702 : vector<16xi32>
      %add3A_1704 = arith.constant 1 : i32
      %add3A_1705 = vector.broadcast %add3A_1704 : i32 to vector<16xi32>
      %add3A_1706 = arith.addi %mul3A_1703, %add3A_1705 : vector<16xi32>
      tpu.vector_store_idx %arg10[%add3A_1675, %add3A_1706], %gather3A_1700 : memref<32x16xf32, #tpu.memory_space<vmem>>[vector<16xi32>, vector<16xi32>], vector<16xf32>,
      %mul3A_1707 = arith.constant 0 : i32
      %mul3A_1708 = vector.broadcast %mul3A_1707 : i32 to vector<16xi32>
      %mul3A_1709 = arith.muli %iota3A, %mul3A_1708 : vector<16xi32>
      %mul3A_1710 = arith.constant 3 : i32
      %mul3A_1711 = arith.muli %select_n3A_1660, %mul3A_1710 : i32
      %add3A_1712 = arith.constant 2 : i32
      %add3A_1713 = arith.addi %mul3A_1711, %add3A_1712 : i32
      %add3A_1714 = vector.broadcast %add3A_1713 : i32 to vector<16xi32>
      %add3A_1715 = arith.addi %mul3A_1709, %add3A_1714 : vector<16xi32>
      %gather3A_1716 = tpu.vector_load_idx %arg11[%add3A_1715, %masked_sort3A_1639] : memref<16x512xf32, #tpu.memory_space<vmem>>[vector<16xi32>, vector<16xi32>], vector<16xf32>,
      %mul3A_1717 = arith.constant 0 : i32
      %mul3A_1718 = vector.broadcast %mul3A_1717 : i32 to vector<16xi32>
      %mul3A_1719 = arith.muli %iota3A, %mul3A_1718 : vector<16xi32>
      %add3A_1720 = arith.constant 2 : i32
      %add3A_1721 = vector.broadcast %add3A_1720 : i32 to vector<16xi32>
      %add3A_1722 = arith.addi %mul3A_1719, %add3A_1721 : vector<16xi32>
      tpu.vector_store_idx %arg10[%add3A_1675, %add3A_1722], %gather3A_1716 : memref<32x16xf32, #tpu.memory_space<vmem>>[vector<16xi32>, vector<16xi32>], vector<16xf32>,
      %add3A_1723 = arith.constant 16 : i32
      %add3A_1724 = vector.broadcast %add3A_1723 : i32 to vector<16xi32>
      %add3A_1725 = arith.addi %iota3A, %add3A_1724 : vector<16xi32>
      %mul3A_1726 = arith.constant 0 : i32
      %mul3A_1727 = vector.broadcast %mul3A_1726 : i32 to vector<16xi32>
      %mul3A_1728 = arith.muli %iota3A, %mul3A_1727 : vector<16xi32>
      %mul3A_1729 = arith.constant 3 : i32
      %mul3A_1730 = arith.muli %select_n3A_1660, %mul3A_1729 : i32
      %add3A_1731 = arith.constant 0 : i32
      %add3A_1732 = arith.addi %mul3A_1730, %add3A_1731 : i32
      %add3A_1733 = vector.broadcast %add3A_1732 : i32 to vector<16xi32>
      %add3A_1734 = arith.addi %mul3A_1728, %add3A_1733 : vector<16xi32>
      %gather3A_1735 = tpu.vector_load_idx %arg11[%add3A_1734, %masked_sort3A_1643] : memref<16x512xf32, #tpu.memory_space<vmem>>[vector<16xi32>, vector<16xi32>], vector<16xf32>,
      %mul3A_1736 = arith.constant 0 : i32
      %mul3A_1737 = vector.broadcast %mul3A_1736 : i32 to vector<16xi32>
      %mul3A_1738 = arith.muli %iota3A, %mul3A_1737 : vector<16xi32>
      %add3A_1739 = arith.constant 0 : i32
      %add3A_1740 = vector.broadcast %add3A_1739 : i32 to vector<16xi32>
      %add3A_1741 = arith.addi %mul3A_1738, %add3A_1740 : vector<16xi32>
      tpu.vector_store_idx %arg10[%add3A_1725, %add3A_1741], %gather3A_1735 : memref<32x16xf32, #tpu.memory_space<vmem>>[vector<16xi32>, vector<16xi32>], vector<16xf32>,
      %mul3A_1742 = arith.constant 0 : i32
      %mul3A_1743 = vector.broadcast %mul3A_1742 : i32 to vector<16xi32>
      %mul3A_1744 = arith.muli %iota3A, %mul3A_1743 : vector<16xi32>
      %mul3A_1745 = arith.constant 3 : i32
      %mul3A_1746 = arith.muli %select_n3A_1660, %mul3A_1745 : i32
      %add3A_1747 = arith.constant 1 : i32
      %add3A_1748 = arith.addi %mul3A_1746, %add3A_1747 : i32
      %add3A_1749 = vector.broadcast %add3A_1748 : i32 to vector<16xi32>
      %add3A_1750 = arith.addi %mul3A_1744, %add3A_1749 : vector<16xi32>
      %gather3A_1751 = tpu.vector_load_idx %arg11[%add3A_1750, %masked_sort3A_1643] : memref<16x512xf32, #tpu.memory_space<vmem>>[vector<16xi32>, vector<16xi32>], vector<16xf32>,
      %mul3A_1752 = arith.constant 0 : i32
      %mul3A_1753 = vector.broadcast %mul3A_1752 : i32 to vector<16xi32>
      %mul3A_1754 = arith.muli %iota3A, %mul3A_1753 : vector<16xi32>
      %add3A_1755 = arith.constant 1 : i32
      %add3A_1756 = vector.broadcast %add3A_1755 : i32 to vector<16xi32>
      %add3A_1757 = arith.addi %mul3A_1754, %add3A_1756 : vector<16xi32>
      tpu.vector_store_idx %arg10[%add3A_1725, %add3A_1757], %gather3A_1751 : memref<32x16xf32, #tpu.memory_space<vmem>>[vector<16xi32>, vector<16xi32>], vector<16xf32>,
      %mul3A_1758 = arith.constant 0 : i32
      %mul3A_1759 = vector.broadcast %mul3A_1758 : i32 to vector<16xi32>
      %mul3A_1760 = arith.muli %iota3A, %mul3A_1759 : vector<16xi32>
      %mul3A_1761 = arith.constant 3 : i32
      %mul3A_1762 = arith.muli %select_n3A_1660, %mul3A_1761 : i32
      %add3A_1763 = arith.constant 2 : i32
      %add3A_1764 = arith.addi %mul3A_1762, %add3A_1763 : i32
      %add3A_1765 = vector.broadcast %add3A_1764 : i32 to vector<16xi32>
      %add3A_1766 = arith.addi %mul3A_1760, %add3A_1765 : vector<16xi32>
      %gather3A_1767 = tpu.vector_load_idx %arg11[%add3A_1766, %masked_sort3A_1643] : memref<16x512xf32, #tpu.memory_space<vmem>>[vector<16xi32>, vector<16xi32>], vector<16xf32>,
      %mul3A_1768 = arith.constant 0 : i32
      %mul3A_1769 = vector.broadcast %mul3A_1768 : i32 to vector<16xi32>
      %mul3A_1770 = arith.muli %iota3A, %mul3A_1769 : vector<16xi32>
      %add3A_1771 = arith.constant 2 : i32
      %add3A_1772 = vector.broadcast %add3A_1771 : i32 to vector<16xi32>
      %add3A_1773 = arith.addi %mul3A_1770, %add3A_1772 : vector<16xi32>
      tpu.vector_store_idx %arg10[%add3A_1725, %add3A_1773], %gather3A_1767 : memref<32x16xf32, #tpu.memory_space<vmem>>[vector<16xi32>, vector<16xi32>], vector<16xf32>,
      %dma_wait3A = arith.constant 0 : i32
      %dma_wait3A_1774 = arith.constant 0 : i32
      %dma_wait3A_1775 = tpu.memref_slice %arg3[%dma_wait3A, %dma_wait3A_1774] : memref<2048x512xf32, #tpu.memory_space<hbm>> -> memref<2048x512xf32, #tpu.memory_space<hbm>>
      tpu.wait_indirect_dma semaphore(%arg12 : memref<!tpu.dma_semaphore, #tpu.memory_space<semaphore_mem>>) src(%dma_wait3A_1775 : memref<2048x512xf32, #tpu.memory_space<hbm>>) dst(%arg9 : memref<32x512xf32, #tpu.memory_space<vmem>>)
      %mul3A_1776 = arith.constant 32 : i32
      %mul3A_1777 = arith.muli %add3A_137, %mul3A_1776 : i32
      "tpu.region"() ({
        %run_scoped3A = tpu.sem_alloc : memref<!tpu.dma_semaphore, #tpu.memory_space<semaphore_mem>>
        %dma_start3A_1780 = arith.constant 0 : i32
        %dma_start3A_1781 = tpu.memref_slice %arg5[%mul3A_1777, %dma_start3A_1780] : memref<65536x512xf32, #tpu.memory_space<hbm>> -> memref<32x512xf32, #tpu.memory_space<hbm>>
        %dma_start3A_1782 = arith.constant 0 : i32
        %dma_start3A_1783 = tpu.memref_slice %arg5[%mul3A_1777, %dma_start3A_1782] : memref<65536x512xf32, #tpu.memory_space<hbm>> -> memref<32x512xf32, #tpu.memory_space<hbm>>
        tpu.enqueue_dma source(%arg9 : memref<32x512xf32, #tpu.memory_space<vmem>>) target(%dma_start3A_1783 : memref<32x512xf32, #tpu.memory_space<hbm>>) target_semaphore(%run_scoped3A : memref<!tpu.dma_semaphore, #tpu.memory_space<semaphore_mem>>)
        %dma_wait3A_1784 = arith.constant 0 : i32
        %dma_wait3A_1785 = tpu.memref_slice %arg5[%mul3A_1777, %dma_wait3A_1784] : memref<65536x512xf32, #tpu.memory_space<hbm>> -> memref<32x512xf32, #tpu.memory_space<hbm>>
        %dma_wait3A_1786 = arith.constant 0 : i32
        %dma_wait3A_1787 = tpu.memref_slice %arg5[%mul3A_1777, %dma_wait3A_1786] : memref<65536x512xf32, #tpu.memory_space<hbm>> -> memref<32x512xf32, #tpu.memory_space<hbm>>
        tpu.wait_dma2 semaphore(%run_scoped3A : memref<!tpu.dma_semaphore, #tpu.memory_space<semaphore_mem>>) src(%arg9 : memref<32x512xf32, #tpu.memory_space<vmem>>) dst(%dma_wait3A_1787 : memref<32x512xf32, #tpu.memory_space<hbm>>)
        tpu.yield
      }) : () -> ()
      %mul3A_1778 = arith.constant 32 : i32
      %mul3A_1779 = arith.muli %add3A_137, %mul3A_1778 : i32
      "tpu.region"() ({
        %run_scoped3A = tpu.sem_alloc : memref<!tpu.dma_semaphore, #tpu.memory_space<semaphore_mem>>
        %dma_start3A_1780 = arith.constant 0 : i32
        %dma_start3A_1781 = tpu.memref_slice %arg6[%mul3A_1779, %dma_start3A_1780] : memref<65536x16xf32, #tpu.memory_space<hbm>> -> memref<32x16xf32, #tpu.memory_space<hbm>>
        %dma_start3A_1782 = arith.constant 0 : i32
        %dma_start3A_1783 = tpu.memref_slice %arg6[%mul3A_1779, %dma_start3A_1782] : memref<65536x16xf32, #tpu.memory_space<hbm>> -> memref<32x16xf32, #tpu.memory_space<hbm>>
        tpu.enqueue_dma source(%arg10 : memref<32x16xf32, #tpu.memory_space<vmem>>) target(%dma_start3A_1783 : memref<32x16xf32, #tpu.memory_space<hbm>>) target_semaphore(%run_scoped3A : memref<!tpu.dma_semaphore, #tpu.memory_space<semaphore_mem>>)
        %dma_wait3A_1784 = arith.constant 0 : i32
        %dma_wait3A_1785 = tpu.memref_slice %arg6[%mul3A_1779, %dma_wait3A_1784] : memref<65536x16xf32, #tpu.memory_space<hbm>> -> memref<32x16xf32, #tpu.memory_space<hbm>>
        %dma_wait3A_1786 = arith.constant 0 : i32
        %dma_wait3A_1787 = tpu.memref_slice %arg6[%mul3A_1779, %dma_wait3A_1786] : memref<65536x16xf32, #tpu.memory_space<hbm>> -> memref<32x16xf32, #tpu.memory_space<hbm>>
        tpu.wait_dma2 semaphore(%run_scoped3A : memref<!tpu.dma_semaphore, #tpu.memory_space<semaphore_mem>>) src(%arg10 : memref<32x16xf32, #tpu.memory_space<vmem>>) dst(%dma_wait3A_1787 : memref<32x16xf32, #tpu.memory_space<hbm>>)
        tpu.yield
      }) : () -> ()
    }
    %scan3A_135 = arith.constant 64 : i32
    return
  }
}

module attributes {stable_mosaic.version = 14 : i64} {
  func.func @_stage_a_body(%arg0: i32, %arg1: memref<1x512x128xf32, #tpu.memory_space<vmem>>, %arg2: memref<128x768xf32, #tpu.memory_space<vmem>>, %arg3: memref<1x512x16xf32, #tpu.memory_space<vmem>>, %arg4: memref<1x16x512xf32, #tpu.memory_space<vmem>>, %arg5: memref<1x512x256xf32, #tpu.memory_space<vmem>>, %arg6: memref<1x512x512xf32, #tpu.memory_space<vmem>>, %arg7: memref<1x512x512xf32, #tpu.memory_space<vmem>>) attributes {dimension_semantics = [#tpu.dimension_semantics<arbitrary>], iteration_bounds = array<i64: 4>, scalar_prefetch = 0 : i64, scratch_operands = 0 : i64, tpu.core_type = #tpu.core_type<tc>, window_params = [{transform_indices = @transform_0, window_bounds = array<i64: 1, 512, 128>}, {pipeline_mode = #tpu.pipeline_mode<synchronous>, transform_indices = @transform_1, window_bounds = array<i64: 128, 768>}, {transform_indices = @transform_2, window_bounds = array<i64: 1, 512, 16>}, {transform_indices = @transform_3, window_bounds = array<i64: 1, 16, 512>}, {transform_indices = @transform_4, window_bounds = array<i64: 1, 512, 256>}, {transform_indices = @transform_5, window_bounds = array<i64: 1, 512, 512>}, {transform_indices = @transform_6, window_bounds = array<i64: 1, 512, 512>}]} {
    %get3A = arith.constant 0 : index
    %get3A_0 = arith.constant 0 : index
    %get3A_1 = arith.constant 0 : index
    %get3A_2 = vector.load %arg1[%get3A, %get3A_0, %get3A_1] : memref<1x512x128xf32, #tpu.memory_space<vmem>>, vector<1x512x128xf32>
    %get3A_3 = vector.shape_cast %get3A_2 : vector<1x512x128xf32> to vector<512x128xf32>
    %get3A_4 = arith.constant 0 : index
    %get3A_5 = arith.constant 0 : index
    %get3A_6 = vector.load %arg2[%get3A_4, %get3A_5] : memref<128x768xf32, #tpu.memory_space<vmem>>, vector<128x768xf32>
    %dot_general3A = arith.constant dense<0.000000e+00> : vector<512x768xf32>
    %dot_general3A_7 = tpu.matmul %get3A_3, %get3A_6, %dot_general3A {dimension_numbers = #tpu.dot_dimension_numbers<[1], [0], [0], [1], [0, 0, 1, 1], [], []>, precision = #tpu.contract_precision<fp32>, transpose_lhs_hint = false} : vector<512x128xf32>, vector<128x768xf32>, vector<512x768xf32> -> vector<512x768xf32>
    %slice3A = vector.extract_strided_slice %dot_general3A_7 {offsets = [0, 0], sizes = [512, 256], strides = [1, 1]} : vector<512x768xf32> to vector<512x256xf32>
    %swap3A = arith.constant 0 : index
    %swap3A_8 = arith.constant 0 : index
    %swap3A_9 = arith.constant 0 : index
    %swap3A_10 = vector.load %arg5[%swap3A, %swap3A_8, %swap3A_9] : memref<1x512x256xf32, #tpu.memory_space<vmem>>, vector<1x512x256xf32>
    %swap3A_11 = vector.shape_cast %swap3A_10 : vector<1x512x256xf32> to vector<512x256xf32>
    %swap3A_12 = vector.shape_cast %slice3A : vector<512x256xf32> to vector<1x512x256xf32>
    tpu.vector_store %arg5[%swap3A, %swap3A_8, %swap3A_9], %swap3A_12 {strides = array<i32>} : memref<1x512x256xf32, #tpu.memory_space<vmem>>, vector<1x512x256xf32>,
    %slice3A_13 = vector.extract_strided_slice %dot_general3A_7 {offsets = [0, 256], sizes = [512, 512], strides = [1, 1]} : vector<512x768xf32> to vector<512x512xf32>
    %swap3A_14 = arith.constant 0 : index
    %swap3A_15 = arith.constant 0 : index
    %swap3A_16 = arith.constant 0 : index
    %swap3A_17 = vector.load %arg6[%swap3A_14, %swap3A_15, %swap3A_16] : memref<1x512x512xf32, #tpu.memory_space<vmem>>, vector<1x512x512xf32>
    %swap3A_18 = vector.shape_cast %swap3A_17 : vector<1x512x512xf32> to vector<512x512xf32>
    %swap3A_19 = vector.shape_cast %slice3A_13 : vector<512x512xf32> to vector<1x512x512xf32>
    tpu.vector_store %arg6[%swap3A_14, %swap3A_15, %swap3A_16], %swap3A_19 {strides = array<i32>} : memref<1x512x512xf32, #tpu.memory_space<vmem>>, vector<1x512x512xf32>,
    %get3A_20 = arith.constant 0 : index
    %get3A_21 = arith.constant 0 : index
    %get3A_22 = arith.constant 0 : index
    %get3A_23 = vector.load %arg3[%get3A_20, %get3A_21, %get3A_22] : memref<1x512x16xf32, #tpu.memory_space<vmem>>, vector<1x512x16xf32>
    %get3A_24 = vector.shape_cast %get3A_23 : vector<1x512x16xf32> to vector<512x16xf32>
    %get3A_25 = arith.constant 0 : index
    %get3A_26 = arith.constant 0 : index
    %get3A_27 = arith.constant 0 : index
    %get3A_28 = vector.load %arg4[%get3A_25, %get3A_26, %get3A_27] : memref<1x16x512xf32, #tpu.memory_space<vmem>>, vector<1x16x512xf32>
    %get3A_29 = vector.shape_cast %get3A_28 : vector<1x16x512xf32> to vector<16x512xf32>
    %slice3A_30 = vector.extract_strided_slice %get3A_24 {offsets = [0, 0], sizes = [512, 1], strides = [1, 1]} : vector<512x16xf32> to vector<512x1xf32>
    %slice3A_31 = vector.extract_strided_slice %get3A_29 {offsets = [0, 0], sizes = [1, 512], strides = [1, 1]} : vector<16x512xf32> to vector<1x512xf32>
    %sub3A = vector.broadcast %slice3A_30 : vector<512x1xf32> to vector<512x512xf32>
    %sub3A_32 = vector.broadcast %slice3A_31 : vector<1x512xf32> to vector<512x512xf32>
    %sub3A_33 = arith.subf %sub3A, %sub3A_32 : vector<512x512xf32>
    %slice3A_34 = vector.extract_strided_slice %get3A_24 {offsets = [0, 1], sizes = [512, 1], strides = [1, 1]} : vector<512x16xf32> to vector<512x1xf32>
    %slice3A_35 = vector.extract_strided_slice %get3A_29 {offsets = [1, 0], sizes = [1, 512], strides = [1, 1]} : vector<16x512xf32> to vector<1x512xf32>
    %sub3A_36 = vector.broadcast %slice3A_34 : vector<512x1xf32> to vector<512x512xf32>
    %sub3A_37 = vector.broadcast %slice3A_35 : vector<1x512xf32> to vector<512x512xf32>
    %sub3A_38 = arith.subf %sub3A_36, %sub3A_37 : vector<512x512xf32>
    %slice3A_39 = vector.extract_strided_slice %get3A_24 {offsets = [0, 2], sizes = [512, 1], strides = [1, 1]} : vector<512x16xf32> to vector<512x1xf32>
    %slice3A_40 = vector.extract_strided_slice %get3A_29 {offsets = [2, 0], sizes = [1, 512], strides = [1, 1]} : vector<16x512xf32> to vector<1x512xf32>
    %sub3A_41 = vector.broadcast %slice3A_39 : vector<512x1xf32> to vector<512x512xf32>
    %sub3A_42 = vector.broadcast %slice3A_40 : vector<1x512xf32> to vector<512x512xf32>
    %sub3A_43 = arith.subf %sub3A_41, %sub3A_42 : vector<512x512xf32>
    %mul3A = arith.mulf %sub3A_33, %sub3A_33 : vector<512x512xf32>
    %mul3A_44 = arith.mulf %sub3A_38, %sub3A_38 : vector<512x512xf32>
    %add3A = arith.addf %mul3A, %mul3A_44 : vector<512x512xf32>
    %mul3A_45 = arith.mulf %sub3A_43, %sub3A_43 : vector<512x512xf32>
    %add3A_46 = arith.addf %add3A, %mul3A_45 : vector<512x512xf32>
    %swap3A_47 = arith.constant 0 : index
    %swap3A_48 = arith.constant 0 : index
    %swap3A_49 = arith.constant 0 : index
    %swap3A_50 = vector.load %arg7[%swap3A_47, %swap3A_48, %swap3A_49] : memref<1x512x512xf32, #tpu.memory_space<vmem>>, vector<1x512x512xf32>
    %swap3A_51 = vector.shape_cast %swap3A_50 : vector<1x512x512xf32> to vector<512x512xf32>
    %swap3A_52 = vector.shape_cast %add3A_46 : vector<512x512xf32> to vector<1x512x512xf32>
    tpu.vector_store %arg7[%swap3A_47, %swap3A_48, %swap3A_49], %swap3A_52 {strides = array<i32>} : memref<1x512x512xf32, #tpu.memory_space<vmem>>, vector<1x512x512xf32>,
    return
  }
  func.func @transform_0(%arg0: i32) -> (i32, i32, i32) {
    %c0_i32 = arith.constant 0 : i32
    %c0_i32_0 = arith.constant 0 : i32
    %c0_i32_1 = arith.constant 0 : i32
    return %arg0, %c0_i32, %c0_i32_0 : i32, i32, i32
  }
  func.func @transform_1(%arg0: i32) -> (i32, i32) {
    %c0_i32 = arith.constant 0 : i32
    %c0_i32_0 = arith.constant 0 : i32
    %c0_i32_1 = arith.constant 0 : i32
    return %c0_i32, %c0_i32_0 : i32, i32
  }
  func.func @transform_2(%arg0: i32) -> (i32, i32, i32) {
    %c0_i32 = arith.constant 0 : i32
    %c0_i32_0 = arith.constant 0 : i32
    %c0_i32_1 = arith.constant 0 : i32
    return %arg0, %c0_i32, %c0_i32_0 : i32, i32, i32
  }
  func.func @transform_3(%arg0: i32) -> (i32, i32, i32) {
    %c0_i32 = arith.constant 0 : i32
    %c0_i32_0 = arith.constant 0 : i32
    %c0_i32_1 = arith.constant 0 : i32
    return %arg0, %c0_i32, %c0_i32_0 : i32, i32, i32
  }
  func.func @transform_4(%arg0: i32) -> (i32, i32, i32) {
    %c0_i32 = arith.constant 0 : i32
    %c0_i32_0 = arith.constant 0 : i32
    %c0_i32_1 = arith.constant 0 : i32
    return %arg0, %c0_i32, %c0_i32_0 : i32, i32, i32
  }
  func.func @transform_5(%arg0: i32) -> (i32, i32, i32) {
    %c0_i32 = arith.constant 0 : i32
    %c0_i32_0 = arith.constant 0 : i32
    %c0_i32_1 = arith.constant 0 : i32
    return %arg0, %c0_i32, %c0_i32_0 : i32, i32, i32
  }
  func.func @transform_6(%arg0: i32) -> (i32, i32, i32) {
    %c0_i32 = arith.constant 0 : i32
    %c0_i32_0 = arith.constant 0 : i32
    %c0_i32_1 = arith.constant 0 : i32
    return %arg0, %c0_i32, %c0_i32_0 : i32, i32, i32
  }
}

module attributes {stable_mosaic.version = 14 : i64} {
  func.func @_stage_c_body(%arg0: i32, %arg1: memref<64x256xf32, #tpu.memory_space<vmem>>, %arg2: memref<2048x512xf32, #tpu.memory_space<vmem>>, %arg3: memref<2048x16xf32, #tpu.memory_space<vmem>>, %arg4: memref<64x16xf32, #tpu.memory_space<vmem>>, %arg5: memref<1x16xf32, #tpu.memory_space<vmem>>, %arg6: memref<1x16xf32, #tpu.memory_space<vmem>>, %arg7: memref<16x128xf32, #tpu.memory_space<vmem>>, %arg8: memref<1x128xf32, #tpu.memory_space<vmem>>, %arg9: memref<128x64xf32, #tpu.memory_space<vmem>>, %arg10: memref<1x64xf32, #tpu.memory_space<vmem>>, %arg11: memref<64x256xf32, #tpu.memory_space<vmem>>, %arg12: memref<64x256xf32, #tpu.memory_space<vmem>>, %arg13: memref<1x256xf32, #tpu.memory_space<vmem>>, %arg14: memref<256x16xf32, #tpu.memory_space<vmem>>, %arg15: memref<1x16xf32, #tpu.memory_space<vmem>>, %arg16: memref<16x128xf32, #tpu.memory_space<vmem>>, %arg17: memref<1x128xf32, #tpu.memory_space<vmem>>, %arg18: memref<128x8xf32, #tpu.memory_space<vmem>>, %arg19: memref<1x8xf32, #tpu.memory_space<vmem>>, %arg20: memref<256x128xf32, #tpu.memory_space<vmem>>, %arg21: memref<1x128xf32, #tpu.memory_space<vmem>>, %arg22: memref<1x8xf32, #tpu.memory_space<vmem>>, %arg23: memref<64x128xf32, #tpu.memory_space<vmem>>, %arg24: memref<64x16xf32, #tpu.memory_space<vmem>>) attributes {dimension_semantics = [#tpu.dimension_semantics<arbitrary>], iteration_bounds = array<i64: 32>, scalar_prefetch = 0 : i64, scratch_operands = 0 : i64, tpu.core_type = #tpu.core_type<tc>, window_params = [{transform_indices = @transform_0, window_bounds = array<i64: 64, 256>}, {transform_indices = @transform_1, window_bounds = array<i64: 2048, 512>}, {transform_indices = @transform_2, window_bounds = array<i64: 2048, 16>}, {transform_indices = @transform_3, window_bounds = array<i64: 64, 16>}, {pipeline_mode = #tpu.pipeline_mode<synchronous>, transform_indices = @transform_4, window_bounds = array<i64: 1, 16>}, {pipeline_mode = #tpu.pipeline_mode<synchronous>, transform_indices = @transform_5, window_bounds = array<i64: 1, 16>}, {pipeline_mode = #tpu.pipeline_mode<synchronous>, transform_indices = @transform_6, window_bounds = array<i64: 16, 128>}, {pipeline_mode = #tpu.pipeline_mode<synchronous>, transform_indices = @transform_7, window_bounds = array<i64: 1, 128>}, {pipeline_mode = #tpu.pipeline_mode<synchronous>, transform_indices = @transform_8, window_bounds = array<i64: 128, 64>}, {pipeline_mode = #tpu.pipeline_mode<synchronous>, transform_indices = @transform_9, window_bounds = array<i64: 1, 64>}, {pipeline_mode = #tpu.pipeline_mode<synchronous>, transform_indices = @transform_10, window_bounds = array<i64: 64, 256>}, {pipeline_mode = #tpu.pipeline_mode<synchronous>, transform_indices = @transform_11, window_bounds = array<i64: 64, 256>}, {pipeline_mode = #tpu.pipeline_mode<synchronous>, transform_indices = @transform_12, window_bounds = array<i64: 1, 256>}, {pipeline_mode = #tpu.pipeline_mode<synchronous>, transform_indices = @transform_13, window_bounds = array<i64: 256, 16>}, {pipeline_mode = #tpu.pipeline_mode<synchronous>, transform_indices = @transform_14, window_bounds = array<i64: 1, 16>}, {pipeline_mode = #tpu.pipeline_mode<synchronous>, transform_indices = @transform_15, window_bounds = array<i64: 16, 128>}, {pipeline_mode = #tpu.pipeline_mode<synchronous>, transform_indices = @transform_16, window_bounds = array<i64: 1, 128>}, {pipeline_mode = #tpu.pipeline_mode<synchronous>, transform_indices = @transform_17, window_bounds = array<i64: 128, 8>}, {pipeline_mode = #tpu.pipeline_mode<synchronous>, transform_indices = @transform_18, window_bounds = array<i64: 1, 8>}, {pipeline_mode = #tpu.pipeline_mode<synchronous>, transform_indices = @transform_19, window_bounds = array<i64: 256, 128>}, {pipeline_mode = #tpu.pipeline_mode<synchronous>, transform_indices = @transform_20, window_bounds = array<i64: 1, 128>}, {pipeline_mode = #tpu.pipeline_mode<synchronous>, transform_indices = @transform_21, window_bounds = array<i64: 1, 8>}, {transform_indices = @transform_22, window_bounds = array<i64: 64, 128>}, {transform_indices = @transform_23, window_bounds = array<i64: 64, 16>}]} {
    %get3A = arith.constant 0 : index
    %get3A_0 = arith.constant 0 : index
    %get3A_1 = vector.load %arg4[%get3A, %get3A_0] : memref<64x16xf32, #tpu.memory_space<vmem>>, vector<64x16xf32>
    %broadcast_in_dim3A = vector.shape_cast %get3A_1 : vector<64x16xf32> to vector<64x1x16xf32>
    %broadcast_in_dim3A_2 = vector.shape_cast %broadcast_in_dim3A : vector<64x1x16xf32> to vector<64x1x16xf32>
    %broadcast_in_dim3A_3 = vector.broadcast %broadcast_in_dim3A_2 : vector<64x1x16xf32> to vector<64x32x16xf32>
    %reshape3A = vector.shape_cast %broadcast_in_dim3A_3 : vector<64x32x16xf32> to vector<2048x16xf32>
    %get3A_4 = arith.constant 0 : index
    %get3A_5 = arith.constant 0 : index
    %get3A_6 = vector.load %arg3[%get3A_4, %get3A_5] : memref<2048x16xf32, #tpu.memory_space<vmem>>, vector<2048x16xf32>
    %sub3A = arith.subf %reshape3A, %get3A_6 : vector<2048x16xf32>
    %slice3A = vector.extract_strided_slice %sub3A {offsets = [0, 0], sizes = [2048, 1], strides = [1, 1]} : vector<2048x16xf32> to vector<2048x1xf32>
    %slice3A_7 = vector.extract_strided_slice %sub3A {offsets = [0, 0], sizes = [2048, 1], strides = [1, 1]} : vector<2048x16xf32> to vector<2048x1xf32>
    %mul3A = arith.mulf %slice3A, %slice3A_7 : vector<2048x1xf32>
    %slice3A_8 = vector.extract_strided_slice %sub3A {offsets = [0, 1], sizes = [2048, 1], strides = [1, 1]} : vector<2048x16xf32> to vector<2048x1xf32>
    %slice3A_9 = vector.extract_strided_slice %sub3A {offsets = [0, 1], sizes = [2048, 1], strides = [1, 1]} : vector<2048x16xf32> to vector<2048x1xf32>
    %mul3A_10 = arith.mulf %slice3A_8, %slice3A_9 : vector<2048x1xf32>
    %add3A = arith.addf %mul3A, %mul3A_10 : vector<2048x1xf32>
    %slice3A_11 = vector.extract_strided_slice %sub3A {offsets = [0, 2], sizes = [2048, 1], strides = [1, 1]} : vector<2048x16xf32> to vector<2048x1xf32>
    %slice3A_12 = vector.extract_strided_slice %sub3A {offsets = [0, 2], sizes = [2048, 1], strides = [1, 1]} : vector<2048x16xf32> to vector<2048x1xf32>
    %mul3A_13 = arith.mulf %slice3A_11, %slice3A_12 : vector<2048x1xf32>
    %add3A_14 = arith.addf %add3A, %mul3A_13 : vector<2048x1xf32>
    %max3A = arith.constant 9.99999996E-13 : f32
    %max3A_15 = vector.broadcast %max3A : f32 to vector<2048x1xf32>
    %max3A_16 = arith.maximumf %add3A_14, %max3A_15 : vector<2048x1xf32>
    %sqrt3A = math.sqrt %max3A_16 : vector<2048x1xf32>
    %get3A_17 = arith.constant 0 : index
    %get3A_18 = arith.constant 0 : index
    %get3A_19 = vector.load %arg5[%get3A_17, %get3A_18] : memref<1x16xf32, #tpu.memory_space<vmem>>, vector<1x16xf32>
    %mul3A_20 = vector.broadcast %sqrt3A : vector<2048x1xf32> to vector<2048x16xf32>
    %mul3A_21 = vector.broadcast %get3A_19 : vector<1x16xf32> to vector<2048x16xf32>
    %mul3A_22 = arith.mulf %mul3A_20, %mul3A_21 : vector<2048x16xf32>
    %get3A_23 = arith.constant 0 : index
    %get3A_24 = arith.constant 0 : index
    %get3A_25 = vector.load %arg6[%get3A_23, %get3A_24] : memref<1x16xf32, #tpu.memory_space<vmem>>, vector<1x16xf32>
    %add3A_26 = vector.broadcast %get3A_25 : vector<1x16xf32> to vector<2048x16xf32>
    %add3A_27 = arith.addf %mul3A_22, %add3A_26 : vector<2048x16xf32>
    %sin3A = math.sin %add3A_27 : vector<2048x16xf32>
    %iota3A = tpu.iota {dimensions = array<i32: 1>} : vector<1x16xi32>
    %eq3A = arith.constant 8 : i32
    %eq3A_28 = vector.broadcast %eq3A : i32 to vector<1x16xi32>
    %eq3A_29 = arith.cmpi eq, %iota3A, %eq3A_28 : vector<1x16xi32>
    %broadcast_in_dim3A_30 = vector.shape_cast %eq3A_29 : vector<1x16xi1> to vector<1x16xi1>
    %broadcast_in_dim3A_31 = vector.broadcast %broadcast_in_dim3A_30 : vector<1x16xi1> to vector<2048x16xi1>
    %broadcast_in_dim3A_32 = vector.shape_cast %sqrt3A : vector<2048x1xf32> to vector<2048x1xf32>
    %broadcast_in_dim3A_33 = vector.broadcast %broadcast_in_dim3A_32 : vector<2048x1xf32> to vector<2048x16xf32>
    %select_n3A = arith.select %broadcast_in_dim3A_31, %broadcast_in_dim3A_33, %sin3A : vector<2048x16xi1>, vector<2048x16xf32>
    %get3A_34 = arith.constant 0 : index
    %get3A_35 = arith.constant 0 : index
    %get3A_36 = vector.load %arg7[%get3A_34, %get3A_35] : memref<16x128xf32, #tpu.memory_space<vmem>>, vector<16x128xf32>
    %dot_general3A = arith.constant dense<0.000000e+00> : vector<2048x128xf32>
    %dot_general3A_37 = tpu.matmul %select_n3A, %get3A_36, %dot_general3A {dimension_numbers = #tpu.dot_dimension_numbers<[1], [0], [0], [1], [0, 0, 1, 1], [], []>, precision = #tpu.contract_precision<fp32>, transpose_lhs_hint = false} : vector<2048x16xf32>, vector<16x128xf32>, vector<2048x128xf32> -> vector<2048x128xf32>
    %get3A_38 = arith.constant 0 : index
    %get3A_39 = arith.constant 0 : index
    %get3A_40 = vector.load %arg8[%get3A_38, %get3A_39] : memref<1x128xf32, #tpu.memory_space<vmem>>, vector<1x128xf32>
    %add3A_41 = vector.broadcast %get3A_40 : vector<1x128xf32> to vector<2048x128xf32>
    %add3A_42 = arith.addf %dot_general3A_37, %add3A_41 : vector<2048x128xf32>
    %max3A_43 = arith.constant 0.000000e+00 : f32
    %max3A_44 = vector.broadcast %max3A_43 : f32 to vector<2048x128xf32>
    %max3A_45 = arith.maximumf %add3A_42, %max3A_44 : vector<2048x128xf32>
    %get3A_46 = arith.constant 0 : index
    %get3A_47 = arith.constant 0 : index
    %get3A_48 = vector.load %arg9[%get3A_46, %get3A_47] : memref<128x64xf32, #tpu.memory_space<vmem>>, vector<128x64xf32>
    %dot_general3A_49 = arith.constant dense<0.000000e+00> : vector<2048x64xf32>
    %dot_general3A_50 = tpu.matmul %max3A_45, %get3A_48, %dot_general3A_49 {dimension_numbers = #tpu.dot_dimension_numbers<[1], [0], [0], [1], [0, 0, 1, 1], [], []>, precision = #tpu.contract_precision<fp32>, transpose_lhs_hint = false} : vector<2048x128xf32>, vector<128x64xf32>, vector<2048x64xf32> -> vector<2048x64xf32>
    %get3A_51 = arith.constant 0 : index
    %get3A_52 = arith.constant 0 : index
    %get3A_53 = vector.load %arg10[%get3A_51, %get3A_52] : memref<1x64xf32, #tpu.memory_space<vmem>>, vector<1x64xf32>
    %add3A_54 = vector.broadcast %get3A_53 : vector<1x64xf32> to vector<2048x64xf32>
    %add3A_55 = arith.addf %dot_general3A_50, %add3A_54 : vector<2048x64xf32>
    %get3A_56 = arith.constant 0 : index
    %get3A_57 = arith.constant 0 : index
    %get3A_58 = vector.load %arg12[%get3A_56, %get3A_57] : memref<64x256xf32, #tpu.memory_space<vmem>>, vector<64x256xf32>
    %dot_general3A_59 = arith.constant dense<0.000000e+00> : vector<2048x256xf32>
    %dot_general3A_60 = tpu.matmul %add3A_55, %get3A_58, %dot_general3A_59 {dimension_numbers = #tpu.dot_dimension_numbers<[1], [0], [0], [1], [0, 0, 1, 1], [], []>, precision = #tpu.contract_precision<fp32>, transpose_lhs_hint = false} : vector<2048x64xf32>, vector<64x256xf32>, vector<2048x256xf32> -> vector<2048x256xf32>
    %get3A_61 = arith.constant 0 : index
    %get3A_62 = arith.constant 0 : index
    %get3A_63 = vector.load %arg13[%get3A_61, %get3A_62] : memref<1x256xf32, #tpu.memory_space<vmem>>, vector<1x256xf32>
    %add3A_64 = vector.broadcast %get3A_63 : vector<1x256xf32> to vector<2048x256xf32>
    %add3A_65 = arith.addf %dot_general3A_60, %add3A_64 : vector<2048x256xf32>
    %broadcast_in_dim3A_66 = arith.constant 0.000000e+00 : f32
    %broadcast_in_dim3A_67 = vector.broadcast %broadcast_in_dim3A_66 : f32 to vector<2048x1xf32>
    %get3A_68 = arith.constant 0 : index
    %get3A_69 = arith.constant 0 : index
    %get3A_70 = vector.load %arg1[%get3A_68, %get3A_69] : memref<64x256xf32, #tpu.memory_space<vmem>>, vector<64x64xf32>
    %broadcast_in_dim3A_71 = vector.shape_cast %get3A_70 : vector<64x64xf32> to vector<64x1x64xf32>
    %broadcast_in_dim3A_72 = vector.shape_cast %broadcast_in_dim3A_71 : vector<64x1x64xf32> to vector<64x1x64xf32>
    %broadcast_in_dim3A_73 = vector.broadcast %broadcast_in_dim3A_72 : vector<64x1x64xf32> to vector<64x32x64xf32>
    %reshape3A_74 = vector.shape_cast %broadcast_in_dim3A_73 : vector<64x32x64xf32> to vector<2048x64xf32>
    %get3A_75 = arith.constant 0 : index
    %get3A_76 = arith.constant 0 : index
    %get3A_77 = vector.load %arg2[%get3A_75, %get3A_76] : memref<2048x512xf32, #tpu.memory_space<vmem>>, vector<2048x64xf32>
    %get3A_78 = arith.constant 0 : index
    %get3A_79 = arith.constant 256 : index
    %get3A_80 = vector.load %arg2[%get3A_78, %get3A_79] : memref<2048x512xf32, #tpu.memory_space<vmem>>, vector<2048x64xf32>
    %add3A_81 = arith.addf %get3A_80, %add3A_55 : vector<2048x64xf32>
    %mul3A_82 = arith.mulf %reshape3A_74, %get3A_77 : vector<2048x64xf32>
    %get3A_83 = arith.constant 0 : index
    %get3A_84 = arith.constant 0 : index
    %get3A_85 = vector.load %arg11[%get3A_83, %get3A_84] : memref<64x256xf32, #tpu.memory_space<vmem>>, vector<64x256xf32>
    %dot_general3A_86 = arith.constant dense<0.000000e+00> : vector<2048x256xf32>
    %dot_general3A_87 = tpu.matmul %mul3A_82, %get3A_85, %dot_general3A_86 {dimension_numbers = #tpu.dot_dimension_numbers<[1], [0], [0], [1], [0, 0, 1, 1], [], []>, precision = #tpu.contract_precision<fp32>, transpose_lhs_hint = false} : vector<2048x64xf32>, vector<64x256xf32>, vector<2048x256xf32> -> vector<2048x256xf32>
    %add3A_88 = arith.addf %dot_general3A_87, %add3A_65 : vector<2048x256xf32>
    %max3A_89 = arith.constant 0.000000e+00 : f32
    %max3A_90 = vector.broadcast %max3A_89 : f32 to vector<2048x256xf32>
    %max3A_91 = arith.maximumf %add3A_88, %max3A_90 : vector<2048x256xf32>
    %get3A_92 = arith.constant 0 : index
    %get3A_93 = arith.constant 0 : index
    %get3A_94 = vector.load %arg14[%get3A_92, %get3A_93] : memref<256x16xf32, #tpu.memory_space<vmem>>, vector<256x16xf32>
    %dot_general3A_95 = arith.constant dense<0.000000e+00> : vector<2048x16xf32>
    %dot_general3A_96 = tpu.matmul %max3A_91, %get3A_94, %dot_general3A_95 {dimension_numbers = #tpu.dot_dimension_numbers<[1], [0], [0], [1], [0, 0, 1, 1], [], []>, precision = #tpu.contract_precision<fp32>, transpose_lhs_hint = false} : vector<2048x256xf32>, vector<256x16xf32>, vector<2048x16xf32> -> vector<2048x16xf32>
    %get3A_97 = arith.constant 0 : index
    %get3A_98 = arith.constant 0 : index
    %get3A_99 = vector.load %arg15[%get3A_97, %get3A_98] : memref<1x16xf32, #tpu.memory_space<vmem>>, vector<1x16xf32>
    %add3A_100 = vector.broadcast %get3A_99 : vector<1x16xf32> to vector<2048x16xf32>
    %add3A_101 = arith.addf %dot_general3A_96, %add3A_100 : vector<2048x16xf32>
    %max3A_102 = arith.constant 0.000000e+00 : f32
    %max3A_103 = vector.broadcast %max3A_102 : f32 to vector<2048x16xf32>
    %max3A_104 = arith.maximumf %add3A_101, %max3A_103 : vector<2048x16xf32>
    %get3A_105 = arith.constant 0 : index
    %get3A_106 = arith.constant 0 : index
    %get3A_107 = vector.load %arg16[%get3A_105, %get3A_106] : memref<16x128xf32, #tpu.memory_space<vmem>>, vector<16x128xf32>
    %dot_general3A_108 = arith.constant dense<0.000000e+00> : vector<2048x128xf32>
    %dot_general3A_109 = tpu.matmul %max3A_104, %get3A_107, %dot_general3A_108 {dimension_numbers = #tpu.dot_dimension_numbers<[1], [0], [0], [1], [0, 0, 1, 1], [], []>, precision = #tpu.contract_precision<fp32>, transpose_lhs_hint = false} : vector<2048x16xf32>, vector<16x128xf32>, vector<2048x128xf32> -> vector<2048x128xf32>
    %get3A_110 = arith.constant 0 : index
    %get3A_111 = arith.constant 0 : index
    %get3A_112 = vector.load %arg17[%get3A_110, %get3A_111] : memref<1x128xf32, #tpu.memory_space<vmem>>, vector<1x128xf32>
    %add3A_113 = vector.broadcast %get3A_112 : vector<1x128xf32> to vector<2048x128xf32>
    %add3A_114 = arith.addf %dot_general3A_109, %add3A_113 : vector<2048x128xf32>
    %max3A_115 = arith.constant 0.000000e+00 : f32
    %max3A_116 = vector.broadcast %max3A_115 : f32 to vector<2048x128xf32>
    %max3A_117 = arith.maximumf %add3A_114, %max3A_116 : vector<2048x128xf32>
    %get3A_118 = arith.constant 0 : index
    %get3A_119 = arith.constant 0 : index
    %get3A_120 = vector.load %arg18[%get3A_118, %get3A_119] : memref<128x8xf32, #tpu.memory_space<vmem>>, vector<128x8xf32>
    %dot_general3A_121 = arith.constant dense<0.000000e+00> : vector<2048x8xf32>
    %dot_general3A_122 = tpu.matmul %max3A_117, %get3A_120, %dot_general3A_121 {dimension_numbers = #tpu.dot_dimension_numbers<[1], [0], [0], [1], [0, 0, 1, 1], [], []>, precision = #tpu.contract_precision<fp32>, transpose_lhs_hint = false} : vector<2048x128xf32>, vector<128x8xf32>, vector<2048x8xf32> -> vector<2048x8xf32>
    %get3A_123 = arith.constant 0 : index
    %get3A_124 = arith.constant 0 : index
    %get3A_125 = vector.load %arg19[%get3A_123, %get3A_124] : memref<1x8xf32, #tpu.memory_space<vmem>>, vector<1x8xf32>
    %add3A_126 = vector.broadcast %get3A_125 : vector<1x8xf32> to vector<2048x8xf32>
    %add3A_127 = arith.addf %dot_general3A_122, %add3A_126 : vector<2048x8xf32>
    %slice3A_128 = vector.extract_strided_slice %add3A_127 {offsets = [0, 0], sizes = [2048, 1], strides = [1, 1]} : vector<2048x8xf32> to vector<2048x1xf32>
    %slice3A_129 = vector.extract_strided_slice %add3A_127 {offsets = [0, 1], sizes = [2048, 1], strides = [1, 1]} : vector<2048x8xf32> to vector<2048x1xf32>
    %exp3A = math.exp %slice3A_128 : vector<2048x1xf32>
    %reshape3A_130 = vector.shape_cast %exp3A : vector<2048x1xf32> to vector<64x32x1xf32>
    %reduce_sum3A = arith.constant dense<0.000000e+00> : vector<64x1xf32>
    %reduce_sum3A_131 = vector.multi_reduction <add>, %reshape3A_130, %reduce_sum3A [1] : vector<64x32x1xf32> to vector<64x1xf32>
    %broadcast_in_dim3A_132 = vector.shape_cast %reduce_sum3A_131 : vector<64x1xf32> to vector<64x1x1xf32>
    %reshape3A_133 = vector.shape_cast %exp3A : vector<2048x1xf32> to vector<64x32x1xf32>
    %div3A = vector.broadcast %broadcast_in_dim3A_132 : vector<64x1x1xf32> to vector<64x32x1xf32>
    %div3A_134 = arith.divf %reshape3A_133, %div3A : vector<64x32x1xf32>
    %reshape3A_135 = vector.shape_cast %div3A_134 : vector<64x32x1xf32> to vector<2048x1xf32>
    %mul3A_136 = vector.broadcast %reshape3A_135 : vector<2048x1xf32> to vector<2048x64xf32>
    %mul3A_137 = arith.mulf %mul3A_136, %add3A_81 : vector<2048x64xf32>
    %reshape3A_138 = vector.shape_cast %mul3A_137 : vector<2048x64xf32> to vector<64x32x64xf32>
    %reduce_sum3A_139 = arith.constant dense<0.000000e+00> : vector<64x64xf32>
    %reduce_sum3A_140 = vector.multi_reduction <add>, %reshape3A_138, %reduce_sum3A_139 [1] : vector<64x32x64xf32> to vector<64x64xf32>
    %get3A_141 = arith.constant 0 : index
    %get3A_142 = arith.constant 0 : index
    %get3A_143 = vector.load %arg22[%get3A_141, %get3A_142] : memref<1x8xf32, #tpu.memory_space<vmem>>, vector<1x1xf32>
    %mul3A_144 = vector.broadcast %get3A_143 : vector<1x1xf32> to vector<2048x1xf32>
    %mul3A_145 = arith.mulf %slice3A_129, %mul3A_144 : vector<2048x1xf32>
    %add3A_146 = arith.addf %broadcast_in_dim3A_67, %mul3A_145 : vector<2048x1xf32>
    %get3A_147 = arith.constant 0 : index
    %get3A_148 = arith.constant 64 : index
    %get3A_149 = vector.load %arg1[%get3A_147, %get3A_148] : memref<64x256xf32, #tpu.memory_space<vmem>>, vector<64x64xf32>
    %broadcast_in_dim3A_150 = vector.shape_cast %get3A_149 : vector<64x64xf32> to vector<64x1x64xf32>
    %broadcast_in_dim3A_151 = vector.shape_cast %broadcast_in_dim3A_150 : vector<64x1x64xf32> to vector<64x1x64xf32>
    %broadcast_in_dim3A_152 = vector.broadcast %broadcast_in_dim3A_151 : vector<64x1x64xf32> to vector<64x32x64xf32>
    %reshape3A_153 = vector.shape_cast %broadcast_in_dim3A_152 : vector<64x32x64xf32> to vector<2048x64xf32>
    %get3A_154 = arith.constant 0 : index
    %get3A_155 = arith.constant 64 : index
    %get3A_156 = vector.load %arg2[%get3A_154, %get3A_155] : memref<2048x512xf32, #tpu.memory_space<vmem>>, vector<2048x64xf32>
    %get3A_157 = arith.constant 0 : index
    %get3A_158 = arith.constant 320 : index
    %get3A_159 = vector.load %arg2[%get3A_157, %get3A_158] : memref<2048x512xf32, #tpu.memory_space<vmem>>, vector<2048x64xf32>
    %add3A_160 = arith.addf %get3A_159, %add3A_55 : vector<2048x64xf32>
    %mul3A_161 = arith.mulf %reshape3A_153, %get3A_156 : vector<2048x64xf32>
    %get3A_162 = arith.constant 0 : index
    %get3A_163 = arith.constant 0 : index
    %get3A_164 = vector.load %arg11[%get3A_162, %get3A_163] : memref<64x256xf32, #tpu.memory_space<vmem>>, vector<64x256xf32>
    %dot_general3A_165 = arith.constant dense<0.000000e+00> : vector<2048x256xf32>
    %dot_general3A_166 = tpu.matmul %mul3A_161, %get3A_164, %dot_general3A_165 {dimension_numbers = #tpu.dot_dimension_numbers<[1], [0], [0], [1], [0, 0, 1, 1], [], []>, precision = #tpu.contract_precision<fp32>, transpose_lhs_hint = false} : vector<2048x64xf32>, vector<64x256xf32>, vector<2048x256xf32> -> vector<2048x256xf32>
    %add3A_167 = arith.addf %dot_general3A_166, %add3A_65 : vector<2048x256xf32>
    %max3A_168 = arith.constant 0.000000e+00 : f32
    %max3A_169 = vector.broadcast %max3A_168 : f32 to vector<2048x256xf32>
    %max3A_170 = arith.maximumf %add3A_167, %max3A_169 : vector<2048x256xf32>
    %get3A_171 = arith.constant 0 : index
    %get3A_172 = arith.constant 0 : index
    %get3A_173 = vector.load %arg14[%get3A_171, %get3A_172] : memref<256x16xf32, #tpu.memory_space<vmem>>, vector<256x16xf32>
    %dot_general3A_174 = arith.constant dense<0.000000e+00> : vector<2048x16xf32>
    %dot_general3A_175 = tpu.matmul %max3A_170, %get3A_173, %dot_general3A_174 {dimension_numbers = #tpu.dot_dimension_numbers<[1], [0], [0], [1], [0, 0, 1, 1], [], []>, precision = #tpu.contract_precision<fp32>, transpose_lhs_hint = false} : vector<2048x256xf32>, vector<256x16xf32>, vector<2048x16xf32> -> vector<2048x16xf32>
    %get3A_176 = arith.constant 0 : index
    %get3A_177 = arith.constant 0 : index
    %get3A_178 = vector.load %arg15[%get3A_176, %get3A_177] : memref<1x16xf32, #tpu.memory_space<vmem>>, vector<1x16xf32>
    %add3A_179 = vector.broadcast %get3A_178 : vector<1x16xf32> to vector<2048x16xf32>
    %add3A_180 = arith.addf %dot_general3A_175, %add3A_179 : vector<2048x16xf32>
    %max3A_181 = arith.constant 0.000000e+00 : f32
    %max3A_182 = vector.broadcast %max3A_181 : f32 to vector<2048x16xf32>
    %max3A_183 = arith.maximumf %add3A_180, %max3A_182 : vector<2048x16xf32>
    %get3A_184 = arith.constant 0 : index
    %get3A_185 = arith.constant 0 : index
    %get3A_186 = vector.load %arg16[%get3A_184, %get3A_185] : memref<16x128xf32, #tpu.memory_space<vmem>>, vector<16x128xf32>
    %dot_general3A_187 = arith.constant dense<0.000000e+00> : vector<2048x128xf32>
    %dot_general3A_188 = tpu.matmul %max3A_183, %get3A_186, %dot_general3A_187 {dimension_numbers = #tpu.dot_dimension_numbers<[1], [0], [0], [1], [0, 0, 1, 1], [], []>, precision = #tpu.contract_precision<fp32>, transpose_lhs_hint = false} : vector<2048x16xf32>, vector<16x128xf32>, vector<2048x128xf32> -> vector<2048x128xf32>
    %get3A_189 = arith.constant 0 : index
    %get3A_190 = arith.constant 0 : index
    %get3A_191 = vector.load %arg17[%get3A_189, %get3A_190] : memref<1x128xf32, #tpu.memory_space<vmem>>, vector<1x128xf32>
    %add3A_192 = vector.broadcast %get3A_191 : vector<1x128xf32> to vector<2048x128xf32>
    %add3A_193 = arith.addf %dot_general3A_188, %add3A_192 : vector<2048x128xf32>
    %max3A_194 = arith.constant 0.000000e+00 : f32
    %max3A_195 = vector.broadcast %max3A_194 : f32 to vector<2048x128xf32>
    %max3A_196 = arith.maximumf %add3A_193, %max3A_195 : vector<2048x128xf32>
    %get3A_197 = arith.constant 0 : index
    %get3A_198 = arith.constant 0 : index
    %get3A_199 = vector.load %arg18[%get3A_197, %get3A_198] : memref<128x8xf32, #tpu.memory_space<vmem>>, vector<128x8xf32>
    %dot_general3A_200 = arith.constant dense<0.000000e+00> : vector<2048x8xf32>
    %dot_general3A_201 = tpu.matmul %max3A_196, %get3A_199, %dot_general3A_200 {dimension_numbers = #tpu.dot_dimension_numbers<[1], [0], [0], [1], [0, 0, 1, 1], [], []>, precision = #tpu.contract_precision<fp32>, transpose_lhs_hint = false} : vector<2048x128xf32>, vector<128x8xf32>, vector<2048x8xf32> -> vector<2048x8xf32>
    %get3A_202 = arith.constant 0 : index
    %get3A_203 = arith.constant 0 : index
    %get3A_204 = vector.load %arg19[%get3A_202, %get3A_203] : memref<1x8xf32, #tpu.memory_space<vmem>>, vector<1x8xf32>
    %add3A_205 = vector.broadcast %get3A_204 : vector<1x8xf32> to vector<2048x8xf32>
    %add3A_206 = arith.addf %dot_general3A_201, %add3A_205 : vector<2048x8xf32>
    %slice3A_207 = vector.extract_strided_slice %add3A_206 {offsets = [0, 0], sizes = [2048, 1], strides = [1, 1]} : vector<2048x8xf32> to vector<2048x1xf32>
    %slice3A_208 = vector.extract_strided_slice %add3A_206 {offsets = [0, 1], sizes = [2048, 1], strides = [1, 1]} : vector<2048x8xf32> to vector<2048x1xf32>
    %exp3A_209 = math.exp %slice3A_207 : vector<2048x1xf32>
    %reshape3A_210 = vector.shape_cast %exp3A_209 : vector<2048x1xf32> to vector<64x32x1xf32>
    %reduce_sum3A_211 = arith.constant dense<0.000000e+00> : vector<64x1xf32>
    %reduce_sum3A_212 = vector.multi_reduction <add>, %reshape3A_210, %reduce_sum3A_211 [1] : vector<64x32x1xf32> to vector<64x1xf32>
    %broadcast_in_dim3A_213 = vector.shape_cast %reduce_sum3A_212 : vector<64x1xf32> to vector<64x1x1xf32>
    %reshape3A_214 = vector.shape_cast %exp3A_209 : vector<2048x1xf32> to vector<64x32x1xf32>
    %div3A_215 = vector.broadcast %broadcast_in_dim3A_213 : vector<64x1x1xf32> to vector<64x32x1xf32>
    %div3A_216 = arith.divf %reshape3A_214, %div3A_215 : vector<64x32x1xf32>
    %reshape3A_217 = vector.shape_cast %div3A_216 : vector<64x32x1xf32> to vector<2048x1xf32>
    %mul3A_218 = vector.broadcast %reshape3A_217 : vector<2048x1xf32> to vector<2048x64xf32>
    %mul3A_219 = arith.mulf %mul3A_218, %add3A_160 : vector<2048x64xf32>
    %reshape3A_220 = vector.shape_cast %mul3A_219 : vector<2048x64xf32> to vector<64x32x64xf32>
    %reduce_sum3A_221 = arith.constant dense<0.000000e+00> : vector<64x64xf32>
    %reduce_sum3A_222 = vector.multi_reduction <add>, %reshape3A_220, %reduce_sum3A_221 [1] : vector<64x32x64xf32> to vector<64x64xf32>
    %get3A_223 = arith.constant 0 : index
    %get3A_224 = arith.constant 1 : index
    %get3A_225 = vector.load %arg22[%get3A_223, %get3A_224] : memref<1x8xf32, #tpu.memory_space<vmem>>, vector<1x1xf32>
    %mul3A_226 = vector.broadcast %get3A_225 : vector<1x1xf32> to vector<2048x1xf32>
    %mul3A_227 = arith.mulf %slice3A_208, %mul3A_226 : vector<2048x1xf32>
    %add3A_228 = arith.addf %add3A_146, %mul3A_227 : vector<2048x1xf32>
    %get3A_229 = arith.constant 0 : index
    %get3A_230 = arith.constant 128 : index
    %get3A_231 = vector.load %arg1[%get3A_229, %get3A_230] : memref<64x256xf32, #tpu.memory_space<vmem>>, vector<64x64xf32>
    %broadcast_in_dim3A_232 = vector.shape_cast %get3A_231 : vector<64x64xf32> to vector<64x1x64xf32>
    %broadcast_in_dim3A_233 = vector.shape_cast %broadcast_in_dim3A_232 : vector<64x1x64xf32> to vector<64x1x64xf32>
    %broadcast_in_dim3A_234 = vector.broadcast %broadcast_in_dim3A_233 : vector<64x1x64xf32> to vector<64x32x64xf32>
    %reshape3A_235 = vector.shape_cast %broadcast_in_dim3A_234 : vector<64x32x64xf32> to vector<2048x64xf32>
    %get3A_236 = arith.constant 0 : index
    %get3A_237 = arith.constant 128 : index
    %get3A_238 = vector.load %arg2[%get3A_236, %get3A_237] : memref<2048x512xf32, #tpu.memory_space<vmem>>, vector<2048x64xf32>
    %get3A_239 = arith.constant 0 : index
    %get3A_240 = arith.constant 384 : index
    %get3A_241 = vector.load %arg2[%get3A_239, %get3A_240] : memref<2048x512xf32, #tpu.memory_space<vmem>>, vector<2048x64xf32>
    %add3A_242 = arith.addf %get3A_241, %add3A_55 : vector<2048x64xf32>
    %mul3A_243 = arith.mulf %reshape3A_235, %get3A_238 : vector<2048x64xf32>
    %get3A_244 = arith.constant 0 : index
    %get3A_245 = arith.constant 0 : index
    %get3A_246 = vector.load %arg11[%get3A_244, %get3A_245] : memref<64x256xf32, #tpu.memory_space<vmem>>, vector<64x256xf32>
    %dot_general3A_247 = arith.constant dense<0.000000e+00> : vector<2048x256xf32>
    %dot_general3A_248 = tpu.matmul %mul3A_243, %get3A_246, %dot_general3A_247 {dimension_numbers = #tpu.dot_dimension_numbers<[1], [0], [0], [1], [0, 0, 1, 1], [], []>, precision = #tpu.contract_precision<fp32>, transpose_lhs_hint = false} : vector<2048x64xf32>, vector<64x256xf32>, vector<2048x256xf32> -> vector<2048x256xf32>
    %add3A_249 = arith.addf %dot_general3A_248, %add3A_65 : vector<2048x256xf32>
    %max3A_250 = arith.constant 0.000000e+00 : f32
    %max3A_251 = vector.broadcast %max3A_250 : f32 to vector<2048x256xf32>
    %max3A_252 = arith.maximumf %add3A_249, %max3A_251 : vector<2048x256xf32>
    %get3A_253 = arith.constant 0 : index
    %get3A_254 = arith.constant 0 : index
    %get3A_255 = vector.load %arg14[%get3A_253, %get3A_254] : memref<256x16xf32, #tpu.memory_space<vmem>>, vector<256x16xf32>
    %dot_general3A_256 = arith.constant dense<0.000000e+00> : vector<2048x16xf32>
    %dot_general3A_257 = tpu.matmul %max3A_252, %get3A_255, %dot_general3A_256 {dimension_numbers = #tpu.dot_dimension_numbers<[1], [0], [0], [1], [0, 0, 1, 1], [], []>, precision = #tpu.contract_precision<fp32>, transpose_lhs_hint = false} : vector<2048x256xf32>, vector<256x16xf32>, vector<2048x16xf32> -> vector<2048x16xf32>
    %get3A_258 = arith.constant 0 : index
    %get3A_259 = arith.constant 0 : index
    %get3A_260 = vector.load %arg15[%get3A_258, %get3A_259] : memref<1x16xf32, #tpu.memory_space<vmem>>, vector<1x16xf32>
    %add3A_261 = vector.broadcast %get3A_260 : vector<1x16xf32> to vector<2048x16xf32>
    %add3A_262 = arith.addf %dot_general3A_257, %add3A_261 : vector<2048x16xf32>
    %max3A_263 = arith.constant 0.000000e+00 : f32
    %max3A_264 = vector.broadcast %max3A_263 : f32 to vector<2048x16xf32>
    %max3A_265 = arith.maximumf %add3A_262, %max3A_264 : vector<2048x16xf32>
    %get3A_266 = arith.constant 0 : index
    %get3A_267 = arith.constant 0 : index
    %get3A_268 = vector.load %arg16[%get3A_266, %get3A_267] : memref<16x128xf32, #tpu.memory_space<vmem>>, vector<16x128xf32>
    %dot_general3A_269 = arith.constant dense<0.000000e+00> : vector<2048x128xf32>
    %dot_general3A_270 = tpu.matmul %max3A_265, %get3A_268, %dot_general3A_269 {dimension_numbers = #tpu.dot_dimension_numbers<[1], [0], [0], [1], [0, 0, 1, 1], [], []>, precision = #tpu.contract_precision<fp32>, transpose_lhs_hint = false} : vector<2048x16xf32>, vector<16x128xf32>, vector<2048x128xf32> -> vector<2048x128xf32>
    %get3A_271 = arith.constant 0 : index
    %get3A_272 = arith.constant 0 : index
    %get3A_273 = vector.load %arg17[%get3A_271, %get3A_272] : memref<1x128xf32, #tpu.memory_space<vmem>>, vector<1x128xf32>
    %add3A_274 = vector.broadcast %get3A_273 : vector<1x128xf32> to vector<2048x128xf32>
    %add3A_275 = arith.addf %dot_general3A_270, %add3A_274 : vector<2048x128xf32>
    %max3A_276 = arith.constant 0.000000e+00 : f32
    %max3A_277 = vector.broadcast %max3A_276 : f32 to vector<2048x128xf32>
    %max3A_278 = arith.maximumf %add3A_275, %max3A_277 : vector<2048x128xf32>
    %get3A_279 = arith.constant 0 : index
    %get3A_280 = arith.constant 0 : index
    %get3A_281 = vector.load %arg18[%get3A_279, %get3A_280] : memref<128x8xf32, #tpu.memory_space<vmem>>, vector<128x8xf32>
    %dot_general3A_282 = arith.constant dense<0.000000e+00> : vector<2048x8xf32>
    %dot_general3A_283 = tpu.matmul %max3A_278, %get3A_281, %dot_general3A_282 {dimension_numbers = #tpu.dot_dimension_numbers<[1], [0], [0], [1], [0, 0, 1, 1], [], []>, precision = #tpu.contract_precision<fp32>, transpose_lhs_hint = false} : vector<2048x128xf32>, vector<128x8xf32>, vector<2048x8xf32> -> vector<2048x8xf32>
    %get3A_284 = arith.constant 0 : index
    %get3A_285 = arith.constant 0 : index
    %get3A_286 = vector.load %arg19[%get3A_284, %get3A_285] : memref<1x8xf32, #tpu.memory_space<vmem>>, vector<1x8xf32>
    %add3A_287 = vector.broadcast %get3A_286 : vector<1x8xf32> to vector<2048x8xf32>
    %add3A_288 = arith.addf %dot_general3A_283, %add3A_287 : vector<2048x8xf32>
    %slice3A_289 = vector.extract_strided_slice %add3A_288 {offsets = [0, 0], sizes = [2048, 1], strides = [1, 1]} : vector<2048x8xf32> to vector<2048x1xf32>
    %slice3A_290 = vector.extract_strided_slice %add3A_288 {offsets = [0, 1], sizes = [2048, 1], strides = [1, 1]} : vector<2048x8xf32> to vector<2048x1xf32>
    %exp3A_291 = math.exp %slice3A_289 : vector<2048x1xf32>
    %reshape3A_292 = vector.shape_cast %exp3A_291 : vector<2048x1xf32> to vector<64x32x1xf32>
    %reduce_sum3A_293 = arith.constant dense<0.000000e+00> : vector<64x1xf32>
    %reduce_sum3A_294 = vector.multi_reduction <add>, %reshape3A_292, %reduce_sum3A_293 [1] : vector<64x32x1xf32> to vector<64x1xf32>
    %broadcast_in_dim3A_295 = vector.shape_cast %reduce_sum3A_294 : vector<64x1xf32> to vector<64x1x1xf32>
    %reshape3A_296 = vector.shape_cast %exp3A_291 : vector<2048x1xf32> to vector<64x32x1xf32>
    %div3A_297 = vector.broadcast %broadcast_in_dim3A_295 : vector<64x1x1xf32> to vector<64x32x1xf32>
    %div3A_298 = arith.divf %reshape3A_296, %div3A_297 : vector<64x32x1xf32>
    %reshape3A_299 = vector.shape_cast %div3A_298 : vector<64x32x1xf32> to vector<2048x1xf32>
    %mul3A_300 = vector.broadcast %reshape3A_299 : vector<2048x1xf32> to vector<2048x64xf32>
    %mul3A_301 = arith.mulf %mul3A_300, %add3A_242 : vector<2048x64xf32>
    %reshape3A_302 = vector.shape_cast %mul3A_301 : vector<2048x64xf32> to vector<64x32x64xf32>
    %reduce_sum3A_303 = arith.constant dense<0.000000e+00> : vector<64x64xf32>
    %reduce_sum3A_304 = vector.multi_reduction <add>, %reshape3A_302, %reduce_sum3A_303 [1] : vector<64x32x64xf32> to vector<64x64xf32>
    %get3A_305 = arith.constant 0 : index
    %get3A_306 = arith.constant 2 : index
    %get3A_307 = vector.load %arg22[%get3A_305, %get3A_306] : memref<1x8xf32, #tpu.memory_space<vmem>>, vector<1x1xf32>
    %mul3A_308 = vector.broadcast %get3A_307 : vector<1x1xf32> to vector<2048x1xf32>
    %mul3A_309 = arith.mulf %slice3A_290, %mul3A_308 : vector<2048x1xf32>
    %add3A_310 = arith.addf %add3A_228, %mul3A_309 : vector<2048x1xf32>
    %get3A_311 = arith.constant 0 : index
    %get3A_312 = arith.constant 192 : index
    %get3A_313 = vector.load %arg1[%get3A_311, %get3A_312] : memref<64x256xf32, #tpu.memory_space<vmem>>, vector<64x64xf32>
    %broadcast_in_dim3A_314 = vector.shape_cast %get3A_313 : vector<64x64xf32> to vector<64x1x64xf32>
    %broadcast_in_dim3A_315 = vector.shape_cast %broadcast_in_dim3A_314 : vector<64x1x64xf32> to vector<64x1x64xf32>
    %broadcast_in_dim3A_316 = vector.broadcast %broadcast_in_dim3A_315 : vector<64x1x64xf32> to vector<64x32x64xf32>
    %reshape3A_317 = vector.shape_cast %broadcast_in_dim3A_316 : vector<64x32x64xf32> to vector<2048x64xf32>
    %get3A_318 = arith.constant 0 : index
    %get3A_319 = arith.constant 192 : index
    %get3A_320 = vector.load %arg2[%get3A_318, %get3A_319] : memref<2048x512xf32, #tpu.memory_space<vmem>>, vector<2048x64xf32>
    %get3A_321 = arith.constant 0 : index
    %get3A_322 = arith.constant 448 : index
    %get3A_323 = vector.load %arg2[%get3A_321, %get3A_322] : memref<2048x512xf32, #tpu.memory_space<vmem>>, vector<2048x64xf32>
    %add3A_324 = arith.addf %get3A_323, %add3A_55 : vector<2048x64xf32>
    %mul3A_325 = arith.mulf %reshape3A_317, %get3A_320 : vector<2048x64xf32>
    %get3A_326 = arith.constant 0 : index
    %get3A_327 = arith.constant 0 : index
    %get3A_328 = vector.load %arg11[%get3A_326, %get3A_327] : memref<64x256xf32, #tpu.memory_space<vmem>>, vector<64x256xf32>
    %dot_general3A_329 = arith.constant dense<0.000000e+00> : vector<2048x256xf32>
    %dot_general3A_330 = tpu.matmul %mul3A_325, %get3A_328, %dot_general3A_329 {dimension_numbers = #tpu.dot_dimension_numbers<[1], [0], [0], [1], [0, 0, 1, 1], [], []>, precision = #tpu.contract_precision<fp32>, transpose_lhs_hint = false} : vector<2048x64xf32>, vector<64x256xf32>, vector<2048x256xf32> -> vector<2048x256xf32>
    %add3A_331 = arith.addf %dot_general3A_330, %add3A_65 : vector<2048x256xf32>
    %max3A_332 = arith.constant 0.000000e+00 : f32
    %max3A_333 = vector.broadcast %max3A_332 : f32 to vector<2048x256xf32>
    %max3A_334 = arith.maximumf %add3A_331, %max3A_333 : vector<2048x256xf32>
    %get3A_335 = arith.constant 0 : index
    %get3A_336 = arith.constant 0 : index
    %get3A_337 = vector.load %arg14[%get3A_335, %get3A_336] : memref<256x16xf32, #tpu.memory_space<vmem>>, vector<256x16xf32>
    %dot_general3A_338 = arith.constant dense<0.000000e+00> : vector<2048x16xf32>
    %dot_general3A_339 = tpu.matmul %max3A_334, %get3A_337, %dot_general3A_338 {dimension_numbers = #tpu.dot_dimension_numbers<[1], [0], [0], [1], [0, 0, 1, 1], [], []>, precision = #tpu.contract_precision<fp32>, transpose_lhs_hint = false} : vector<2048x256xf32>, vector<256x16xf32>, vector<2048x16xf32> -> vector<2048x16xf32>
    %get3A_340 = arith.constant 0 : index
    %get3A_341 = arith.constant 0 : index
    %get3A_342 = vector.load %arg15[%get3A_340, %get3A_341] : memref<1x16xf32, #tpu.memory_space<vmem>>, vector<1x16xf32>
    %add3A_343 = vector.broadcast %get3A_342 : vector<1x16xf32> to vector<2048x16xf32>
    %add3A_344 = arith.addf %dot_general3A_339, %add3A_343 : vector<2048x16xf32>
    %max3A_345 = arith.constant 0.000000e+00 : f32
    %max3A_346 = vector.broadcast %max3A_345 : f32 to vector<2048x16xf32>
    %max3A_347 = arith.maximumf %add3A_344, %max3A_346 : vector<2048x16xf32>
    %get3A_348 = arith.constant 0 : index
    %get3A_349 = arith.constant 0 : index
    %get3A_350 = vector.load %arg16[%get3A_348, %get3A_349] : memref<16x128xf32, #tpu.memory_space<vmem>>, vector<16x128xf32>
    %dot_general3A_351 = arith.constant dense<0.000000e+00> : vector<2048x128xf32>
    %dot_general3A_352 = tpu.matmul %max3A_347, %get3A_350, %dot_general3A_351 {dimension_numbers = #tpu.dot_dimension_numbers<[1], [0], [0], [1], [0, 0, 1, 1], [], []>, precision = #tpu.contract_precision<fp32>, transpose_lhs_hint = false} : vector<2048x16xf32>, vector<16x128xf32>, vector<2048x128xf32> -> vector<2048x128xf32>
    %get3A_353 = arith.constant 0 : index
    %get3A_354 = arith.constant 0 : index
    %get3A_355 = vector.load %arg17[%get3A_353, %get3A_354] : memref<1x128xf32, #tpu.memory_space<vmem>>, vector<1x128xf32>
    %add3A_356 = vector.broadcast %get3A_355 : vector<1x128xf32> to vector<2048x128xf32>
    %add3A_357 = arith.addf %dot_general3A_352, %add3A_356 : vector<2048x128xf32>
    %max3A_358 = arith.constant 0.000000e+00 : f32
    %max3A_359 = vector.broadcast %max3A_358 : f32 to vector<2048x128xf32>
    %max3A_360 = arith.maximumf %add3A_357, %max3A_359 : vector<2048x128xf32>
    %get3A_361 = arith.constant 0 : index
    %get3A_362 = arith.constant 0 : index
    %get3A_363 = vector.load %arg18[%get3A_361, %get3A_362] : memref<128x8xf32, #tpu.memory_space<vmem>>, vector<128x8xf32>
    %dot_general3A_364 = arith.constant dense<0.000000e+00> : vector<2048x8xf32>
    %dot_general3A_365 = tpu.matmul %max3A_360, %get3A_363, %dot_general3A_364 {dimension_numbers = #tpu.dot_dimension_numbers<[1], [0], [0], [1], [0, 0, 1, 1], [], []>, precision = #tpu.contract_precision<fp32>, transpose_lhs_hint = false} : vector<2048x128xf32>, vector<128x8xf32>, vector<2048x8xf32> -> vector<2048x8xf32>
    %get3A_366 = arith.constant 0 : index
    %get3A_367 = arith.constant 0 : index
    %get3A_368 = vector.load %arg19[%get3A_366, %get3A_367] : memref<1x8xf32, #tpu.memory_space<vmem>>, vector<1x8xf32>
    %add3A_369 = vector.broadcast %get3A_368 : vector<1x8xf32> to vector<2048x8xf32>
    %add3A_370 = arith.addf %dot_general3A_365, %add3A_369 : vector<2048x8xf32>
    %slice3A_371 = vector.extract_strided_slice %add3A_370 {offsets = [0, 0], sizes = [2048, 1], strides = [1, 1]} : vector<2048x8xf32> to vector<2048x1xf32>
    %slice3A_372 = vector.extract_strided_slice %add3A_370 {offsets = [0, 1], sizes = [2048, 1], strides = [1, 1]} : vector<2048x8xf32> to vector<2048x1xf32>
    %exp3A_373 = math.exp %slice3A_371 : vector<2048x1xf32>
    %reshape3A_374 = vector.shape_cast %exp3A_373 : vector<2048x1xf32> to vector<64x32x1xf32>
    %reduce_sum3A_375 = arith.constant dense<0.000000e+00> : vector<64x1xf32>
    %reduce_sum3A_376 = vector.multi_reduction <add>, %reshape3A_374, %reduce_sum3A_375 [1] : vector<64x32x1xf32> to vector<64x1xf32>
    %broadcast_in_dim3A_377 = vector.shape_cast %reduce_sum3A_376 : vector<64x1xf32> to vector<64x1x1xf32>
    %reshape3A_378 = vector.shape_cast %exp3A_373 : vector<2048x1xf32> to vector<64x32x1xf32>
    %div3A_379 = vector.broadcast %broadcast_in_dim3A_377 : vector<64x1x1xf32> to vector<64x32x1xf32>
    %div3A_380 = arith.divf %reshape3A_378, %div3A_379 : vector<64x32x1xf32>
    %reshape3A_381 = vector.shape_cast %div3A_380 : vector<64x32x1xf32> to vector<2048x1xf32>
    %mul3A_382 = vector.broadcast %reshape3A_381 : vector<2048x1xf32> to vector<2048x64xf32>
    %mul3A_383 = arith.mulf %mul3A_382, %add3A_324 : vector<2048x64xf32>
    %reshape3A_384 = vector.shape_cast %mul3A_383 : vector<2048x64xf32> to vector<64x32x64xf32>
    %reduce_sum3A_385 = arith.constant dense<0.000000e+00> : vector<64x64xf32>
    %reduce_sum3A_386 = vector.multi_reduction <add>, %reshape3A_384, %reduce_sum3A_385 [1] : vector<64x32x64xf32> to vector<64x64xf32>
    %get3A_387 = arith.constant 0 : index
    %get3A_388 = arith.constant 3 : index
    %get3A_389 = vector.load %arg22[%get3A_387, %get3A_388] : memref<1x8xf32, #tpu.memory_space<vmem>>, vector<1x1xf32>
    %mul3A_390 = vector.broadcast %get3A_389 : vector<1x1xf32> to vector<2048x1xf32>
    %mul3A_391 = arith.mulf %slice3A_372, %mul3A_390 : vector<2048x1xf32>
    %add3A_392 = arith.addf %add3A_310, %mul3A_391 : vector<2048x1xf32>
    %mul3A_393 = vector.broadcast %add3A_392 : vector<2048x1xf32> to vector<2048x16xf32>
    %mul3A_394 = arith.mulf %mul3A_393, %sub3A : vector<2048x16xf32>
    %reshape3A_395 = vector.shape_cast %mul3A_394 : vector<2048x16xf32> to vector<64x32x16xf32>
    %reduce_sum3A_396 = arith.constant dense<0.000000e+00> : vector<64x16xf32>
    %reduce_sum3A_397 = vector.multi_reduction <add>, %reshape3A_395, %reduce_sum3A_396 [1] : vector<64x32x16xf32> to vector<64x16xf32>
    %swap3A = arith.constant 0 : index
    %swap3A_398 = arith.constant 0 : index
    %swap3A_399 = vector.load %arg24[%swap3A, %swap3A_398] : memref<64x16xf32, #tpu.memory_space<vmem>>, vector<64x16xf32>
    tpu.vector_store %arg24[%swap3A, %swap3A_398], %reduce_sum3A_397 {strides = array<i32>} : memref<64x16xf32, #tpu.memory_space<vmem>>, vector<64x16xf32>,
    %concatenate3A = tpu.concatenate %reduce_sum3A_140, %reduce_sum3A_222, %reduce_sum3A_304, %reduce_sum3A_386 in 1 : vector<64x64xf32>, vector<64x64xf32>, vector<64x64xf32>, vector<64x64xf32> -> vector<64x256xf32>
    %get3A_400 = arith.constant 0 : index
    %get3A_401 = arith.constant 0 : index
    %get3A_402 = vector.load %arg20[%get3A_400, %get3A_401] : memref<256x128xf32, #tpu.memory_space<vmem>>, vector<256x128xf32>
    %dot_general3A_403 = arith.constant dense<0.000000e+00> : vector<64x128xf32>
    %dot_general3A_404 = tpu.matmul %concatenate3A, %get3A_402, %dot_general3A_403 {dimension_numbers = #tpu.dot_dimension_numbers<[1], [0], [0], [1], [0, 0, 1, 1], [], []>, precision = #tpu.contract_precision<fp32>, transpose_lhs_hint = false} : vector<64x256xf32>, vector<256x128xf32>, vector<64x128xf32> -> vector<64x128xf32>
    %get3A_405 = arith.constant 0 : index
    %get3A_406 = arith.constant 0 : index
    %get3A_407 = vector.load %arg21[%get3A_405, %get3A_406] : memref<1x128xf32, #tpu.memory_space<vmem>>, vector<1x128xf32>
    %add3A_408 = vector.broadcast %get3A_407 : vector<1x128xf32> to vector<64x128xf32>
    %add3A_409 = arith.addf %dot_general3A_404, %add3A_408 : vector<64x128xf32>
    %swap3A_410 = arith.constant 0 : index
    %swap3A_411 = arith.constant 0 : index
    %swap3A_412 = vector.load %arg23[%swap3A_410, %swap3A_411] : memref<64x128xf32, #tpu.memory_space<vmem>>, vector<64x128xf32>
    tpu.vector_store %arg23[%swap3A_410, %swap3A_411], %add3A_409 {strides = array<i32>} : memref<64x128xf32, #tpu.memory_space<vmem>>, vector<64x128xf32>,
    return
  }
  func.func @transform_0(%arg0: i32) -> (i32, i32) {
    %c0_i32 = arith.constant 0 : i32
    %c0_i32_0 = arith.constant 0 : i32
    return %arg0, %c0_i32 : i32, i32
  }
  func.func @transform_1(%arg0: i32) -> (i32, i32) {
    %c0_i32 = arith.constant 0 : i32
    %c0_i32_0 = arith.constant 0 : i32
    return %arg0, %c0_i32 : i32, i32
  }
  func.func @transform_2(%arg0: i32) -> (i32, i32) {
    %c0_i32 = arith.constant 0 : i32
    %c0_i32_0 = arith.constant 0 : i32
    return %arg0, %c0_i32 : i32, i32
  }
  func.func @transform_3(%arg0: i32) -> (i32, i32) {
    %c0_i32 = arith.constant 0 : i32
    %c0_i32_0 = arith.constant 0 : i32
    return %arg0, %c0_i32 : i32, i32
  }
  func.func @transform_4(%arg0: i32) -> (i32, i32) {
    %c0_i32 = arith.constant 0 : i32
    %c0_i32_0 = arith.constant 0 : i32
    %c0_i32_1 = arith.constant 0 : i32
    return %c0_i32, %c0_i32_0 : i32, i32
  }
  func.func @transform_5(%arg0: i32) -> (i32, i32) {
    %c0_i32 = arith.constant 0 : i32
    %c0_i32_0 = arith.constant 0 : i32
    %c0_i32_1 = arith.constant 0 : i32
    return %c0_i32, %c0_i32_0 : i32, i32
  }
  func.func @transform_6(%arg0: i32) -> (i32, i32) {
    %c0_i32 = arith.constant 0 : i32
    %c0_i32_0 = arith.constant 0 : i32
    %c0_i32_1 = arith.constant 0 : i32
    return %c0_i32, %c0_i32_0 : i32, i32
  }
  func.func @transform_7(%arg0: i32) -> (i32, i32) {
    %c0_i32 = arith.constant 0 : i32
    %c0_i32_0 = arith.constant 0 : i32
    %c0_i32_1 = arith.constant 0 : i32
    return %c0_i32, %c0_i32_0 : i32, i32
  }
  func.func @transform_8(%arg0: i32) -> (i32, i32) {
    %c0_i32 = arith.constant 0 : i32
    %c0_i32_0 = arith.constant 0 : i32
    %c0_i32_1 = arith.constant 0 : i32
    return %c0_i32, %c0_i32_0 : i32, i32
  }
  func.func @transform_9(%arg0: i32) -> (i32, i32) {
    %c0_i32 = arith.constant 0 : i32
    %c0_i32_0 = arith.constant 0 : i32
    %c0_i32_1 = arith.constant 0 : i32
    return %c0_i32, %c0_i32_0 : i32, i32
  }
  func.func @transform_10(%arg0: i32) -> (i32, i32) {
    %c0_i32 = arith.constant 0 : i32
    %c0_i32_0 = arith.constant 0 : i32
    %c0_i32_1 = arith.constant 0 : i32
    return %c0_i32, %c0_i32_0 : i32, i32
  }
  func.func @transform_11(%arg0: i32) -> (i32, i32) {
    %c0_i32 = arith.constant 0 : i32
    %c0_i32_0 = arith.constant 0 : i32
    %c0_i32_1 = arith.constant 0 : i32
    return %c0_i32, %c0_i32_0 : i32, i32
  }
  func.func @transform_12(%arg0: i32) -> (i32, i32) {
    %c0_i32 = arith.constant 0 : i32
    %c0_i32_0 = arith.constant 0 : i32
    %c0_i32_1 = arith.constant 0 : i32
    return %c0_i32, %c0_i32_0 : i32, i32
  }
  func.func @transform_13(%arg0: i32) -> (i32, i32) {
    %c0_i32 = arith.constant 0 : i32
    %c0_i32_0 = arith.constant 0 : i32
    %c0_i32_1 = arith.constant 0 : i32
    return %c0_i32, %c0_i32_0 : i32, i32
  }
  func.func @transform_14(%arg0: i32) -> (i32, i32) {
    %c0_i32 = arith.constant 0 : i32
    %c0_i32_0 = arith.constant 0 : i32
    %c0_i32_1 = arith.constant 0 : i32
    return %c0_i32, %c0_i32_0 : i32, i32
  }
  func.func @transform_15(%arg0: i32) -> (i32, i32) {
    %c0_i32 = arith.constant 0 : i32
    %c0_i32_0 = arith.constant 0 : i32
    %c0_i32_1 = arith.constant 0 : i32
    return %c0_i32, %c0_i32_0 : i32, i32
  }
  func.func @transform_16(%arg0: i32) -> (i32, i32) {
    %c0_i32 = arith.constant 0 : i32
    %c0_i32_0 = arith.constant 0 : i32
    %c0_i32_1 = arith.constant 0 : i32
    return %c0_i32, %c0_i32_0 : i32, i32
  }
  func.func @transform_17(%arg0: i32) -> (i32, i32) {
    %c0_i32 = arith.constant 0 : i32
    %c0_i32_0 = arith.constant 0 : i32
    %c0_i32_1 = arith.constant 0 : i32
    return %c0_i32, %c0_i32_0 : i32, i32
  }
  func.func @transform_18(%arg0: i32) -> (i32, i32) {
    %c0_i32 = arith.constant 0 : i32
    %c0_i32_0 = arith.constant 0 : i32
    %c0_i32_1 = arith.constant 0 : i32
    return %c0_i32, %c0_i32_0 : i32, i32
  }
  func.func @transform_19(%arg0: i32) -> (i32, i32) {
    %c0_i32 = arith.constant 0 : i32
    %c0_i32_0 = arith.constant 0 : i32
    %c0_i32_1 = arith.constant 0 : i32
    return %c0_i32, %c0_i32_0 : i32, i32
  }
  func.func @transform_20(%arg0: i32) -> (i32, i32) {
    %c0_i32 = arith.constant 0 : i32
    %c0_i32_0 = arith.constant 0 : i32
    %c0_i32_1 = arith.constant 0 : i32
    return %c0_i32, %c0_i32_0 : i32, i32
  }
  func.func @transform_21(%arg0: i32) -> (i32, i32) {
    %c0_i32 = arith.constant 0 : i32
    %c0_i32_0 = arith.constant 0 : i32
    %c0_i32_1 = arith.constant 0 : i32
    return %c0_i32, %c0_i32_0 : i32, i32
  }
  func.func @transform_22(%arg0: i32) -> (i32, i32) {
    %c0_i32 = arith.constant 0 : i32
    %c0_i32_0 = arith.constant 0 : i32
    return %arg0, %c0_i32 : i32, i32
  }
  func.func @transform_23(%arg0: i32) -> (i32, i32) {
    %c0_i32 = arith.constant 0 : i32
    %c0_i32_0 = arith.constant 0 : i32
    return %arg0, %c0_i32 : i32, i32
  }
}

</mosaic_0001>

<sc_bundles>
// kernel: kernel.5.cloned.1.call-start
scs
__scs_entry_jumppad:
0x0: {  	(pc) =	sbr.rel $0x88, $3  }
0x1: {  	(tag) =	ssettag $0x0;
	lr =	simm.s32 $0x1  }
0x2: {  	[smem:$0x3F8B] =	sst lr;
	_ =	strace $0xD0000000  }
0x3: {  	_ = 	snop  }
0x4: {  	_ = 	snop  }
0x5: {  	_ = 	snop  }
0x6: {  	_ = 	snop  }
0x7: {  	_ = 	snop  }
__scs_overlays_trampoline_lowered:
0x8: {  	[smem:$0x3F9A] =	sst s0  }
0x9: {  	[smem:$0x3F9B] =	sst s1  }
0xa: {  	[smem:$0x3F9C] =	sst s2  }
0xb: {  	[smem:$0x3F9D] =	sst s3  }
0xc: {  	[smem:$0x3F9E] =	sst s4  }
0xd: {  	[smem:$0x3F9F] =	sst s5  }
0xe: {  	[smem:$0x3FA0] =	sst s6  }
0xf: {  	[smem:$0x3FA1] =	sst s7  }
0x10: {  	[smem:$0x3FA2] =	sst s8  }
0x11: {  	[smem:$0x3FA3] =	sst s9;
	s0 =	simm.s32 @!p0 $0x0  }
0x12: {  	s1 =	sld [smem:$0x3F89];
	s0 =	simm.s32 @p0 $0x1  }
0x13: {  	[smem:$0x3FA4] =	sst s0;
	s0 =	simm.s32 @!p1 $0x0  }
0x14: {  	s2 =	sld [smem:$0x3F88];
	s0 =	simm.s32 @p1 $0x1  }
0x15: {  	[smem:$0x3FA5] =	sst s0;
	s0 =	simm.s32 @!p2 $0x0  }
0x16: {  	s3 =	sld [smem:$0x3FDB];
	s0 =	simm.s32 @p2 $0x1  }
0x17: {  	s4 =	simm.s32 $0x1BF5;
	[smem:$0x3FA7] =	sst s0  }
0x18: {  	s0 =	sld [smem:$0x3F8A];
	_ =	swait.ge [sflag:s4], $0x0  }
0x19: {  	s7 =	sld [smem:$0x3F8B]  }
0x1a: {  	s8 =	sadd.s32 $0xFFFFE003, lr  }
0x1b: {  	s9 =	sadd.s32 $0xFFFFFEF7, lr;
	s5 =	simm.s32 $0xFFFFFFFF;
	p2 =	slt.u32 s8, $0xFFFFF086  }
0x1c: {  	p1 =	slt.u32 s9, $0xF7A;
	s5 =	simm.s32 @!p2 $0x0  }
0x1d: {  	s5 =	simm.s32 @p1 $0x1;
	p0 =	seq.s32 s7, s2  }
0x1e: {  	s7 =	smul.u32 @!p0 $0xF7A, s2;
	p2 =	seq.s32 @!p0 s5, $0x0  }
0x1f: {  	s9 =	smul.u32 $0xF7A, s1;
	s8 =	simm.s32 @!p0 $0x1BF5;
	p2 =	por !p2, p0  }
0x20: {  	[sflag:s8] =	ssyncset.s32 @!p0 $0xFFFFF086;
	s6 =	sadd.s32 @!p0 s3, s7;
	s7 =	simm.s32 @!p0 $0x108  }
0x21: {  	s3 =	sadd.s32 s3, s9;
	s6 =	sadd.s32 @!p0 $0x88, s6;
	s7 =	simm.s32 @p2 $0x1082  }
0x22: {  	[simem:s7], [sflag:s8] =	dma.local @!p0 [hbm:s6], $0xF7A  }
0x23: {  	s9 =	sor.u32 $0xD0000000, s2;
	s6 =	simm.s32 $0x108;
	_ =	swait.ge @!p0 [sflag:s8], $0x0  }
0x24: {  	s3 =	sadd.s32 $0x88, s3;
	s6 =	simm.s32 @!p1 $0x1082;
	[sflag:s4] =	ssyncset.s32 $0xFFFFF086  }
0x25: {  	[simem:s6], [sflag:s4] =	dma.local [hbm:s3], $0xF7A  }
0x26: {  	[smem:$0x3F8B] =	sst s1;
	(tag) =	ssettag s2;
	_ =	strace s9  }
0x27: {  	s1 =	sld [smem:$0x3F9B]  }
0x28: {  	s2 =	sld [smem:$0x3F9C]  }
0x29: {  	s4 =	sld [smem:$0x3F9E]  }
0x2a: {  	p0 =	seq.s32 s5, $0x0;
	s5 =	sld [smem:$0x3F9F]  }
0x2b: {  	s6 =	sld [smem:$0x3FA0]  }
0x2c: {  	s7 =	sld [smem:$0x3FA1]  }
0x2d: {  	s3 =	simm.s32 $0x108;
	s8 =	sld [smem:$0x3FA2]  }
0x2e: {  	s3 =	simm.s32 @!p0 $0x1082;
	s9 =	sld [smem:$0x3FA3]  }
0x2f: {  	lr =	sadd.s32 s0, s3;
	s0 =	sld [smem:$0x3F9A]  }
0x30: {  	s3 =	sld [smem:$0x3F9D]  }
0x31: {  	[smem:$0x3FA6] =	sst s10  }
0x32: {  	s10 =	sld [smem:$0x3FA4];
	_ =	sdelay $0x3  }
0x33: {  	p0 =	seq.s32 s10, $0x1;
	s10 =	sld [smem:$0x3FA6];
	_ =	sdelay $0x3  }
0x34: {  	[smem:$0x3FA6] =	sst s10  }
0x35: {  	s10 =	sld [smem:$0x3FA5];
	_ =	sdelay $0x3  }
0x36: {  	p1 =	seq.s32 s10, $0x1;
	s10 =	sld [smem:$0x3FA6];
	_ =	sdelay $0x3  }
0x37: {  	[smem:$0x3FA6] =	sst s10  }
0x38: {  	s10 =	sld [smem:$0x3FA7]  }
0x39: {  	_ = 	snop;
	(pc) =	sbr.ind lr, $3  }
0x3a: {  	_ = 	snop  }
0x3b: {  	_ = 	snop  }
0x3c: {  	p2 =	seq.s32 s10, $0x1;
	s10 =	sld [smem:$0x3FA6]  }
0x3d: {  	_ =	shalt  }
0x3e: {  	_ =	shalt  }
0x3f: {  	_ =	shalt  }
0x40: {  	_ =	shalt  }
0x41: {  	_ =	shalt  }
0x42: {  	_ =	shalt  }
0x43: {  	_ =	shalt  }
0x44: {  	_ =	shalt  }
0x45: {  	_ =	shalt  }
0x46: {  	_ =	shalt  }
0x47: {  	_ =	shalt  }
0x48: {  	_ =	shalt  }
0x49: {  	_ =	shalt  }
0x4a: {  	_ =	shalt  }
0x4b: {  	_ =	shalt  }
0x4c: {  	_ =	shalt  }
0x4d: {  	_ =	shalt  }
0x4e: {  	_ =	shalt  }
0x4f: {  	_ =	shalt  }
0x50: {  	_ =	shalt  }
0x51: {  	_ =	shalt  }
0x52: {  	_ =	shalt  }
0x53: {  	_ =	shalt  }
0x54: {  	_ =	shalt  }
0x55: {  	_ =	shalt  }
0x56: {  	_ =	shalt  }
0x57: {  	_ =	shalt  }
0x58: {  	_ =	shalt  }
0x59: {  	_ =	shalt  }
0x5a: {  	_ =	shalt  }
0x5b: {  	_ =	shalt  }
0x5c: {  	_ =	shalt  }
0x5d: {  	_ =	shalt  }
0x5e: {  	_ =	shalt  }
0x5f: {  	_ =	shalt  }
0x60: {  	_ =	shalt  }
0x61: {  	_ =	shalt  }
0x62: {  	_ =	shalt  }
0x63: {  	_ =	shalt  }
0x64: {  	_ =	shalt  }
0x65: {  	_ =	shalt  }
0x66: {  	_ =	shalt  }
0x67: {  	_ =	shalt  }
0x68: {  	_ =	shalt  }
0x69: {  	_ =	shalt  }
0x6a: {  	_ =	shalt  }
0x6b: {  	_ =	shalt  }
0x6c: {  	_ =	shalt  }
0x6d: {  	_ =	shalt  }
0x6e: {  	_ =	shalt  }
0x6f: {  	_ =	shalt  }
0x70: {  	_ =	shalt  }
0x71: {  	_ =	shalt  }
0x72: {  	_ =	shalt  }
0x73: {  	_ =	shalt  }
0x74: {  	_ =	shalt  }
0x75: {  	_ =	shalt  }
0x76: {  	_ =	shalt  }
0x77: {  	_ =	shalt  }
0x78: {  	_ =	shalt  }
0x79: {  	_ =	shalt  }
0x7a: {  	_ =	shalt  }
0x7b: {  	_ =	shalt  }
0x7c: {  	_ =	shalt  }
0x7d: {  	_ =	shalt  }
0x7e: {  	_ =	shalt  }
0x7f: {  	_ =	shalt  }
0x80: {  	_ =	shalt  }
0x81: {  	_ =	shalt  }
0x82: {  	_ =	shalt  }
0x83: {  	_ =	shalt  }
0x84: {  	_ =	shalt  }
0x85: {  	_ =	shalt  }
0x86: {  	_ =	shalt  }
0x87: {  	_ =	shalt  }
.Lfunc_end0:
.L_simem_size_0:
called_computation_lowered:
.L_overlay_start_0:
0x88: {  	s2 =	sld [smem:$0x3FD9]  }
0x89: {  	s3 =	sld [smem:$0x3FFE];
	_ =	sdelay $0x1  }
0x8a: {  	s1 =	srdreg.scid  }
0x8b: {  	s0 =	sand.u32 $0x1, s1  }
0x8c: {  	s14 =	sshll.u32 s0, $0xA;
	s2 =	sadd.s32 s3, s2  }
0x8d: {  	s2 =	sadd.s32 s2, s14  }
0x8e: {  	[smem:$0x3FB2] =	sst s2  }
0x8f: {  	_ = 	snop  }
0x90: {  	s2 =	sld [smem:$0x3FD0];
	_ =	sdelay $0x2  }
0x91: {  	s15 =	simm.s32 $0xA;
	s4 =	simm.s32 $0x10  }
0x92: {  	[smem:s4], [sflag:s15] =	dma.local [hbm:s2], $0x1  }
0x93: {  	_ =	swait.eq [sflag:s15], $0x1  }
0x94: {  	[sflag:s15] =	ssyncset.done $0x0  }
0x95: {  	[sflag:s15] =	ssyncadd.s32 $0xFFFFFFFF  }
0x96: {  	s16 =	sld [smem:$0x10];
	(tm) =	ssettm $0x1  }
0x97: {  	s17 =	sld [smem:$0x3FFB];
	_ =	sdelay $0x3  }
0x98: {  	_ =	strace s17  }
0x99: {  	s3 =	sld [smem:$0x3FFC];
	_ =	sdelay $0x3  }
0x9a: {  	_ =	strace s3  }
0x9b: {  	s3 =	sld [smem:$0x3FFD];
	_ =	sdelay $0x3  }
0x9c: {  	_ =	strace s3  }
0x9d: {  	_ =	strace $0x8FFFFFFF  }
0x9e: {  	s18 =	sld [smem:$0x3FDB];
	_ =	sdelay $0x1  }
0x9f: {  	s19 =	simm.s32 $_scs_section_size  }
0xa0: {  	s5 =	simm.s32 $_size__tile_overlayer_lowered;
	s6 =	simm.s32 $_tile_overlayer_lowered  }
0xa1: {  	s22 =	simm.s32 $0x1BFF;
	s21 =	sshll.u32 s6, $0x1;
	s3 =	sadd.s32 s19, s18  }
0xa2: {  	s7 =	simm.s32 $0x0;
	s20 =	sshll.u32 s5, $0x1;
	s5 =	sadd.s32 s21, s3  }
0xa3: {  	[timem:s7], [sflag:s22] =	dma.local [hbm:s5], s20  }
0xa4: {  	_ =	swait.ge [sflag:s22], s20  }
0xa5: {  	s4 =	ssub.s32 $0x0, s20;
	[sflag:s22] =	ssyncset.done $0x0  }
0xa6: {  	[sflag:s22] =	ssyncadd.s32 s4;
	_ =	sdelay $0x1  }
0xa7: {  	s23 =	simm.s32 $0x1B8B  }
0xa8: {  	_ =	swait.ge [sflag:s23], $0x1  }
0xa9: {  	[sflag:s23] =	ssyncset.done $0x0  }
0xaa: {  	s25 =	simm.s32 $0x1B8E;
	s24 =	sld [smem:$0x3FFE];
	[sflag:s23] =	ssyncadd.s32 $0xFFFFFFFF  }
0xab: {  	s26 =	simm.s32 $execute0_lowered;
	[smem:$0x3FD2] =	sst s25  }
0xac: {  	s5 =	sshll.u32 s26, $0x1;
	_ =	strace $0x80000046;
	[dreg:$0x1] =	wrdreg $0xFFFFFFFF  }
0xad: {  	s28 =	simm.s32 $_size_execute0_lowered;
	s3 =	sadd.s32 s3, s5;
	[dreg:$0x0] =	wrdreg $0x0  }
0xae: {  	s5 =	sshll.u32 s28, $0x1;
	[dreg:$0x2] =	wrdreg s3  }
0xaf: {  	[dreg:$0x3] =	wrdreg s5  }
0xb0: {  	[dreg:$0x4] =	wrdreg $0xC0  }
0xb1: {  	_ =	task [dreg:s7], $0x5FFFF  }
0xb2: {  	[dreg:$0x1] =	wrdreg $0xFFFFFFFF  }
0xb3: {  	[dreg:$0x0] =	wrdreg $0x60  }
0xb4: {  	[dreg:$0x2] =	wrdreg s24  }
0xb5: {  	[dreg:$0x3] =	wrdreg s16  }
0xb6: {  	[dreg:$0x4] =	wrdreg $0x9  }
0xb7: {  	_ =	task.clear_ibuf [dreg:s7], $0x5FFFF;
	_ =	strace $0x90000046  }
0xb8: {  	s29 =	simm.s32 $0x9;
	_ =	strace $0x80000048  }
0xb9: {  	_ =	swait.ge [sflag:s29], $0x1  }
0xba: {  	[sflag:s29] =	ssyncadd.s32 $0xFFFFFFFF  }
0xbb: {  	_ =	strace $0x90000048  }
0xbc: {  	_ =	sfence  }
0xbd: {  	s30 =	sld [smem:$0x0];
	_ =	sdelay $0x2  }
0xbe: {  	s31 =	sshll.u32 s1, $0xD;
	s1 =	sshrl.u32 s1, $0x2  }
0xbf: {  	s3 =	sand.u32 $0x4000, s31;
	s1 =	sadd.s32 s1, s30  }
0xc0: {  	s0 =	sor.u32 s3, s0;
	s1 =	sshll.u32 s1, $0x11  }
0xc1: {  	s0 =	sor.u32 s1, s0  }
0xc2: {  	s0 =	sadd.s32 $0x8F2B, s0  }
0xc3: {  	[sflag:s0] =	ssyncadd.remote.s32 $0x1  }
0xc4: {  	_ =	sfence.sel $0xFFFF  }
0xc5: {  	[dreg:$0x0] =	wrdreg $0xFFFFFFFF;
	(pc) =	sbr.abs _section_cstart, $3  }
0xc6: {  	[dreg:$0x1] =	wrdreg $0xFFFFFFFF  }
0xc7: {  	_ =	task.clear_ibuf [dreg:s7], $0x2FFFF;
	_ =	strace $0x9FFFFFFF  }
0xc8: {  	(tm) =	ssettm $0x7FFFFFFF  }
0xc9: {  	_ =	shalt  }
tec
execute0_lowered:
.L_overlay_start_1:
0x0: {  	(tag) =	ssettag $0x1  }
0x1: {  	s0 =	stileid.u32  }
0x2: {  	s1 =	sshrl.u32 s0, $0x2  }
0x3: {  	s2 =	smul.u32 $0x3, s1;
	_ =	sdelay $0x1  }
0x4: {  	vm0 =	vmmov $0xffff;
	v1 =	vmov s2;
	s3 =	sadd.s32 $0x1, s2  }
0x5: {  	v2 =	vshll.u32 v1, $0x9;
	v3 =	vmov s3;
	v1 =	vshll.u32 v1, $0x7  }
0x6: {  	v2 =	vand.u32 $0x1000, v2;
	v4 =	vshll.u32 v3, $0x9;
	v3 =	vshll.u32 v3, $0x7  }
0x7: {  	s25 =	sadd.s32 $0x2, s2;
	v1 =	vand.u32 $0x380, v1;
	v4 =	vand.u32 $0x7FFFF000, v4;
	v3 =	vand.u32 $0x380, v3  }
0x8: {  	s1 =	sshll.u32 s1, $0x9;
	v1 =	vor.u32 v1, v2;
	v2 =	vor.u32 v3, v4;
	v3 =	vmov s25  }
0x9: {  	v0 =	vmov s1;
	v4 =	vshll.u32 v3, $0x9;
	v5 =	vshll.u32 v3, $0x7  }
0xa: {  	v3 =	vlaneseq.u32;
	v4 =	vand.u32 $0x7FFFF000, v4;
	v5 =	vand.u32 $0x380, v5  }
0xb: {  	v7 =	vmul.u32 $0xFFFFFFFF, v3;
	v6 =	vor.u32 $0x10, v3;
	v8 =	vor.u32 $0x20, v3  }
0xc: {  	s6 =	rddreg [dreg:$0x0];
	s7 =	srdreg.scid;
	s13 =	simm.s32 $0x80;
	v9 =	vor.u32 $0x30, v3;
	v10 =	vor.u32 $0x40, v3;
	v11 =	vor.u32 $0x50, v3  }
0xd: {  	s14 =	simm.s32 $0x400;
	s15 =	simm.s32 $0x280;
	s16 =	simm.s32 $0xA80;
	v12 =	vor.u32 $0x60, v3;
	v13 =	vor.u32 $0x70, v3;
	v14 =	vor.u32 $0x80, v3  }
0xe: {  	s17 =	simm.s32 $0x1280;
	s18 =	simm.s32 $0x1A80;
	s19 =	simm.s32 $0x2280;
	v15 =	vor.u32 $0x90, v3;
	v16 =	vor.u32 $0xA0, v3;
	v17 =	vor.u32 $0xB0, v3  }
0xf: {  	s20 =	simm.s32 $0x2A80;
	s21 =	simm.s32 $0x3280;
	s22 =	simm.s32 $0x3A80;
	v18 =	vor.u32 $0xC0, v3;
	v19 =	vor.u32 $0xD0, v3;
	v20 =	vor.u32 $0xE0, v3  }
0x10: {  	s23 =	simm.s32 $0x4280;
	s24 =	simm.s32 $0x1;
	s4 =	sadd.s32 $0x2000, s6;
	v21 =	vor.u32 $0xF0, v3;
	v22 =	vor.u32 $0x100, v3;
	v23 =	vor.u32 $0x110, v3  }
0x11: {  	s5 =	sadd.s32 $0x22000, s6;
	s8 =	sand.u32 $0x1, s7;
	s26 =	sshll.u32 s0, $0x12;
	v24 =	vor.u32 $0x120, v3;
	v25 =	vor.u32 $0x130, v3;
	v26 =	vor.u32 $0x140, v3  }
0x12: {  	s9 =	sshll.u32 s0, $0x10;
	s31 =	sshll.u32 s0, $0xD;
	s10 =	ssub.s32 $0x2, s8;
	v27 =	vor.u32 $0x150, v3;
	v28 =	vor.u32 $0x160, v3;
	v29 =	vor.u32 $0x170, v3  }
0x13: {  	s11 =	sadd.s32 s26, s6;
	s9 =	sadd.s32 s9, s6;
	s6 =	sadd.s32 $0x22100, s6;
	v30 =	vor.u32 $0x180, v3;
	v31 =	vor.u32 $0x190, v3;
	v32 =	vor.u32 $0x1A0, v3  }
0x14: {  	s29 =	sshll.u32 s8, $0xF;
	s30 =	sshll.u32 s8, $0x11;
	s12 =	sshll.u32 s8, $0xC;
	v33 =	vor.u32 $0x1B0, v3;
	v34 =	vor.u32 $0x1C0, v3;
	v35 =	vor.u32 $0x1D0, v3  }
0x15: {  	s28 =	sshrl.u32 s10, $0x1;
	s9 =	sadd.s32 s29, s9;
	s2 =	rddreg [dreg:$0x1];
	v36 =	vor.u32 $0x1E0, v3;
	v40 =	vshrl.u32 v3, $0x3;
	v37 =	vmul.u32 $0x80, v3  }
0x16: {  	s7 =	ssub.s32 s10, s28;
	s10 =	sadd.s32 s30, s11;
	s8 =	sadd.s32 $0x442000, s9;
	v38 =	vor.u32 $0x1F0, v3;
	v39 =	vand.u32 $0x7, v3;
	v41 =	vor.u32 $0x8, v3  }
0x17: {  	s11 =	simm.s32 $0x5280;
	s3 =	simm.s32 $0x0;
	s7 =	smax.u32 s7, $0x1;
	v4 =	vor.u32 v5, v4;
	v5 =	vimm.f32 $0.0e+00;
	v40 =	vmul.u32 $0x8, v40  }
0x18: {  	s9 =	sadd.s32 $0x42000, s10;
	s10 =	sor.u32 s12, s31;
	[smem:$0x7FF] =	sst s3;
	v7 =	vadd.s32 $0xF, v7;
	v42 =	vor.u32 $0x1, v37;
	v43 =	vor.u32 $0x2, v37  }
0x19: {  	s12 =	simm.s32 $0x2;
	_ =	strace $0x80000047;
	s25 =	simm.s32 $0x0;
	v44 =	vor.u32 $0x800, v37;
	v45 =	vor.u32 $0x801, v37;
	v46 =	vor.u32 $0x802, v37  }
.LBB2_1:
0x1a: {  	[tilespmem:s11], [sflag:$0x2] =	stream.linear.gather [hbm4b:s2+s3], $0x2000, $0x38;
	[tilespmem:$0x7280] =	vst v63  }
0x1b: {  	_ =	swait.ge [sflag:s12], $0x2000  }
0x1c: {  	[sflag:s12] =	ssyncset.done $0x0  }
0x1d: {  	[sflag:s12] =	ssyncadd.s32 $0xFFFFE000  }
0x1e: {  	[tilespmem:$0x4280] =	vst v5  }
0x1f: {  	[tilespmem:$0x4300] =	vst v5  }
0x20: {  	[tilespmem:$0x4380] =	vst v5  }
0x21: {  	[tilespmem:$0x4400] =	vst v5  }
0x22: {  	[tilespmem:$0x4480] =	vst v5  }
0x23: {  	[tilespmem:$0x4500] =	vst v5  }
0x24: {  	[tilespmem:$0x4580] =	vst v5  }
0x25: {  	[tilespmem:$0x4600] =	vst v5  }
0x26: {  	[tilespmem:$0x4680] =	vst v5  }
0x27: {  	[tilespmem:$0x4700] =	vst v5  }
0x28: {  	[tilespmem:$0x4780] =	vst v5  }
0x29: {  	[tilespmem:$0x4800] =	vst v5  }
0x2a: {  	[tilespmem:$0x4880] =	vst v5  }
0x2b: {  	[tilespmem:$0x4900] =	vst v5  }
0x2c: {  	[tilespmem:$0x4980] =	vst v5  }
0x2d: {  	[tilespmem:$0x4A00] =	vst v5  }
0x2e: {  	[tilespmem:$0x4A80] =	vst v5  }
0x2f: {  	[tilespmem:$0x4B00] =	vst v5  }
0x30: {  	[tilespmem:$0x4B80] =	vst v5  }
0x31: {  	[tilespmem:$0x4C00] =	vst v5  }
0x32: {  	[tilespmem:$0x4C80] =	vst v5  }
0x33: {  	[tilespmem:$0x4D00] =	vst v5  }
0x34: {  	[tilespmem:$0x4D80] =	vst v5  }
0x35: {  	[tilespmem:$0x4E00] =	vst v5  }
0x36: {  	[tilespmem:$0x4E80] =	vst v5  }
0x37: {  	[tilespmem:$0x4F00] =	vst v5  }
0x38: {  	[tilespmem:$0x4F80] =	vst v5  }
0x39: {  	[tilespmem:$0x5000] =	vst v5  }
0x3a: {  	[tilespmem:$0x5080] =	vst v5  }
0x3b: {  	[tilespmem:$0x5100] =	vst v5  }
0x3c: {  	s26 =	smov.u32 s10;
	[tilespmem:$0x5180] =	vst v5  }
0x3d: {  	s28 =	smov.u32 s9;
	s29 =	smov.u32 s8;
	s30 =	simm.s32 $0x0;
	[tilespmem:$0x5200] =	vst v5  }
.LBB2_2:
0x3e: {  	s31 =	sand.u32 $0x70, s30  }
0x3f: {  	s1 =	sand.u32 $0x1FE00, s26;
	s31 =	sadd.s32 s4, s31  }
0x40: {  	s1 =	sadd.s32 s1, s31  }
0x41: {  	[tilespmem:s3], [sflag:$0x2] =	stream.strided.gather [hbm4b:s1+s13], $0x200, s14, s13, $0x38;
	[tilespmem:$0x7280] =	vst v63  }
0x42: {  	_ =	swait.ge [sflag:s12], $0x200  }
0x43: {  	[sflag:s12] =	ssyncset.done $0x0  }
0x44: {  	[sflag:s12] =	ssyncadd.s32 $0xFFFFFE00  }
0x45: {  	v47 =	vld [tilespmem:$0x0]  }
0x46: {  	v48 =	vld [tilespmem:$0x10];
	_ =	sdelay $0x3  }
0x47: {  	(xrf1) =	vsort.ascd.msk.f32 $0xffff, v47, v3  }
0x48: {  	(xrf1) =	vsort.ascd.msk.f32 $0xffff, v48, v6;
	_ =	sdelay $0xc  }
0x49: {  	v47, v60, _ =	vpop (xrf1)  }
0x4a: {  	v49, v50, _ =	vpop (xrf1)  }
0x4b: {  	v49 =	vperm.xlane v49, v7  }
0x4c: {  	v51 =	vld [tilespmem:$0x20];
	v50 =	vperm.xlane v50, v7  }
0x4d: {  	vm1 =	vle.f32 v47, v49  }
0x4e: {  	v52 =	vsel vm1, v47, v49;
	v53 =	vsel vm1, v60, v50  }
0x4f: {  	v47 =	vsel vm1, v49, v47;
	v48 =	vsel vm1, v50, v60;
	(xrf1) =	vsort.ascd.msk.f32 $0xffff, v52, v53  }
0x50: {  	(xrf1) =	vsort.ascd.msk.f32 $0xffff, v47, v48  }
0x51: {  	(xrf1) =	vsort.ascd.msk.f32 $0xffff, v51, v8;
	_ =	sdelay $0xb  }
0x52: {  	v47, v48, _ =	vpop (xrf1)  }
0x53: {  	v61, v62, _ =	vpop (xrf1)  }
0x54: {  	v51, v63, _ =	vpop (xrf1)  }
0x55: {  	v51 =	vperm.xlane v51, v7  }
0x56: {  	v52 =	vperm.xlane v63, v7  }
0x57: {  	vm1 =	vle.f32 v61, v51  }
0x58: {  	v49 =	vsel vm1, v61, v51;
	v50 =	vsel vm1, v62, v52  }
0x59: {  	(xrf1) =	vsort.ascd.msk.f32 $0xffff, v49, v50;
	_ =	sdelay $0xd  }
0x5a: {  	v49, v50, _ =	vpop (xrf1)  }
0x5b: {  	v49 =	vperm.xlane v49, v7  }
0x5c: {  	v56 =	vld [tilespmem:$0x30];
	v50 =	vperm.xlane v50, v7  }
0x5d: {  	vm1 =	vle.f32 v47, v49  }
0x5e: {  	v57 =	vsel vm1, v47, v49;
	v58 =	vsel vm1, v48, v50  }
0x5f: {  	v47 =	vsel vm1, v49, v47;
	v48 =	vsel vm1, v50, v48;
	(xrf1) =	vsort.ascd.msk.f32 $0xffff, v57, v58  }
0x60: {  	(xrf1) =	vsort.ascd.msk.f32 $0xffff, v47, v48  }
0x61: {  	(xrf1) =	vsort.ascd.msk.f32 $0xffff, v56, v9;
	_ =	sdelay $0xb  }
0x62: {  	v47, v48, _ =	vpop (xrf1)  }
0x63: {  	v59, v60, _ =	vpop (xrf1)  }
0x64: {  	v51, v61, _ =	vpop (xrf1)  }
0x65: {  	v51 =	vperm.xlane v51, v7  }
0x66: {  	v52 =	vperm.xlane v61, v7  }
0x67: {  	vm1 =	vle.f32 v59, v51  }
0x68: {  	v49 =	vsel vm1, v59, v51;
	v50 =	vsel vm1, v60, v52  }
0x69: {  	(xrf1) =	vsort.ascd.msk.f32 $0xffff, v49, v50;
	_ =	sdelay $0xd  }
0x6a: {  	v49, v50, _ =	vpop (xrf1)  }
0x6b: {  	v49 =	vperm.xlane v49, v7  }
0x6c: {  	v62 =	vld [tilespmem:$0x40];
	v50 =	vperm.xlane v50, v7  }
0x6d: {  	vm1 =	vle.f32 v47, v49  }
0x6e: {  	v63 =	vsel vm1, v47, v49;
	v56 =	vsel vm1, v48, v50  }
0x6f: {  	v47 =	vsel vm1, v49, v47;
	v48 =	vsel vm1, v50, v48;
	(xrf1) =	vsort.ascd.msk.f32 $0xffff, v63, v56  }
0x70: {  	(xrf1) =	vsort.ascd.msk.f32 $0xffff, v47, v48  }
0x71: {  	(xrf1) =	vsort.ascd.msk.f32 $0xffff, v62, v10;
	_ =	sdelay $0xb  }
0x72: {  	v47, v48, _ =	vpop (xrf1)  }
0x73: {  	v57, v58, _ =	vpop (xrf1)  }
0x74: {  	v51, v59, _ =	vpop (xrf1)  }
0x75: {  	v51 =	vperm.xlane v51, v7  }
0x76: {  	v52 =	vperm.xlane v59, v7  }
0x77: {  	vm1 =	vle.f32 v57, v51  }
0x78: {  	v49 =	vsel vm1, v57, v51;
	v50 =	vsel vm1, v58, v52  }
0x79: {  	(xrf1) =	vsort.ascd.msk.f32 $0xffff, v49, v50;
	_ =	sdelay $0xd  }
0x7a: {  	v49, v50, _ =	vpop (xrf1)  }
0x7b: {  	v49 =	vperm.xlane v49, v7  }
0x7c: {  	v60 =	vld [tilespmem:$0x50];
	v50 =	vperm.xlane v50, v7  }
0x7d: {  	vm1 =	vle.f32 v47, v49  }
0x7e: {  	v61 =	vsel vm1, v47, v49;
	v62 =	vsel vm1, v48, v50  }
0x7f: {  	v47 =	vsel vm1, v49, v47;
	v48 =	vsel vm1, v50, v48;
	(xrf1) =	vsort.ascd.msk.f32 $0xffff, v61, v62  }
0x80: {  	(xrf1) =	vsort.ascd.msk.f32 $0xffff, v47, v48  }
0x81: {  	(xrf1) =	vsort.ascd.msk.f32 $0xffff, v60, v11;
	_ =	sdelay $0xb  }
0x82: {  	v47, v48, _ =	vpop (xrf1)  }
0x83: {  	v63, v56, _ =	vpop (xrf1)  }
0x84: {  	v51, v57, _ =	vpop (xrf1)  }
0x85: {  	v51 =	vperm.xlane v51, v7  }
0x86: {  	v52 =	vperm.xlane v57, v7  }
0x87: {  	vm1 =	vle.f32 v63, v51  }
0x88: {  	v49 =	vsel vm1, v63, v51;
	v50 =	vsel vm1, v56, v52  }
0x89: {  	(xrf1) =	vsort.ascd.msk.f32 $0xffff, v49, v50;
	_ =	sdelay $0xd  }
0x8a: {  	v49, v50, _ =	vpop (xrf1)  }
0x8b: {  	v49 =	vperm.xlane v49, v7  }
0x8c: {  	v58 =	vld [tilespmem:$0x60];
	v50 =	vperm.xlane v50, v7  }
0x8d: {  	vm1 =	vle.f32 v47, v49  }
0x8e: {  	v59 =	vsel vm1, v47, v49;
	v60 =	vsel vm1, v48, v50  }
0x8f: {  	v47 =	vsel vm1, v49, v47;
	v48 =	vsel vm1, v50, v48;
	(xrf1) =	vsort.ascd.msk.f32 $0xffff, v59, v60  }
0x90: {  	(xrf1) =	vsort.ascd.msk.f32 $0xffff, v47, v48  }
0x91: {  	(xrf1) =	vsort.ascd.msk.f32 $0xffff, v58, v12;
	_ =	sdelay $0xb  }
0x92: {  	v47, v48, _ =	vpop (xrf1)  }
0x93: {  	v61, v62, _ =	vpop (xrf1)  }
0x94: {  	v51, v63, _ =	vpop (xrf1)  }
0x95: {  	v51 =	vperm.xlane v51, v7  }
0x96: {  	v52 =	vperm.xlane v63, v7  }
0x97: {  	vm1 =	vle.f32 v61, v51  }
0x98: {  	v49 =	vsel vm1, v61, v51;
	v50 =	vsel vm1, v62, v52  }
0x99: {  	(xrf1) =	vsort.ascd.msk.f32 $0xffff, v49, v50;
	_ =	sdelay $0xd  }
0x9a: {  	v49, v50, _ =	vpop (xrf1)  }
0x9b: {  	v49 =	vperm.xlane v49, v7  }
0x9c: {  	v56 =	vld [tilespmem:$0x70];
	v50 =	vperm.xlane v50, v7  }
0x9d: {  	vm1 =	vle.f32 v47, v49  }
0x9e: {  	v57 =	vsel vm1, v47, v49;
	v58 =	vsel vm1, v48, v50  }
0x9f: {  	v47 =	vsel vm1, v49, v47;
	v48 =	vsel vm1, v50, v48;
	(xrf1) =	vsort.ascd.msk.f32 $0xffff, v57, v58  }
0xa0: {  	(xrf1) =	vsort.ascd.msk.f32 $0xffff, v47, v48  }
0xa1: {  	(xrf1) =	vsort.ascd.msk.f32 $0xffff, v56, v13;
	_ =	sdelay $0xb  }
0xa2: {  	v47, v48, _ =	vpop (xrf1)  }
0xa3: {  	v59, v60, _ =	vpop (xrf1)  }
0xa4: {  	v51, v61, _ =	vpop (xrf1)  }
0xa5: {  	v51 =	vperm.xlane v51, v7  }
0xa6: {  	v52 =	vperm.xlane v61, v7  }
0xa7: {  	vm1 =	vle.f32 v59, v51  }
0xa8: {  	v49 =	vsel vm1, v59, v51;
	v50 =	vsel vm1, v60, v52  }
0xa9: {  	(xrf1) =	vsort.ascd.msk.f32 $0xffff, v49, v50;
	_ =	sdelay $0xd  }
0xaa: {  	v49, v50, _ =	vpop (xrf1)  }
0xab: {  	v49 =	vperm.xlane v49, v7  }
0xac: {  	v62 =	vld [tilespmem:$0x80];
	v50 =	vperm.xlane v50, v7  }
0xad: {  	vm1 =	vle.f32 v47, v49  }
0xae: {  	v63 =	vsel vm1, v47, v49;
	v56 =	vsel vm1, v48, v50  }
0xaf: {  	v47 =	vsel vm1, v49, v47;
	v48 =	vsel vm1, v50, v48;
	(xrf1) =	vsort.ascd.msk.f32 $0xffff, v63, v56  }
0xb0: {  	(xrf1) =	vsort.ascd.msk.f32 $0xffff, v47, v48  }
0xb1: {  	(xrf1) =	vsort.ascd.msk.f32 $0xffff, v62, v14;
	_ =	sdelay $0xb  }
0xb2: {  	v47, v48, _ =	vpop (xrf1)  }
0xb3: {  	v57, v58, _ =	vpop (xrf1)  }
0xb4: {  	v51, v59, _ =	vpop (xrf1)  }
0xb5: {  	v51 =	vperm.xlane v51, v7  }
0xb6: {  	v52 =	vperm.xlane v59, v7  }
0xb7: {  	vm1 =	vle.f32 v57, v51  }
0xb8: {  	v49 =	vsel vm1, v57, v51;
	v50 =	vsel vm1, v58, v52  }
0xb9: {  	(xrf1) =	vsort.ascd.msk.f32 $0xffff, v49, v50;
	_ =	sdelay $0xd  }
0xba: {  	v49, v50, _ =	vpop (xrf1)  }
0xbb: {  	v49 =	vperm.xlane v49, v7  }
0xbc: {  	v60 =	vld [tilespmem:$0x90];
	v50 =	vperm.xlane v50, v7  }
0xbd: {  	vm1 =	vle.f32 v47, v49  }
0xbe: {  	v61 =	vsel vm1, v47, v49;
	v62 =	vsel vm1, v48, v50  }
0xbf: {  	v47 =	vsel vm1, v49, v47;
	v48 =	vsel vm1, v50, v48;
	(xrf1) =	vsort.ascd.msk.f32 $0xffff, v61, v62  }
0xc0: {  	(xrf1) =	vsort.ascd.msk.f32 $0xffff, v47, v48  }
0xc1: {  	(xrf1) =	vsort.ascd.msk.f32 $0xffff, v60, v15;
	_ =	sdelay $0xb  }
0xc2: {  	v47, v48, _ =	vpop (xrf1)  }
0xc3: {  	v63, v56, _ =	vpop (xrf1)  }
0xc4: {  	v51, v57, _ =	vpop (xrf1)  }
0xc5: {  	v51 =	vperm.xlane v51, v7  }
0xc6: {  	v52 =	vperm.xlane v57, v7  }
0xc7: {  	vm1 =	vle.f32 v63, v51  }
0xc8: {  	v49 =	vsel vm1, v63, v51;
	v50 =	vsel vm1, v56, v52  }
0xc9: {  	(xrf1) =	vsort.ascd.msk.f32 $0xffff, v49, v50;
	_ =	sdelay $0xd  }
0xca: {  	v49, v50, _ =	vpop (xrf1)  }
0xcb: {  	v49 =	vperm.xlane v49, v7  }
0xcc: {  	v58 =	vld [tilespmem:$0xA0];
	v50 =	vperm.xlane v50, v7  }
0xcd: {  	vm1 =	vle.f32 v47, v49  }
0xce: {  	v59 =	vsel vm1, v47, v49;
	v60 =	vsel vm1, v48, v50  }
0xcf: {  	v47 =	vsel vm1, v49, v47;
	v48 =	vsel vm1, v50, v48;
	(xrf1) =	vsort.ascd.msk.f32 $0xffff, v59, v60  }
0xd0: {  	(xrf1) =	vsort.ascd.msk.f32 $0xffff, v47, v48  }
0xd1: {  	(xrf1) =	vsort.ascd.msk.f32 $0xffff, v58, v16;
	_ =	sdelay $0xb  }
0xd2: {  	v47, v48, _ =	vpop (xrf1)  }
0xd3: {  	v61, v62, _ =	vpop (xrf1)  }
0xd4: {  	v51, v63, _ =	vpop (xrf1)  }
0xd5: {  	v51 =	vperm.xlane v51, v7  }
0xd6: {  	v52 =	vperm.xlane v63, v7  }
0xd7: {  	vm1 =	vle.f32 v61, v51  }
0xd8: {  	v49 =	vsel vm1, v61, v51;
	v50 =	vsel vm1, v62, v52  }
0xd9: {  	(xrf1) =	vsort.ascd.msk.f32 $0xffff, v49, v50;
	_ =	sdelay $0xd  }
0xda: {  	v49, v50, _ =	vpop (xrf1)  }
0xdb: {  	v49 =	vperm.xlane v49, v7  }
0xdc: {  	v56 =	vld [tilespmem:$0xB0];
	v50 =	vperm.xlane v50, v7  }
0xdd: {  	vm1 =	vle.f32 v47, v49  }
0xde: {  	v57 =	vsel vm1, v47, v49;
	v58 =	vsel vm1, v48, v50  }
0xdf: {  	v47 =	vsel vm1, v49, v47;
	v48 =	vsel vm1, v50, v48;
	(xrf1) =	vsort.ascd.msk.f32 $0xffff, v57, v58  }
0xe0: {  	(xrf1) =	vsort.ascd.msk.f32 $0xffff, v47, v48  }
0xe1: {  	(xrf1) =	vsort.ascd.msk.f32 $0xffff, v56, v17;
	_ =	sdelay $0xb  }
0xe2: {  	v47, v48, _ =	vpop (xrf1)  }
0xe3: {  	v59, v60, _ =	vpop (xrf1)  }
0xe4: {  	v51, v61, _ =	vpop (xrf1)  }
0xe5: {  	v51 =	vperm.xlane v51, v7  }
0xe6: {  	v52 =	vperm.xlane v61, v7  }
0xe7: {  	vm1 =	vle.f32 v59, v51  }
0xe8: {  	v49 =	vsel vm1, v59, v51;
	v50 =	vsel vm1, v60, v52  }
0xe9: {  	(xrf1) =	vsort.ascd.msk.f32 $0xffff, v49, v50;
	_ =	sdelay $0xd  }
0xea: {  	v49, v50, _ =	vpop (xrf1)  }
0xeb: {  	v49 =	vperm.xlane v49, v7  }
0xec: {  	v62 =	vld [tilespmem:$0xC0];
	v50 =	vperm.xlane v50, v7  }
0xed: {  	vm1 =	vle.f32 v47, v49  }
0xee: {  	v63 =	vsel vm1, v47, v49;
	v56 =	vsel vm1, v48, v50  }
0xef: {  	v47 =	vsel vm1, v49, v47;
	v48 =	vsel vm1, v50, v48;
	(xrf1) =	vsort.ascd.msk.f32 $0xffff, v63, v56  }
0xf0: {  	(xrf1) =	vsort.ascd.msk.f32 $0xffff, v47, v48  }
0xf1: {  	(xrf1) =	vsort.ascd.msk.f32 $0xffff, v62, v18;
	_ =	sdelay $0xb  }
0xf2: {  	v47, v48, _ =	vpop (xrf1)  }
0xf3: {  	v57, v58, _ =	vpop (xrf1)  }
0xf4: {  	v51, v59, _ =	vpop (xrf1)  }
0xf5: {  	v51 =	vperm.xlane v51, v7  }
0xf6: {  	v52 =	vperm.xlane v59, v7  }
0xf7: {  	vm1 =	vle.f32 v57, v51  }
0xf8: {  	v49 =	vsel vm1, v57, v51;
	v50 =	vsel vm1, v58, v52  }
0xf9: {  	(xrf1) =	vsort.ascd.msk.f32 $0xffff, v49, v50;
	_ =	sdelay $0xd  }
0xfa: {  	v49, v50, _ =	vpop (xrf1)  }
0xfb: {  	v49 =	vperm.xlane v49, v7  }
0xfc: {  	v60 =	vld [tilespmem:$0xD0];
	v50 =	vperm.xlane v50, v7  }
0xfd: {  	vm1 =	vle.f32 v47, v49  }
0xfe: {  	v61 =	vsel vm1, v47, v49;
	v62 =	vsel vm1, v48, v50  }
0xff: {  	v47 =	vsel vm1, v49, v47;
	v48 =	vsel vm1, v50, v48;
	(xrf1) =	vsort.ascd.msk.f32 $0xffff, v61, v62  }
0x100: {  	(xrf1) =	vsort.ascd.msk.f32 $0xffff, v47, v48  }
0x101: {  	(xrf1) =	vsort.ascd.msk.f32 $0xffff, v60, v19;
	_ =	sdelay $0xb  }
0x102: {  	v47, v48, _ =	vpop (xrf1)  }
0x103: {  	v63, v56, _ =	vpop (xrf1)  }
0x104: {  	v51, v57, _ =	vpop (xrf1)  }
0x105: {  	v51 =	vperm.xlane v51, v7  }
0x106: {  	v52 =	vperm.xlane v57, v7  }
0x107: {  	vm1 =	vle.f32 v63, v51  }
0x108: {  	v49 =	vsel vm1, v63, v51;
	v50 =	vsel vm1, v56, v52  }
0x109: {  	(xrf1) =	vsort.ascd.msk.f32 $0xffff, v49, v50;
	_ =	sdelay $0xd  }
0x10a: {  	v49, v50, _ =	vpop (xrf1)  }
0x10b: {  	v49 =	vperm.xlane v49, v7  }
0x10c: {  	v58 =	vld [tilespmem:$0xE0];
	v50 =	vperm.xlane v50, v7  }
0x10d: {  	vm1 =	vle.f32 v47, v49  }
0x10e: {  	v59 =	vsel vm1, v47, v49;
	v60 =	vsel vm1, v48, v50  }
0x10f: {  	v47 =	vsel vm1, v49, v47;
	v48 =	vsel vm1, v50, v48;
	(xrf1) =	vsort.ascd.msk.f32 $0xffff, v59, v60  }
0x110: {  	(xrf1) =	vsort.ascd.msk.f32 $0xffff, v47, v48  }
0x111: {  	(xrf1) =	vsort.ascd.msk.f32 $0xffff, v58, v20;
	_ =	sdelay $0xb  }
0x112: {  	v47, v48, _ =	vpop (xrf1)  }
0x113: {  	v61, v62, _ =	vpop (xrf1)  }
0x114: {  	v51, v63, _ =	vpop (xrf1)  }
0x115: {  	v51 =	vperm.xlane v51, v7  }
0x116: {  	v52 =	vperm.xlane v63, v7  }
0x117: {  	vm1 =	vle.f32 v61, v51  }
0x118: {  	v49 =	vsel vm1, v61, v51;
	v50 =	vsel vm1, v62, v52  }
0x119: {  	(xrf1) =	vsort.ascd.msk.f32 $0xffff, v49, v50;
	_ =	sdelay $0xd  }
0x11a: {  	v49, v50, _ =	vpop (xrf1)  }
0x11b: {  	v49 =	vperm.xlane v49, v7  }
0x11c: {  	v56 =	vld [tilespmem:$0xF0];
	v50 =	vperm.xlane v50, v7  }
0x11d: {  	vm1 =	vle.f32 v47, v49  }
0x11e: {  	v57 =	vsel vm1, v47, v49;
	v58 =	vsel vm1, v48, v50  }
0x11f: {  	v47 =	vsel vm1, v49, v47;
	v48 =	vsel vm1, v50, v48;
	(xrf1) =	vsort.ascd.msk.f32 $0xffff, v57, v58  }
0x120: {  	(xrf1) =	vsort.ascd.msk.f32 $0xffff, v47, v48  }
0x121: {  	(xrf1) =	vsort.ascd.msk.f32 $0xffff, v56, v21;
	_ =	sdelay $0xb  }
0x122: {  	v47, v48, _ =	vpop (xrf1)  }
0x123: {  	v59, v60, _ =	vpop (xrf1)  }
0x124: {  	v51, v61, _ =	vpop (xrf1)  }
0x125: {  	v51 =	vperm.xlane v51, v7  }
0x126: {  	v52 =	vperm.xlane v61, v7  }
0x127: {  	vm1 =	vle.f32 v59, v51  }
0x128: {  	v49 =	vsel vm1, v59, v51;
	v50 =	vsel vm1, v60, v52  }
0x129: {  	(xrf1) =	vsort.ascd.msk.f32 $0xffff, v49, v50;
	_ =	sdelay $0xd  }
0x12a: {  	v49, v50, _ =	vpop (xrf1)  }
0x12b: {  	v49 =	vperm.xlane v49, v7  }
0x12c: {  	v62 =	vld [tilespmem:$0x100];
	v50 =	vperm.xlane v50, v7  }
0x12d: {  	vm1 =	vle.f32 v47, v49  }
0x12e: {  	v63 =	vsel vm1, v47, v49;
	v56 =	vsel vm1, v48, v50  }
0x12f: {  	v47 =	vsel vm1, v49, v47;
	v48 =	vsel vm1, v50, v48;
	(xrf1) =	vsort.ascd.msk.f32 $0xffff, v63, v56  }
0x130: {  	(xrf1) =	vsort.ascd.msk.f32 $0xffff, v47, v48  }
0x131: {  	(xrf1) =	vsort.ascd.msk.f32 $0xffff, v62, v22;
	_ =	sdelay $0xb  }
0x132: {  	v47, v48, _ =	vpop (xrf1)  }
0x133: {  	v57, v58, _ =	vpop (xrf1)  }
0x134: {  	v51, v59, _ =	vpop (xrf1)  }
0x135: {  	v51 =	vperm.xlane v51, v7  }
0x136: {  	v52 =	vperm.xlane v59, v7  }
0x137: {  	vm1 =	vle.f32 v57, v51  }
0x138: {  	v49 =	vsel vm1, v57, v51;
	v50 =	vsel vm1, v58, v52  }
0x139: {  	(xrf1) =	vsort.ascd.msk.f32 $0xffff, v49, v50;
	_ =	sdelay $0xd  }
0x13a: {  	v49, v50, _ =	vpop (xrf1)  }
0x13b: {  	v49 =	vperm.xlane v49, v7  }
0x13c: {  	v60 =	vld [tilespmem:$0x110];
	v50 =	vperm.xlane v50, v7  }
0x13d: {  	vm1 =	vle.f32 v47, v49  }
0x13e: {  	v61 =	vsel vm1, v47, v49;
	v62 =	vsel vm1, v48, v50  }
0x13f: {  	v47 =	vsel vm1, v49, v47;
	v48 =	vsel vm1, v50, v48;
	(xrf1) =	vsort.ascd.msk.f32 $0xffff, v61, v62  }
0x140: {  	(xrf1) =	vsort.ascd.msk.f32 $0xffff, v47, v48  }
0x141: {  	(xrf1) =	vsort.ascd.msk.f32 $0xffff, v60, v23;
	_ =	sdelay $0xb  }
0x142: {  	v47, v48, _ =	vpop (xrf1)  }
0x143: {  	v63, v56, _ =	vpop (xrf1)  }
0x144: {  	v51, v57, _ =	vpop (xrf1)  }
0x145: {  	v51 =	vperm.xlane v51, v7  }
0x146: {  	v52 =	vperm.xlane v57, v7  }
0x147: {  	vm1 =	vle.f32 v63, v51  }
0x148: {  	v49 =	vsel vm1, v63, v51;
	v50 =	vsel vm1, v56, v52  }
0x149: {  	(xrf1) =	vsort.ascd.msk.f32 $0xffff, v49, v50;
	_ =	sdelay $0xd  }
0x14a: {  	v49, v50, _ =	vpop (xrf1)  }
0x14b: {  	v49 =	vperm.xlane v49, v7  }
0x14c: {  	v58 =	vld [tilespmem:$0x120];
	v50 =	vperm.xlane v50, v7  }
0x14d: {  	vm1 =	vle.f32 v47, v49  }
0x14e: {  	v59 =	vsel vm1, v47, v49;
	v60 =	vsel vm1, v48, v50  }
0x14f: {  	v47 =	vsel vm1, v49, v47;
	v48 =	vsel vm1, v50, v48;
	(xrf1) =	vsort.ascd.msk.f32 $0xffff, v59, v60  }
0x150: {  	(xrf1) =	vsort.ascd.msk.f32 $0xffff, v47, v48  }
0x151: {  	(xrf1) =	vsort.ascd.msk.f32 $0xffff, v58, v24;
	_ =	sdelay $0xb  }
0x152: {  	v47, v48, _ =	vpop (xrf1)  }
0x153: {  	v61, v62, _ =	vpop (xrf1)  }
0x154: {  	v51, v63, _ =	vpop (xrf1)  }
0x155: {  	v51 =	vperm.xlane v51, v7  }
0x156: {  	v52 =	vperm.xlane v63, v7  }
0x157: {  	vm1 =	vle.f32 v61, v51  }
0x158: {  	v49 =	vsel vm1, v61, v51;
	v50 =	vsel vm1, v62, v52  }
0x159: {  	(xrf1) =	vsort.ascd.msk.f32 $0xffff, v49, v50;
	_ =	sdelay $0xd  }
0x15a: {  	v49, v50, _ =	vpop (xrf1)  }
0x15b: {  	v49 =	vperm.xlane v49, v7  }
0x15c: {  	v56 =	vld [tilespmem:$0x130];
	v50 =	vperm.xlane v50, v7  }
0x15d: {  	vm1 =	vle.f32 v47, v49  }
0x15e: {  	v57 =	vsel vm1, v47, v49;
	v58 =	vsel vm1, v48, v50  }
0x15f: {  	v47 =	vsel vm1, v49, v47;
	v48 =	vsel vm1, v50, v48;
	(xrf1) =	vsort.ascd.msk.f32 $0xffff, v57, v58  }
0x160: {  	(xrf1) =	vsort.ascd.msk.f32 $0xffff, v47, v48  }
0x161: {  	(xrf1) =	vsort.ascd.msk.f32 $0xffff, v56, v25;
	_ =	sdelay $0xb  }
0x162: {  	v47, v48, _ =	vpop (xrf1)  }
0x163: {  	v59, v60, _ =	vpop (xrf1)  }
0x164: {  	v51, v61, _ =	vpop (xrf1)  }
0x165: {  	v51 =	vperm.xlane v51, v7  }
0x166: {  	v52 =	vperm.xlane v61, v7  }
0x167: {  	vm1 =	vle.f32 v59, v51  }
0x168: {  	v49 =	vsel vm1, v59, v51;
	v50 =	vsel vm1, v60, v52  }
0x169: {  	(xrf1) =	vsort.ascd.msk.f32 $0xffff, v49, v50;
	_ =	sdelay $0xd  }
0x16a: {  	v49, v50, _ =	vpop (xrf1)  }
0x16b: {  	v49 =	vperm.xlane v49, v7  }
0x16c: {  	v62 =	vld [tilespmem:$0x140];
	v50 =	vperm.xlane v50, v7  }
0x16d: {  	vm1 =	vle.f32 v47, v49  }
0x16e: {  	v63 =	vsel vm1, v47, v49;
	v56 =	vsel vm1, v48, v50  }
0x16f: {  	v47 =	vsel vm1, v49, v47;
	v48 =	vsel vm1, v50, v48;
	(xrf1) =	vsort.ascd.msk.f32 $0xffff, v63, v56  }
0x170: {  	(xrf1) =	vsort.ascd.msk.f32 $0xffff, v47, v48  }
0x171: {  	(xrf1) =	vsort.ascd.msk.f32 $0xffff, v62, v26;
	_ =	sdelay $0xb  }
0x172: {  	v47, v48, _ =	vpop (xrf1)  }
0x173: {  	v57, v58, _ =	vpop (xrf1)  }
0x174: {  	v51, v59, _ =	vpop (xrf1)  }
0x175: {  	v51 =	vperm.xlane v51, v7  }
0x176: {  	v52 =	vperm.xlane v59, v7  }
0x177: {  	vm1 =	vle.f32 v57, v51  }
0x178: {  	v49 =	vsel vm1, v57, v51;
	v50 =	vsel vm1, v58, v52  }
0x179: {  	(xrf1) =	vsort.ascd.msk.f32 $0xffff, v49, v50;
	_ =	sdelay $0xd  }
0x17a: {  	v49, v50, _ =	vpop (xrf1)  }
0x17b: {  	v49 =	vperm.xlane v49, v7  }
0x17c: {  	v60 =	vld [tilespmem:$0x150];
	v50 =	vperm.xlane v50, v7  }
0x17d: {  	vm1 =	vle.f32 v47, v49  }
0x17e: {  	v61 =	vsel vm1, v47, v49;
	v62 =	vsel vm1, v48, v50  }
0x17f: {  	v47 =	vsel vm1, v49, v47;
	v48 =	vsel vm1, v50, v48;
	(xrf1) =	vsort.ascd.msk.f32 $0xffff, v61, v62  }
0x180: {  	(xrf1) =	vsort.ascd.msk.f32 $0xffff, v47, v48  }
0x181: {  	(xrf1) =	vsort.ascd.msk.f32 $0xffff, v60, v27;
	_ =	sdelay $0xb  }
0x182: {  	v47, v48, _ =	vpop (xrf1)  }
0x183: {  	v63, v56, _ =	vpop (xrf1)  }
0x184: {  	v51, v57, _ =	vpop (xrf1)  }
0x185: {  	v51 =	vperm.xlane v51, v7  }
0x186: {  	v52 =	vperm.xlane v57, v7  }
0x187: {  	vm1 =	vle.f32 v63, v51  }
0x188: {  	v49 =	vsel vm1, v63, v51;
	v50 =	vsel vm1, v56, v52  }
0x189: {  	(xrf1) =	vsort.ascd.msk.f32 $0xffff, v49, v50;
	_ =	sdelay $0xd  }
0x18a: {  	v49, v50, _ =	vpop (xrf1)  }
0x18b: {  	v49 =	vperm.xlane v49, v7  }
0x18c: {  	v58 =	vld [tilespmem:$0x160];
	v50 =	vperm.xlane v50, v7  }
0x18d: {  	vm1 =	vle.f32 v47, v49  }
0x18e: {  	v59 =	vsel vm1, v47, v49;
	v60 =	vsel vm1, v48, v50  }
0x18f: {  	v47 =	vsel vm1, v49, v47;
	v48 =	vsel vm1, v50, v48;
	(xrf1) =	vsort.ascd.msk.f32 $0xffff, v59, v60  }
0x190: {  	(xrf1) =	vsort.ascd.msk.f32 $0xffff, v47, v48  }
0x191: {  	(xrf1) =	vsort.ascd.msk.f32 $0xffff, v58, v28;
	_ =	sdelay $0xb  }
0x192: {  	v47, v48, _ =	vpop (xrf1)  }
0x193: {  	v61, v62, _ =	vpop (xrf1)  }
0x194: {  	v51, v63, _ =	vpop (xrf1)  }
0x195: {  	v51 =	vperm.xlane v51, v7  }
0x196: {  	v52 =	vperm.xlane v63, v7  }
0x197: {  	vm1 =	vle.f32 v61, v51  }
0x198: {  	v49 =	vsel vm1, v61, v51;
	v50 =	vsel vm1, v62, v52  }
0x199: {  	(xrf1) =	vsort.ascd.msk.f32 $0xffff, v49, v50;
	_ =	sdelay $0xd  }
0x19a: {  	v49, v50, _ =	vpop (xrf1)  }
0x19b: {  	v49 =	vperm.xlane v49, v7  }
0x19c: {  	v56 =	vld [tilespmem:$0x170];
	v50 =	vperm.xlane v50, v7  }
0x19d: {  	vm1 =	vle.f32 v47, v49  }
0x19e: {  	v57 =	vsel vm1, v47, v49;
	v58 =	vsel vm1, v48, v50  }
0x19f: {  	v47 =	vsel vm1, v49, v47;
	v48 =	vsel vm1, v50, v48;
	(xrf1) =	vsort.ascd.msk.f32 $0xffff, v57, v58  }
0x1a0: {  	(xrf1) =	vsort.ascd.msk.f32 $0xffff, v47, v48  }
0x1a1: {  	(xrf1) =	vsort.ascd.msk.f32 $0xffff, v56, v29;
	_ =	sdelay $0xb  }
0x1a2: {  	v47, v48, _ =	vpop (xrf1)  }
0x1a3: {  	v59, v60, _ =	vpop (xrf1)  }
0x1a4: {  	v51, v61, _ =	vpop (xrf1)  }
0x1a5: {  	v51 =	vperm.xlane v51, v7  }
0x1a6: {  	v52 =	vperm.xlane v61, v7  }
0x1a7: {  	vm1 =	vle.f32 v59, v51  }
0x1a8: {  	v49 =	vsel vm1, v59, v51;
	v50 =	vsel vm1, v60, v52  }
0x1a9: {  	(xrf1) =	vsort.ascd.msk.f32 $0xffff, v49, v50;
	_ =	sdelay $0xd  }
0x1aa: {  	v49, v50, _ =	vpop (xrf1)  }
0x1ab: {  	v49 =	vperm.xlane v49, v7  }
0x1ac: {  	v62 =	vld [tilespmem:$0x180];
	v50 =	vperm.xlane v50, v7  }
0x1ad: {  	vm1 =	vle.f32 v47, v49  }
0x1ae: {  	v63 =	vsel vm1, v47, v49;
	v56 =	vsel vm1, v48, v50  }
0x1af: {  	v47 =	vsel vm1, v49, v47;
	v48 =	vsel vm1, v50, v48;
	(xrf1) =	vsort.ascd.msk.f32 $0xffff, v63, v56  }
0x1b0: {  	(xrf1) =	vsort.ascd.msk.f32 $0xffff, v47, v48  }
0x1b1: {  	(xrf1) =	vsort.ascd.msk.f32 $0xffff, v62, v30;
	_ =	sdelay $0xb  }
0x1b2: {  	v47, v48, _ =	vpop (xrf1)  }
0x1b3: {  	v57, v58, _ =	vpop (xrf1)  }
0x1b4: {  	v51, v59, _ =	vpop (xrf1)  }
0x1b5: {  	v51 =	vperm.xlane v51, v7  }
0x1b6: {  	v52 =	vperm.xlane v59, v7  }
0x1b7: {  	vm1 =	vle.f32 v57, v51  }
0x1b8: {  	v49 =	vsel vm1, v57, v51;
	v50 =	vsel vm1, v58, v52  }
0x1b9: {  	(xrf1) =	vsort.ascd.msk.f32 $0xffff, v49, v50;
	_ =	sdelay $0xd  }
0x1ba: {  	v49, v50, _ =	vpop (xrf1)  }
0x1bb: {  	v49 =	vperm.xlane v49, v7  }
0x1bc: {  	v60 =	vld [tilespmem:$0x190];
	v50 =	vperm.xlane v50, v7  }
0x1bd: {  	vm1 =	vle.f32 v47, v49  }
0x1be: {  	v61 =	vsel vm1, v47, v49;
	v62 =	vsel vm1, v48, v50  }
0x1bf: {  	v47 =	vsel vm1, v49, v47;
	v48 =	vsel vm1, v50, v48;
	(xrf1) =	vsort.ascd.msk.f32 $0xffff, v61, v62  }
0x1c0: {  	(xrf1) =	vsort.ascd.msk.f32 $0xffff, v47, v48  }
0x1c1: {  	(xrf1) =	vsort.ascd.msk.f32 $0xffff, v60, v31;
	_ =	sdelay $0xb  }
0x1c2: {  	v47, v48, _ =	vpop (xrf1)  }
0x1c3: {  	v63, v56, _ =	vpop (xrf1)  }
0x1c4: {  	v51, v57, _ =	vpop (xrf1)  }
0x1c5: {  	v51 =	vperm.xlane v51, v7  }
0x1c6: {  	v52 =	vperm.xlane v57, v7  }
0x1c7: {  	vm1 =	vle.f32 v63, v51  }
0x1c8: {  	v49 =	vsel vm1, v63, v51;
	v50 =	vsel vm1, v56, v52  }
0x1c9: {  	(xrf1) =	vsort.ascd.msk.f32 $0xffff, v49, v50;
	_ =	sdelay $0xd  }
0x1ca: {  	v49, v50, _ =	vpop (xrf1)  }
0x1cb: {  	v49 =	vperm.xlane v49, v7  }
0x1cc: {  	v58 =	vld [tilespmem:$0x1A0];
	v50 =	vperm.xlane v50, v7  }
0x1cd: {  	vm1 =	vle.f32 v47, v49  }
0x1ce: {  	v59 =	vsel vm1, v47, v49;
	v60 =	vsel vm1, v48, v50  }
0x1cf: {  	v47 =	vsel vm1, v49, v47;
	v48 =	vsel vm1, v50, v48;
	(xrf1) =	vsort.ascd.msk.f32 $0xffff, v59, v60  }
0x1d0: {  	(xrf1) =	vsort.ascd.msk.f32 $0xffff, v47, v48  }
0x1d1: {  	(xrf1) =	vsort.ascd.msk.f32 $0xffff, v58, v32;
	_ =	sdelay $0xb  }
0x1d2: {  	v47, v48, _ =	vpop (xrf1)  }
0x1d3: {  	v61, v62, _ =	vpop (xrf1)  }
0x1d4: {  	v51, v63, _ =	vpop (xrf1)  }
0x1d5: {  	v51 =	vperm.xlane v51, v7  }
0x1d6: {  	v52 =	vperm.xlane v63, v7  }
0x1d7: {  	vm1 =	vle.f32 v61, v51  }
0x1d8: {  	v49 =	vsel vm1, v61, v51;
	v50 =	vsel vm1, v62, v52  }
0x1d9: {  	(xrf1) =	vsort.ascd.msk.f32 $0xffff, v49, v50;
	_ =	sdelay $0xd  }
0x1da: {  	v49, v50, _ =	vpop (xrf1)  }
0x1db: {  	v49 =	vperm.xlane v49, v7  }
0x1dc: {  	v56 =	vld [tilespmem:$0x1B0];
	v50 =	vperm.xlane v50, v7  }
0x1dd: {  	vm1 =	vle.f32 v47, v49  }
0x1de: {  	v57 =	vsel vm1, v47, v49;
	v58 =	vsel vm1, v48, v50  }
0x1df: {  	v47 =	vsel vm1, v49, v47;
	v48 =	vsel vm1, v50, v48;
	(xrf1) =	vsort.ascd.msk.f32 $0xffff, v57, v58  }
0x1e0: {  	(xrf1) =	vsort.ascd.msk.f32 $0xffff, v47, v48  }
0x1e1: {  	(xrf1) =	vsort.ascd.msk.f32 $0xffff, v56, v33;
	_ =	sdelay $0xb  }
0x1e2: {  	v47, v48, _ =	vpop (xrf1)  }
0x1e3: {  	v59, v60, _ =	vpop (xrf1)  }
0x1e4: {  	v51, v61, _ =	vpop (xrf1)  }
0x1e5: {  	v51 =	vperm.xlane v51, v7  }
0x1e6: {  	v52 =	vperm.xlane v61, v7  }
0x1e7: {  	vm1 =	vle.f32 v59, v51  }
0x1e8: {  	v49 =	vsel vm1, v59, v51;
	v50 =	vsel vm1, v60, v52  }
0x1e9: {  	(xrf1) =	vsort.ascd.msk.f32 $0xffff, v49, v50;
	_ =	sdelay $0xd  }
0x1ea: {  	v49, v50, _ =	vpop (xrf1)  }
0x1eb: {  	v49 =	vperm.xlane v49, v7  }
0x1ec: {  	v62 =	vld [tilespmem:$0x1C0];
	v50 =	vperm.xlane v50, v7  }
0x1ed: {  	vm1 =	vle.f32 v47, v49  }
0x1ee: {  	v63 =	vsel vm1, v47, v49;
	v56 =	vsel vm1, v48, v50  }
0x1ef: {  	v47 =	vsel vm1, v49, v47;
	v48 =	vsel vm1, v50, v48;
	(xrf1) =	vsort.ascd.msk.f32 $0xffff, v63, v56  }
0x1f0: {  	(xrf1) =	vsort.ascd.msk.f32 $0xffff, v47, v48  }
0x1f1: {  	(xrf1) =	vsort.ascd.msk.f32 $0xffff, v62, v34;
	_ =	sdelay $0xb  }
0x1f2: {  	v47, v48, _ =	vpop (xrf1)  }
0x1f3: {  	v57, v58, _ =	vpop (xrf1)  }
0x1f4: {  	v51, v59, _ =	vpop (xrf1)  }
0x1f5: {  	v51 =	vperm.xlane v51, v7  }
0x1f6: {  	v52 =	vperm.xlane v59, v7  }
0x1f7: {  	vm1 =	vle.f32 v57, v51  }
0x1f8: {  	v49 =	vsel vm1, v57, v51;
	v50 =	vsel vm1, v58, v52  }
0x1f9: {  	(xrf1) =	vsort.ascd.msk.f32 $0xffff, v49, v50;
	_ =	sdelay $0xd  }
0x1fa: {  	v49, v50, _ =	vpop (xrf1)  }
0x1fb: {  	v49 =	vperm.xlane v49, v7  }
0x1fc: {  	v60 =	vld [tilespmem:$0x1D0];
	v50 =	vperm.xlane v50, v7  }
0x1fd: {  	vm1 =	vle.f32 v47, v49  }
0x1fe: {  	v61 =	vsel vm1, v47, v49;
	v62 =	vsel vm1, v48, v50  }
0x1ff: {  	v47 =	vsel vm1, v49, v47;
	v48 =	vsel vm1, v50, v48;
	(xrf1) =	vsort.ascd.msk.f32 $0xffff, v61, v62  }
0x200: {  	(xrf1) =	vsort.ascd.msk.f32 $0xffff, v47, v48  }
0x201: {  	(xrf1) =	vsort.ascd.msk.f32 $0xffff, v60, v35;
	_ =	sdelay $0xb  }
0x202: {  	v47, v48, _ =	vpop (xrf1)  }
0x203: {  	v63, v56, _ =	vpop (xrf1)  }
0x204: {  	v51, v57, _ =	vpop (xrf1)  }
0x205: {  	v51 =	vperm.xlane v51, v7  }
0x206: {  	v52 =	vperm.xlane v57, v7  }
0x207: {  	vm1 =	vle.f32 v63, v51  }
0x208: {  	v49 =	vsel vm1, v63, v51;
	v50 =	vsel vm1, v56, v52  }
0x209: {  	(xrf1) =	vsort.ascd.msk.f32 $0xffff, v49, v50;
	_ =	sdelay $0xd  }
0x20a: {  	v49, v50, _ =	vpop (xrf1)  }
0x20b: {  	v49 =	vperm.xlane v49, v7  }
0x20c: {  	v58 =	vld [tilespmem:$0x1E0];
	v50 =	vperm.xlane v50, v7  }
0x20d: {  	vm1 =	vle.f32 v47, v49  }
0x20e: {  	v59 =	vsel vm1, v47, v49;
	v60 =	vsel vm1, v48, v50  }
0x20f: {  	v47 =	vsel vm1, v49, v47;
	v48 =	vsel vm1, v50, v48;
	(xrf1) =	vsort.ascd.msk.f32 $0xffff, v59, v60  }
0x210: {  	(xrf1) =	vsort.ascd.msk.f32 $0xffff, v47, v48  }
0x211: {  	(xrf1) =	vsort.ascd.msk.f32 $0xffff, v58, v36;
	_ =	sdelay $0xb  }
0x212: {  	v47, v48, _ =	vpop (xrf1)  }
0x213: {  	v61, v62, _ =	vpop (xrf1)  }
0x214: {  	v51, v63, _ =	vpop (xrf1)  }
0x215: {  	v51 =	vperm.xlane v51, v7  }
0x216: {  	v52 =	vperm.xlane v63, v7  }
0x217: {  	vm1 =	vle.f32 v61, v51  }
0x218: {  	v49 =	vsel vm1, v61, v51;
	v50 =	vsel vm1, v62, v52  }
0x219: {  	(xrf1) =	vsort.ascd.msk.f32 $0xffff, v49, v50;
	_ =	sdelay $0xd  }
0x21a: {  	v49, v50, _ =	vpop (xrf1)  }
0x21b: {  	v49 =	vperm.xlane v49, v7  }
0x21c: {  	v56 =	vld [tilespmem:$0x1F0];
	v50 =	vperm.xlane v50, v7  }
0x21d: {  	vm1 =	vle.f32 v47, v49  }
0x21e: {  	v57 =	vsel vm1, v47, v49;
	v58 =	vsel vm1, v48, v50  }
0x21f: {  	v47 =	vsel vm1, v49, v47;
	v48 =	vsel vm1, v50, v48;
	(xrf1) =	vsort.ascd.msk.f32 $0xffff, v57, v58  }
0x220: {  	(xrf1) =	vsort.ascd.msk.f32 $0xffff, v47, v48  }
0x221: {  	(xrf1) =	vsort.ascd.msk.f32 $0xffff, v56, v38;
	_ =	sdelay $0xb  }
0x222: {  	v47, v48, _ =	vpop (xrf1)  }
0x223: {  	v59, v60, _ =	vpop (xrf1)  }
0x224: {  	v51, v61, _ =	vpop (xrf1)  }
0x225: {  	v51 =	vperm.xlane v51, v7  }
0x226: {  	v52 =	vperm.xlane v61, v7  }
0x227: {  	vm1 =	vle.f32 v59, v51  }
0x228: {  	v49 =	vsel vm1, v59, v51;
	v50 =	vsel vm1, v60, v52  }
0x229: {  	(xrf1) =	vsort.ascd.msk.f32 $0xffff, v49, v50;
	_ =	sdelay $0xd  }
0x22a: {  	v49, v50, _ =	vpop (xrf1)  }
0x22b: {  	v49 =	vperm.xlane v49, v7  }
0x22c: {  	v50 =	vperm.xlane v50, v7  }
0x22d: {  	vm1 =	vle.f32 v47, v49  }
0x22e: {  	v62 =	vsel vm1, v47, v49;
	v63 =	vsel vm1, v48, v50  }
0x22f: {  	(xrf1) =	vsort.ascd.msk.f32 $0xffff, v62, v63;
	_ =	sdelay $0x7  }
0x230: {  	v47 =	vsel vm1, v49, v47;
	v48 =	vsel vm1, v50, v48  }
0x231: {  	(xrf1) =	vsort.ascd.msk.f32 $0xffff, v47, v48;
	_ =	sdelay $0x4  }
0x232: {  	_, v55, _ =	vpop (xrf1)  }
0x233: {  	v56 =	vadd.s32 v0, v55  }
0x234: {  	v57 =	vshll.u32 v56, $0x2  }
0x235: {  	v58 =	vand.u32 $0x7, v55;
	v49 =	vand.u32 $0xFFFFFFE0, v57  }
0x236: {  	v49 =	vor.u32 v58, v49  }
0x237: {  	v50 =	vperm.xlane v49, v39;
	_ =	sdelay $0x1  }
0x238: {  	v50 =	vadd.s32 v40, v50;
	_ =	sdelay $0x1  }
0x239: {  	_, v51, _ =	vpop (xrf1);
	v49 =	vperm.xlane v49, v41  }
0x23a: {  	[tilespmem:$0x200] =	vst v56;
	v59 =	vadd.s32 v0, v51  }
0x23b: {  	[tilespmem:$0x210] =	vst v59;
	v60 =	vadd.s32 v40, v49  }
0x23c: {  	[tilespmem:s15], [sflag:$0x1] =	stream.indirect_vreg.gather [hbm4b:s5+s3], $0x80, v50, vm0, $0xb8;
	[tilespmem:$0x7280] =	vst v63  }
0x23d: {  	_ = 	snop  }
0x23e: {  	[tilespmem:s16], [sflag:$0x1] =	stream.indirect_vreg.gather [hbm4b:s6+s3], $0x80, v50, vm0, $0xb8;
	[tilespmem:$0x7280] =	vst v63  }
0x23f: {  	_ = 	snop  }
0x240: {  	[tilespmem:s17], [sflag:$0x1] =	stream.indirect_vreg.gather [hbm4b:s5+s3], $0x80, v60, vm0, $0xb8;
	[tilespmem:$0x7280] =	vst v63  }
0x241: {  	_ = 	snop  }
0x242: {  	[tilespmem:s18], [sflag:$0x1] =	stream.indirect_vreg.gather [hbm4b:s6+s3], $0x80, v60, vm0, $0xb8;
	[tilespmem:$0x7280] =	vst v63  }
0x243: {  	v48 =	vld [tilespmem:$0x210];
	_ =	sdelay $0x4  }
0x244: {  	v61 =	vshll.u32 v48, $0x2  }
0x245: {  	v48 =	vand.u32 $0x7, v48;
	v49 =	vand.u32 $0xFFFFFFE0, v61  }
0x246: {  	v48 =	vor.u32 v48, v49  }
0x247: {  	v49 =	vperm.xlane v48, v39;
	_ =	sdelay $0x1  }
0x248: {  	v49 =	vadd.s32 v40, v49;
	_ =	sdelay $0x1  }
0x249: {  	v48 =	vperm.xlane v48, v41;
	_ =	sdelay $0x1  }
0x24a: {  	v62 =	vshll.u32 v55, $0x3;
	v48 =	vadd.s32 v40, v48  }
0x24b: {  	v50 =	vand.u32 $0xFFFFFC00, v62;
	[tilespmem:s19], [sflag:$0x1] =	stream.indirect_vreg.gather [hbm4b:s5+s3], $0x80, v49, vm0, $0xb8;
	[tilespmem:$0x7280] =	vst v63  }
0x24c: {  	v47 =	vand.u32 $0x7F, v55;
	v63 =	vadd.s32 v1, v50  }
0x24d: {  	v56 =	vor.u32 v47, v63;
	[tilespmem:s20], [sflag:$0x1] =	stream.indirect_vreg.gather [hbm4b:s6+s3], $0x80, v49, vm0, $0xb8;
	[tilespmem:$0x7280] =	vst v63  }
0x24e: {  	_ = 	snop  }
0x24f: {  	[tilespmem:s21], [sflag:$0x1] =	stream.indirect_vreg.gather [hbm4b:s5+s3], $0x80, v48, vm0, $0xb8;
	[tilespmem:$0x7280] =	vst v63  }
0x250: {  	_ = 	snop  }
0x251: {  	[tilespmem:s22], [sflag:$0x1] =	stream.indirect_vreg.gather [hbm4b:s6+s3], $0x80, v48, vm0, $0xb8;
	[tilespmem:$0x7280] =	vst v63  }
0x252: {  	v57 =	vadd.s32 v2, v50;
	v48 =	vld.idx.msk [tilespmem:v56+s11+$0x0], $0xffff  }
0x253: {  	v49 =	vor.u32 v47, v57;
	_ =	sdelay $0x3  }
0x254: {  	[tilespmem:v37+s23+$0x0] =	vst.idx.msk $0xffff, v48  }
0x255: {  	v58 =	vadd.s32 v4, v50;
	v48 =	vld.idx.msk [tilespmem:v49+s11+$0x0], $0xffff  }
0x256: {  	v47 =	vor.u32 v47, v58;
	_ =	sdelay $0x2  }
0x257: {  	v59 =	vshll.u32 v51, $0x3  }
0x258: {  	v60 =	vand.u32 $0xFFFFFC00, v59;
	[tilespmem:v42+s23+$0x0] =	vst.idx.msk $0xffff, v48  }
0x259: {  	v62 =	vadd.s32 v1, v60;
	v61 =	vand.u32 $0x7F, v51;
	v47 =	vld.idx.msk [tilespmem:v47+s11+$0x0], $0xffff  }
0x25a: {  	v50 =	vor.u32 v61, v62;
	_ =	sdelay $0x3  }
0x25b: {  	[tilespmem:v43+s23+$0x0] =	vst.idx.msk $0xffff, v47  }
0x25c: {  	v63 =	vadd.s32 v2, v60;
	v47 =	vld.idx.msk [tilespmem:v50+s11+$0x0], $0xffff  }
0x25d: {  	v50 =	vor.u32 v61, v63;
	_ =	sdelay $0x3  }
0x25e: {  	[tilespmem:v44+s23+$0x0] =	vst.idx.msk $0xffff, v47  }
0x25f: {  	v48 =	vadd.s32 v4, v60;
	v47 =	vld.idx.msk [tilespmem:v50+s11+$0x0], $0xffff  }
0x260: {  	v48 =	vor.u32 v61, v48;
	_ =	sdelay $0x3  }
0x261: {  	[tilespmem:v45+s23+$0x0] =	vst.idx.msk $0xffff, v47  }
0x262: {  	v47 =	vld.idx.msk [tilespmem:v48+s11+$0x0], $0xffff;
	_ =	sdelay $0x4  }
0x263: {  	[tilespmem:v46+s23+$0x0] =	vst.idx.msk $0xffff, v47  }
0x264: {  	_ =	swait.ge [sflag:s24], $0x4000  }
0x265: {  	[sflag:s24] =	ssyncset.done $0x0  }
0x266: {  	[sflag:s24] =	ssyncadd.s32 $0xFFFFC000  }
0x267: {  	[hbm4b:s28+s3] =	stream.linear.scatter [tilespmem:s15], [sflag:$0x2], $0x4000, $0x38;
	[tilespmem:$0x7280] =	vst v63  }
0x268: {  	_ =	swait.ge [sflag:s12], $0x4000  }
0x269: {  	p0 =	sne.s32 s30, $0x3F0;
	[sflag:s12] =	ssyncset.done $0x0  }
.Ltmp0:
0x26a: {  	[sflag:s12] =	ssyncadd.s32 $0xFFFFC000;
	(pc) =	sbr.rel @p0 .LBB2_2-.Ltmp0, $4  }
0x26b: {  	[hbm4b:s29+s3] =	stream.linear.scatter [tilespmem:s23], [sflag:$0x2], $0x1000, $0x38;
	[tilespmem:$0x7280] =	vst v63  }
0x26c: {  	_ =	swait.ge [sflag:s12], $0x1000  }
0x26d: {  	s26 =	sadd.s32 $0x40, s26;
	s30 =	sadd.s32 $0x10, s30;
	[sflag:s12] =	ssyncset.done $0x0  }
0x26e: {  	s28 =	sadd.s32 $0x800, s28;
	s29 =	sadd.s32 $0x200, s29;
	[sflag:s12] =	ssyncadd.s32 $0xFFFFF000  }
0x26f: {  	s25 =	sadd.s32 $0x1, s25  }
0x270: {  	p0 =	sne.s32 s25, s7  }
.Ltmp1:
0x271: {  	_ = 	snop;
	(pc) =	sbr.rel @p0 .LBB2_1-.Ltmp1, $1  }
0x272: {  	_ =	sdelay $0x3  }
0x273: {  	_ =	sfence.sel $0x180000  }
0x274: {  	[bflag:$0x0] =	sbarrier.arrive $0xFFFF  }
0x275: {  	_ =	strace $0x90000047  }
0x276: {  	[bflag:$0x2] =	sbarrier.arrive $0xFFFF  }
0x277: {  	p0 =	sne.s32 s0, $0x0;
	s0 =	rddreg [dreg:$0x2]  }
0x278: {  	s0 =	sadd.s32 @!p0 $0x100000, s0  }
0x279: {  	[sflag:s0] =	ssyncadd.tile.s32 @!p0 $0x1;
	_ =	shalt  }
.Lfunc_end2:
_tile_overlayer_lowered:
.L_overlay_start_2:
0x27a: {  	(tag) =	ssettag $0x2  }
0x27b: {  	s0 =	rddreg [dreg:$0x0];
	s2 =	stileid.u32  }
0x27c: {  	s1 =	rddreg [dreg:$0x1];
	p0 =	sne.s32 s2, $0x0  }
0x27d: {  	s3 =	rddreg [dreg:$0x2];
	[bflag:$0x3] =	sbarrier.arrive $0xFFFF;
	s2 =	simm.s32 @!p0 $0x1C02  }
0x27e: {  	[timem:s3], [sflag:s2] =	dma.local @!p0 [hbm:s0], s1  }
0x27f: {  	s0 =	simm.s32 @!p0 $0x2  }
0x280: {  	_ =	swait.ge @!p0 [sflag:s0], s1  }
0x281: {  	s1 =	ssub.s32 @!p0 $0x0, s1;
	[sflag:s0] =	ssyncset.done @!p0 $0x0  }
0x282: {  	[sflag:s0] =	ssyncadd.s32 @!p0 s1  }
0x283: {  	[bflag:$0x3] =	sbarrier.arrive $0xFFFF  }
0x284: {  	_ =	shalt  }

</sc_bundles>
